<compile_context>
chip_gen: v7x
topology: tpu7x:2x2x1
jax: 0.10.2.dev20260603
libtpu: 0.0.44.dev20260713+nightly
codegen_flags: <defaults>
</compile_context>

<pallas_src>
import functools

import jax
import jax.numpy as jnp
from jax import lax
from jax.experimental import pallas as pl
from jax.experimental.pallas import tpu as pltpu
from jax.experimental.pallas import tpu_sc as plsc

N = 10000
D = 256
HALF = 128
E = 160000
NC = 2
NS = 16
CHUNK = 80
NBUF = 2
NSLAB = 2
EPAD = 163840
PROP_CHUNKS = EPAD // NS // CHUNK
PSLAB = PROP_CHUNKS // NSLAB
DEG_CHUNKS = EPAD // NC // NS // CHUNK
ACC_ROWS = 10112
ZROWS = ACC_ROWS // NS

_MESH = plsc.VectorSubcoreMesh(
    core_axis_name="c", subcore_axis_name="s", num_cores=NC, num_subcores=NS)



@functools.partial(
    pl.kernel,
    out_type=jax.ShapeDtypeStruct((NC, ACC_ROWS, HALF), jnp.float32),
    mesh=_MESH,
    scratch_types=[
        pltpu.VMEM((DEG_CHUNKS, CHUNK), jnp.int32),
        pltpu.VMEM((CHUNK, HALF), jnp.float32),
        pltpu.VMEM_SHARED((ACC_ROWS, HALF), jnp.float32),
    ],
)
def _deg_kernel(col_hbm, ones_hbm, zero_hbm, out_hbm, colv, onesv, acc):
    cid = lax.axis_index("c")
    sid = lax.axis_index("s")
    pltpu.sync_copy(col_hbm.at[cid].at[sid], colv)
    pltpu.sync_copy(ones_hbm, onesv)
    pltpu.sync_copy(zero_hbm, acc.at[pl.ds(sid * ZROWS, ZROWS)])
    plsc.subcore_barrier()

    def body(j, _):
        pltpu.sync_copy(onesv, acc.at[colv.at[j]], add=True)
        return _

    lax.fori_loop(0, DEG_CHUNKS, body, None)
    plsc.subcore_barrier()
    pltpu.sync_copy(acc.at[pl.ds(sid * ZROWS, ZROWS)],
                    out_hbm.at[cid].at[pl.ds(sid * ZROWS, ZROWS)])


@functools.partial(
    pl.kernel,
    out_type=jax.ShapeDtypeStruct((NC, ACC_ROWS, HALF), jnp.float32),
    mesh=_MESH,
    scratch_types=(
        [pltpu.VMEM((PSLAB, CHUNK), jnp.int32),
         pltpu.VMEM((PSLAB, CHUNK), jnp.int32)]
        + [pltpu.VMEM((CHUNK, HALF), jnp.float32) for _ in range(NBUF)]
        + [pltpu.VMEM_SHARED((ACC_ROWS, HALF), jnp.float32)]
        + [pltpu.SemaphoreType.DMA for _ in range(NBUF)]
    ),
)
def _prop_kernel(row_hbm, col_hbm, y_hbm, zero_hbm, out_hbm,
                 rowv, colv, *rest):
    bufs = rest[:NBUF]
    acc = rest[NBUF]
    sems = rest[NBUF + 1:]
    cid = lax.axis_index("c")
    sid = lax.axis_index("s")
    pltpu.sync_copy(zero_hbm, acc.at[pl.ds(sid * ZROWS, ZROWS)])
    plsc.subcore_barrier()

    def gather(j, b):
        pltpu.async_copy(y_hbm.at[cid].at[rowv.at[j]], bufs[b], sems[b])

    def gwait(b):
        pltpu.make_async_copy(y_hbm.at[cid].at[pl.ds(0, CHUNK)],
                              bufs[b], sems[b]).wait()

    def slab(q, _):
        pltpu.sync_copy(row_hbm.at[sid].at[q], rowv)
        pltpu.sync_copy(col_hbm.at[sid].at[q], colv)
        for b in range(NBUF):
            gather(b, b)

        def body(g, _):
            for b in range(NBUF):
                j = g * NBUF + b
                gwait(b)
                pltpu.sync_copy(bufs[b], acc.at[colv.at[j]], add=True)

                @pl.when(g < PSLAB // NBUF - 1)
                def _pf():
                    gather(j + NBUF, b)
            return _

        lax.fori_loop(0, PSLAB // NBUF, body, None)
        return _

    lax.fori_loop(0, NSLAB, slab, None)
    plsc.subcore_barrier()
    pltpu.sync_copy(acc.at[pl.ds(sid * ZROWS, ZROWS)],
                    out_hbm.at[cid].at[pl.ds(sid * ZROWS, ZROWS)])



_BLK = 2000
_GRID = N // _BLK


def _dis(degA, degB):
    return lax.rsqrt(degA[...] + degB[...] + 1.0)


def _tc1_body(degA, degB, x, W1, y_out):
    dis = _dis(degA, degB)
    z = jnp.dot(x[...], W1[...], preferred_element_type=jnp.float32)
    y = dis * z
    y_out[0] = y[:, :HALF]
    y_out[1] = y[:, HALF:]


def _tc_mid_body(degA, degB, s, y, W, b, y_out):
    dis = _dis(degA, degB)
    s_cat = jnp.concatenate([s[0], s[1]], axis=1)
    y_cat = jnp.concatenate([y[0], y[1]], axis=1)
    h = jax.nn.relu(dis * (s_cat + y_cat) + b[...])
    z = jnp.dot(h, W[...], preferred_element_type=jnp.float32)
    yn = dis * z
    y_out[0] = yn[:, :HALF]
    y_out[1] = yn[:, HALF:]


def _tc3_body(degA, degB, s, y, b, Wmu, Wls, y_out):
    dis = _dis(degA, degB)
    s_cat = jnp.concatenate([s[0], s[1]], axis=1)
    y_cat = jnp.concatenate([y[0], y[1]], axis=1)
    h = jax.nn.relu(dis * (s_cat + y_cat) + b[...])
    W = jnp.concatenate([Wmu[...], Wls[...]], axis=1)
    z = jnp.dot(h, W, preferred_element_type=jnp.float32)
    yn = dis * z
    y_out[0] = yn[:, :HALF]
    y_out[1] = yn[:, HALF:]


def _tc4_body(degA, degB, s, y, bmu, bls, mu_out, ls_out):
    dis = _dis(degA, degB)
    mu_out[...] = dis * (s[0] + y[0]) + bmu[...]
    ls_out[...] = dis * (s[1] + y[1]) + bls[...]


def _deg_spec():
    return pl.BlockSpec((_BLK, 1), lambda i: (i, 0))


def _half_spec():
    return pl.BlockSpec((NC, _BLK, HALF), lambda i: (0, i, 0))


def _full_spec(rows, cols):
    return pl.BlockSpec((rows, cols), lambda i: (0, 0))


def _tc1(degA, degB, x, W1):
    return pl.pallas_call(
        _tc1_body,
        grid=(_GRID,),
        in_specs=[_deg_spec(), _deg_spec(),
                  pl.BlockSpec((_BLK, D), lambda i: (i, 0)),
                  _full_spec(D, D)],
        out_specs=_half_spec(),
        out_shape=jax.ShapeDtypeStruct((NC, N, HALF), jnp.float32),
    )(degA, degB, x, W1)


def _tc_mid(degA, degB, s, y, W, b):
    return pl.pallas_call(
        _tc_mid_body,
        grid=(_GRID,),
        in_specs=[_deg_spec(), _deg_spec(), _half_spec(), _half_spec(),
                  _full_spec(D, D), _full_spec(1, D)],
        out_specs=_half_spec(),
        out_shape=jax.ShapeDtypeStruct((NC, N, HALF), jnp.float32),
    )(degA, degB, s, y, W, b)


def _tc3(degA, degB, s, y, b, Wmu, Wls):
    return pl.pallas_call(
        _tc3_body,
        grid=(_GRID,),
        in_specs=[_deg_spec(), _deg_spec(), _half_spec(), _half_spec(),
                  _full_spec(1, D), _full_spec(D, HALF), _full_spec(D, HALF)],
        out_specs=_half_spec(),
        out_shape=jax.ShapeDtypeStruct((NC, N, HALF), jnp.float32),
    )(degA, degB, s, y, b, Wmu, Wls)


def _tc4(degA, degB, s, y, bmu, bls):
    blk = pl.BlockSpec((_BLK, HALF), lambda i: (i, 0))
    return pl.pallas_call(
        _tc4_body,
        grid=(_GRID,),
        in_specs=[_deg_spec(), _deg_spec(), _half_spec(), _half_spec(),
                  _full_spec(1, HALF), _full_spec(1, HALF)],
        out_specs=[blk, blk],
        out_shape=[jax.ShapeDtypeStruct((N, HALF), jnp.float32),
                   jax.ShapeDtypeStruct((N, HALF), jnp.float32)],
    )(degA, degB, s, y, bmu, bls)



def kernel(x, edge_index, W1, b1, W2, b2, Wmu, bmu, Wls, bls):
    ei = edge_index.astype(jnp.int32)
    npad = EPAD - E
    row = jnp.concatenate([ei[0], jnp.zeros((npad,), jnp.int32)])
    col = jnp.concatenate([ei[1], jnp.full((npad,), N, jnp.int32)])
    row_prop = row.reshape(NS, NSLAB, PSLAB, CHUNK)
    col_prop = col.reshape(NS, NSLAB, PSLAB, CHUNK)
    col_deg = col.reshape(NC, NS, DEG_CHUNKS, CHUNK)

    onesH = jnp.ones((CHUNK, HALF), jnp.float32)
    zeroH = jnp.zeros((ZROWS, HALF), jnp.float32)

    deg_out = _deg_kernel(col_deg, onesH, zeroH)
    degA = deg_out[0, :N, :1]
    degB = deg_out[1, :N, :1]

    b1r = b1.reshape(1, D)
    b2r = b2.reshape(1, D)
    bmur = bmu.reshape(1, HALF)
    blsr = bls.reshape(1, HALF)

    y1 = _tc1(degA, degB, x, W1)
    s1 = _prop_kernel(row_prop, col_prop, y1, zeroH)[:, :N, :]
    y2 = _tc_mid(degA, degB, s1, y1, W2, b1r)
    s2 = _prop_kernel(row_prop, col_prop, y2, zeroH)[:, :N, :]
    y3 = _tc3(degA, degB, s2, y2, b2r, Wmu, Wls)
    s3 = _prop_kernel(row_prop, col_prop, y3, zeroH)[:, :N, :]
    mu, logstd = _tc4(degA, degB, s3, y3, bmur, blsr)
    return (mu, logstd)

# --- scband reference (transcript-rebuilt; emitter-appended) ---
"""Pipeline reference for scband-variational-encoder-6983616824268 (READ-ONLY COPY).

The authoritative reference and input builder live on the scoring server;
editing this copy changes nothing except your own understanding.
"""

import jax, jax.numpy as jnp
import numpy as np

N_NODES = 10000
IN_CH = 256
OUT_CH = 128
HID = 2 * OUT_CH  # 256
N_EDGES = 160000


def gcn_conv(x, edge_index, W, b):
    # Faithful to PyG GCNConv with add_self_loops=True, normalize=True, edge_weight=1
    N = x.shape[0]
    loops = jnp.arange(N, dtype=edge_index.dtype)
    row = jnp.concatenate([edge_index[0], loops])  # source
    col = jnp.concatenate([edge_index[1], loops])  # target
    ew = jnp.ones(row.shape[0], dtype=x.dtype)
    deg = jnp.zeros((N,), dtype=x.dtype).at[col].add(ew)
    deg_inv_sqrt = jnp.where(deg > 0, jax.lax.rsqrt(jnp.maximum(deg, 1e-12)), 0.0)
    norm = deg_inv_sqrt[row] * deg_inv_sqrt[col] * ew
    xw = x @ W
    msg = norm[:, None] * jnp.take(xw, row, axis=0)
    out = jnp.zeros((N, W.shape[1]), dtype=x.dtype).at[col].add(msg)
    return out + b


def setup_inputs(seed: int = 0) -> dict:
    key = jax.random.key(seed)
    ks = jax.random.split(key, 10)
    x = jax.random.normal(ks[0], (N_NODES, IN_CH), dtype=jnp.float32)
    edge_index = jax.random.randint(ks[1], (2, N_EDGES), 0, N_NODES, dtype=jnp.int64)
    s1 = 1.0 / np.sqrt(IN_CH)
    s2 = 1.0 / np.sqrt(HID)
    W1 = jax.random.uniform(ks[2], (IN_CH, HID), jnp.float32, -s1, s1)
    b1 = jnp.zeros((HID,), jnp.float32)
    W2 = jax.random.uniform(ks[3], (HID, HID), jnp.float32, -s2, s2)
    b2 = jnp.zeros((HID,), jnp.float32)
    Wmu = jax.random.uniform(ks[4], (HID, OUT_CH), jnp.float32, -s2, s2)
    bmu = jnp.zeros((OUT_CH,), jnp.float32)
    Wls = jax.random.uniform(ks[5], (HID, OUT_CH), jnp.float32, -s2, s2)
    bls = jnp.zeros((OUT_CH,), jnp.float32)
    return {"x": x, "edge_index": edge_index, "W1": W1, "b1": b1, "W2": W2, "b2": b2,
            "Wmu": Wmu, "bmu": bmu, "Wls": Wls, "bls": bls}


def reference(x, edge_index, W1, b1, W2, b2, Wmu, bmu, Wls, bls):
    h = jax.nn.relu(gcn_conv(x, edge_index, W1, b1))
    h = jax.nn.relu(gcn_conv(h, edge_index, W2, b2))
    mu = gcn_conv(h, edge_index, Wmu, bmu)
    logstd = gcn_conv(h, edge_index, Wls, bls)
    return (mu, logstd)

if __name__ == "__main__":
    import jax
    _d = setup_inputs()
    print(jax.jit(kernel)(*tuple(_d.values())))

</pallas_src>

<mosaic_0001>
#map = affine_map<(d0, d1) -> (0, 0, 0, 0)>
#map1 = affine_map<(d0, d1) -> (0, 0, 0)>
#map2 = affine_map<(d0, d1) -> (0, 0)>
module attributes {stable_mosaic.version = 14 : i64} {
  func.func @_prop_kernel(%arg0: i32, %arg1: i32, %arg2: memref<16x2x64x80xi32, #tpu.memory_space<hbm>>, %arg3: memref<16x2x64x80xi32, #tpu.memory_space<hbm>>, %arg4: memref<2x10000x128xf32, #tpu.memory_space<hbm>>, %arg5: memref<632x128xf32, #tpu.memory_space<hbm>>, %arg6: memref<2x10112x128xf32, #tpu.memory_space<hbm>>, %arg7: memref<64x80xi32, #tpu.memory_space<vmem>>, %arg8: memref<64x80xi32, #tpu.memory_space<vmem>>, %arg9: memref<80x128xf32, #tpu.memory_space<vmem>>, %arg10: memref<80x128xf32, #tpu.memory_space<vmem>>, %arg11: memref<10112x128xf32, #tpu.memory_space<vmem_shared>>, %arg12: memref<!tpu.dma_semaphore, #tpu.memory_space<semaphore_mem>>, %arg13: memref<!tpu.dma_semaphore, #tpu.memory_space<semaphore_mem>>) attributes {dimension_semantics = [#tpu.dimension_semantics<core_parallel>, #tpu.dimension_semantics<subcore_parallel>], iteration_bounds = array<i64: 2, 16>, scalar_prefetch = 0 : i64, scratch_operands = 7 : i64, tpu.core_type = #tpu.core_type<sc_vector_subcore>, window_params = [{transform_indices = #map}, {transform_indices = #map}, {transform_indices = #map1}, {transform_indices = #map2}, {transform_indices = #map1}]} {
    %mul3A = arith.constant 632 : i32
    %mul3A_0 = arith.muli %arg1, %mul3A : i32
    "tpu.region"() ({
      %run_scoped3A = tpu.sem_alloc : memref<!tpu.dma_semaphore, #tpu.memory_space<semaphore_mem>>
      %dma_start3A = arith.constant 0 : i32
      %dma_start3A_10 = tpu.memref_slice %arg11[%mul3A_0, %dma_start3A] : memref<10112x128xf32, #tpu.memory_space<vmem_shared>> -> memref<632x128xf32, #tpu.memory_space<vmem_shared>>
      tpu.enqueue_dma source(%arg5 : memref<632x128xf32, #tpu.memory_space<hbm>>) target(%dma_start3A_10 : memref<632x128xf32, #tpu.memory_space<vmem_shared>>) target_semaphore(%run_scoped3A : memref<!tpu.dma_semaphore, #tpu.memory_space<semaphore_mem>>)
      %dma_wait3A = arith.constant 0 : i32
      %dma_wait3A_11 = tpu.memref_slice %arg11[%mul3A_0, %dma_wait3A] : memref<10112x128xf32, #tpu.memory_space<vmem_shared>> -> memref<632x128xf32, #tpu.memory_space<vmem_shared>>
      tpu.wait_dma2 semaphore(%run_scoped3A : memref<!tpu.dma_semaphore, #tpu.memory_space<semaphore_mem>>) src(%arg5 : memref<632x128xf32, #tpu.memory_space<hbm>>) dst(%dma_wait3A_11 : memref<632x128xf32, #tpu.memory_space<vmem_shared>>)
      tpu.yield
    }) : () -> ()
    %barrier3A = arith.constant 0 : index
    tpu.barrier barrier_id(%barrier3A)
    %scan3A = arith.constant 0 : i32
    %scan3A_1 = arith.constant 2 : i32
    %scan3A_2 = arith.addi %scan3A, %scan3A_1 : i32
    %scan3A_3 = arith.constant 1 : i32
    scf.for %scan3A_10 = %scan3A to %scan3A_2 step %scan3A_3  : i32 {
      "tpu.region"() ({
        %run_scoped3A = tpu.sem_alloc : memref<!tpu.dma_semaphore, #tpu.memory_space<semaphore_mem>>
        %dma_start3A_37 = arith.constant 0 : i32
        %dma_start3A_38 = arith.constant 0 : i32
        %dma_start3A_39 = arith.constant 0 : i32
        %dma_start3A_40 = tpu.memref_slice %arg2[%arg1, %dma_start3A_37, %dma_start3A_38, %dma_start3A_39] : memref<16x2x64x80xi32, #tpu.memory_space<hbm>> -> memref<1x2x64x80xi32, #tpu.memory_space<hbm>>
        %dma_start3A_41 = tpu.memref_squeeze %dma_start3A_40 : memref<1x2x64x80xi32, #tpu.memory_space<hbm>> -> memref<2x64x80xi32, #tpu.memory_space<hbm>>
        %dma_start3A_42 = arith.constant 0 : i32
        %dma_start3A_43 = arith.constant 0 : i32
        %dma_start3A_44 = tpu.memref_slice %dma_start3A_41[%scan3A_10, %dma_start3A_42, %dma_start3A_43] : memref<2x64x80xi32, #tpu.memory_space<hbm>> -> memref<1x64x80xi32, #tpu.memory_space<hbm>>
        %dma_start3A_45 = tpu.memref_squeeze %dma_start3A_44 : memref<1x64x80xi32, #tpu.memory_space<hbm>> -> memref<64x80xi32, #tpu.memory_space<hbm>>
        %dma_start3A_46 = arith.constant 0 : i32
        %dma_start3A_47 = arith.constant 0 : i32
        %dma_start3A_48 = arith.constant 0 : i32
        %dma_start3A_49 = tpu.memref_slice %arg2[%arg1, %dma_start3A_46, %dma_start3A_47, %dma_start3A_48] : memref<16x2x64x80xi32, #tpu.memory_space<hbm>> -> memref<1x2x64x80xi32, #tpu.memory_space<hbm>>
        %dma_start3A_50 = tpu.memref_squeeze %dma_start3A_49 : memref<1x2x64x80xi32, #tpu.memory_space<hbm>> -> memref<2x64x80xi32, #tpu.memory_space<hbm>>
        %dma_start3A_51 = arith.constant 0 : i32
        %dma_start3A_52 = arith.constant 0 : i32
        %dma_start3A_53 = tpu.memref_slice %dma_start3A_50[%scan3A_10, %dma_start3A_51, %dma_start3A_52] : memref<2x64x80xi32, #tpu.memory_space<hbm>> -> memref<1x64x80xi32, #tpu.memory_space<hbm>>
        %dma_start3A_54 = tpu.memref_squeeze %dma_start3A_53 : memref<1x64x80xi32, #tpu.memory_space<hbm>> -> memref<64x80xi32, #tpu.memory_space<hbm>>
        tpu.enqueue_dma source(%dma_start3A_54 : memref<64x80xi32, #tpu.memory_space<hbm>>) target(%arg7 : memref<64x80xi32, #tpu.memory_space<vmem>>) target_semaphore(%run_scoped3A : memref<!tpu.dma_semaphore, #tpu.memory_space<semaphore_mem>>)
        %dma_wait3A = arith.constant 0 : i32
        %dma_wait3A_55 = arith.constant 0 : i32
        %dma_wait3A_56 = arith.constant 0 : i32
        %dma_wait3A_57 = tpu.memref_slice %arg2[%arg1, %dma_wait3A, %dma_wait3A_55, %dma_wait3A_56] : memref<16x2x64x80xi32, #tpu.memory_space<hbm>> -> memref<1x2x64x80xi32, #tpu.memory_space<hbm>>
        %dma_wait3A_58 = tpu.memref_squeeze %dma_wait3A_57 : memref<1x2x64x80xi32, #tpu.memory_space<hbm>> -> memref<2x64x80xi32, #tpu.memory_space<hbm>>
        %dma_wait3A_59 = arith.constant 0 : i32
        %dma_wait3A_60 = arith.constant 0 : i32
        %dma_wait3A_61 = tpu.memref_slice %dma_wait3A_58[%scan3A_10, %dma_wait3A_59, %dma_wait3A_60] : memref<2x64x80xi32, #tpu.memory_space<hbm>> -> memref<1x64x80xi32, #tpu.memory_space<hbm>>
        %dma_wait3A_62 = tpu.memref_squeeze %dma_wait3A_61 : memref<1x64x80xi32, #tpu.memory_space<hbm>> -> memref<64x80xi32, #tpu.memory_space<hbm>>
        %dma_wait3A_63 = arith.constant 0 : i32
        %dma_wait3A_64 = arith.constant 0 : i32
        %dma_wait3A_65 = arith.constant 0 : i32
        %dma_wait3A_66 = tpu.memref_slice %arg2[%arg1, %dma_wait3A_63, %dma_wait3A_64, %dma_wait3A_65] : memref<16x2x64x80xi32, #tpu.memory_space<hbm>> -> memref<1x2x64x80xi32, #tpu.memory_space<hbm>>
        %dma_wait3A_67 = tpu.memref_squeeze %dma_wait3A_66 : memref<1x2x64x80xi32, #tpu.memory_space<hbm>> -> memref<2x64x80xi32, #tpu.memory_space<hbm>>
        %dma_wait3A_68 = arith.constant 0 : i32
        %dma_wait3A_69 = arith.constant 0 : i32
        %dma_wait3A_70 = tpu.memref_slice %dma_wait3A_67[%scan3A_10, %dma_wait3A_68, %dma_wait3A_69] : memref<2x64x80xi32, #tpu.memory_space<hbm>> -> memref<1x64x80xi32, #tpu.memory_space<hbm>>
        %dma_wait3A_71 = tpu.memref_squeeze %dma_wait3A_70 : memref<1x64x80xi32, #tpu.memory_space<hbm>> -> memref<64x80xi32, #tpu.memory_space<hbm>>
        tpu.wait_dma2 semaphore(%run_scoped3A : memref<!tpu.dma_semaphore, #tpu.memory_space<semaphore_mem>>) src(%dma_wait3A_71 : memref<64x80xi32, #tpu.memory_space<hbm>>) dst(%arg7 : memref<64x80xi32, #tpu.memory_space<vmem>>)
        tpu.yield
      }) : () -> ()
      "tpu.region"() ({
        %run_scoped3A = tpu.sem_alloc : memref<!tpu.dma_semaphore, #tpu.memory_space<semaphore_mem>>
        %dma_start3A_37 = arith.constant 0 : i32
        %dma_start3A_38 = arith.constant 0 : i32
        %dma_start3A_39 = arith.constant 0 : i32
        %dma_start3A_40 = tpu.memref_slice %arg3[%arg1, %dma_start3A_37, %dma_start3A_38, %dma_start3A_39] : memref<16x2x64x80xi32, #tpu.memory_space<hbm>> -> memref<1x2x64x80xi32, #tpu.memory_space<hbm>>
        %dma_start3A_41 = tpu.memref_squeeze %dma_start3A_40 : memref<1x2x64x80xi32, #tpu.memory_space<hbm>> -> memref<2x64x80xi32, #tpu.memory_space<hbm>>
        %dma_start3A_42 = arith.constant 0 : i32
        %dma_start3A_43 = arith.constant 0 : i32
        %dma_start3A_44 = tpu.memref_slice %dma_start3A_41[%scan3A_10, %dma_start3A_42, %dma_start3A_43] : memref<2x64x80xi32, #tpu.memory_space<hbm>> -> memref<1x64x80xi32, #tpu.memory_space<hbm>>
        %dma_start3A_45 = tpu.memref_squeeze %dma_start3A_44 : memref<1x64x80xi32, #tpu.memory_space<hbm>> -> memref<64x80xi32, #tpu.memory_space<hbm>>
        %dma_start3A_46 = arith.constant 0 : i32
        %dma_start3A_47 = arith.constant 0 : i32
        %dma_start3A_48 = arith.constant 0 : i32
        %dma_start3A_49 = tpu.memref_slice %arg3[%arg1, %dma_start3A_46, %dma_start3A_47, %dma_start3A_48] : memref<16x2x64x80xi32, #tpu.memory_space<hbm>> -> memref<1x2x64x80xi32, #tpu.memory_space<hbm>>
        %dma_start3A_50 = tpu.memref_squeeze %dma_start3A_49 : memref<1x2x64x80xi32, #tpu.memory_space<hbm>> -> memref<2x64x80xi32, #tpu.memory_space<hbm>>
        %dma_start3A_51 = arith.constant 0 : i32
        %dma_start3A_52 = arith.constant 0 : i32
        %dma_start3A_53 = tpu.memref_slice %dma_start3A_50[%scan3A_10, %dma_start3A_51, %dma_start3A_52] : memref<2x64x80xi32, #tpu.memory_space<hbm>> -> memref<1x64x80xi32, #tpu.memory_space<hbm>>
        %dma_start3A_54 = tpu.memref_squeeze %dma_start3A_53 : memref<1x64x80xi32, #tpu.memory_space<hbm>> -> memref<64x80xi32, #tpu.memory_space<hbm>>
        tpu.enqueue_dma source(%dma_start3A_54 : memref<64x80xi32, #tpu.memory_space<hbm>>) target(%arg8 : memref<64x80xi32, #tpu.memory_space<vmem>>) target_semaphore(%run_scoped3A : memref<!tpu.dma_semaphore, #tpu.memory_space<semaphore_mem>>)
        %dma_wait3A = arith.constant 0 : i32
        %dma_wait3A_55 = arith.constant 0 : i32
        %dma_wait3A_56 = arith.constant 0 : i32
        %dma_wait3A_57 = tpu.memref_slice %arg3[%arg1, %dma_wait3A, %dma_wait3A_55, %dma_wait3A_56] : memref<16x2x64x80xi32, #tpu.memory_space<hbm>> -> memref<1x2x64x80xi32, #tpu.memory_space<hbm>>
        %dma_wait3A_58 = tpu.memref_squeeze %dma_wait3A_57 : memref<1x2x64x80xi32, #tpu.memory_space<hbm>> -> memref<2x64x80xi32, #tpu.memory_space<hbm>>
        %dma_wait3A_59 = arith.constant 0 : i32
        %dma_wait3A_60 = arith.constant 0 : i32
        %dma_wait3A_61 = tpu.memref_slice %dma_wait3A_58[%scan3A_10, %dma_wait3A_59, %dma_wait3A_60] : memref<2x64x80xi32, #tpu.memory_space<hbm>> -> memref<1x64x80xi32, #tpu.memory_space<hbm>>
        %dma_wait3A_62 = tpu.memref_squeeze %dma_wait3A_61 : memref<1x64x80xi32, #tpu.memory_space<hbm>> -> memref<64x80xi32, #tpu.memory_space<hbm>>
        %dma_wait3A_63 = arith.constant 0 : i32
        %dma_wait3A_64 = arith.constant 0 : i32
        %dma_wait3A_65 = arith.constant 0 : i32
        %dma_wait3A_66 = tpu.memref_slice %arg3[%arg1, %dma_wait3A_63, %dma_wait3A_64, %dma_wait3A_65] : memref<16x2x64x80xi32, #tpu.memory_space<hbm>> -> memref<1x2x64x80xi32, #tpu.memory_space<hbm>>
        %dma_wait3A_67 = tpu.memref_squeeze %dma_wait3A_66 : memref<1x2x64x80xi32, #tpu.memory_space<hbm>> -> memref<2x64x80xi32, #tpu.memory_space<hbm>>
        %dma_wait3A_68 = arith.constant 0 : i32
        %dma_wait3A_69 = arith.constant 0 : i32
        %dma_wait3A_70 = tpu.memref_slice %dma_wait3A_67[%scan3A_10, %dma_wait3A_68, %dma_wait3A_69] : memref<2x64x80xi32, #tpu.memory_space<hbm>> -> memref<1x64x80xi32, #tpu.memory_space<hbm>>
        %dma_wait3A_71 = tpu.memref_squeeze %dma_wait3A_70 : memref<1x64x80xi32, #tpu.memory_space<hbm>> -> memref<64x80xi32, #tpu.memory_space<hbm>>
        tpu.wait_dma2 semaphore(%run_scoped3A : memref<!tpu.dma_semaphore, #tpu.memory_space<semaphore_mem>>) src(%dma_wait3A_71 : memref<64x80xi32, #tpu.memory_space<hbm>>) dst(%arg8 : memref<64x80xi32, #tpu.memory_space<vmem>>)
        tpu.yield
      }) : () -> ()
      %dma_start3A = arith.constant 0 : i32
      %dma_start3A_11 = arith.constant 0 : i32
      %dma_start3A_12 = tpu.memref_slice %arg7[%dma_start3A, %dma_start3A_11] : memref<64x80xi32, #tpu.memory_space<vmem>> -> memref<1x80xi32, #tpu.memory_space<vmem>>
      %dma_start3A_13 = tpu.memref_squeeze %dma_start3A_12 : memref<1x80xi32, #tpu.memory_space<vmem>> -> memref<80xi32, #tpu.memory_space<vmem>>
      %dma_start3A_14 = arith.constant 0 : i32
      %dma_start3A_15 = arith.constant 0 : i32
      %dma_start3A_16 = tpu.memref_slice %arg4[%arg0, %dma_start3A_14, %dma_start3A_15] : memref<2x10000x128xf32, #tpu.memory_space<hbm>> -> memref<1x10000x128xf32, #tpu.memory_space<hbm>>
      %dma_start3A_17 = tpu.memref_squeeze %dma_start3A_16 : memref<1x10000x128xf32, #tpu.memory_space<hbm>> -> memref<10000x128xf32, #tpu.memory_space<hbm>>
      %dma_start3A_18 = arith.constant 0 : i32
      %dma_start3A_19 = arith.constant 0 : i32
      %dma_start3A_20 = tpu.memref_slice %dma_start3A_17[%dma_start3A_18, %dma_start3A_19] : memref<10000x128xf32, #tpu.memory_space<hbm>> -> memref<10000x128xf32, #tpu.memory_space<hbm>>
      tpu.enqueue_indirect_dma source(%dma_start3A_20 : memref<10000x128xf32, #tpu.memory_space<hbm>>) target(%arg9 : memref<80x128xf32, #tpu.memory_space<vmem>>) offsets(%dma_start3A_13 : memref<80xi32, #tpu.memory_space<vmem>>) semaphore(%arg12 : memref<!tpu.dma_semaphore, #tpu.memory_space<semaphore_mem>>)
      %dma_start3A_21 = arith.constant 1 : i32
      %dma_start3A_22 = arith.constant 0 : i32
      %dma_start3A_23 = tpu.memref_slice %arg7[%dma_start3A_21, %dma_start3A_22] : memref<64x80xi32, #tpu.memory_space<vmem>> -> memref<1x80xi32, #tpu.memory_space<vmem>>
      %dma_start3A_24 = tpu.memref_squeeze %dma_start3A_23 : memref<1x80xi32, #tpu.memory_space<vmem>> -> memref<80xi32, #tpu.memory_space<vmem>>
      %dma_start3A_25 = arith.constant 0 : i32
      %dma_start3A_26 = arith.constant 0 : i32
      %dma_start3A_27 = tpu.memref_slice %arg4[%arg0, %dma_start3A_25, %dma_start3A_26] : memref<2x10000x128xf32, #tpu.memory_space<hbm>> -> memref<1x10000x128xf32, #tpu.memory_space<hbm>>
      %dma_start3A_28 = tpu.memref_squeeze %dma_start3A_27 : memref<1x10000x128xf32, #tpu.memory_space<hbm>> -> memref<10000x128xf32, #tpu.memory_space<hbm>>
      %dma_start3A_29 = arith.constant 0 : i32
      %dma_start3A_30 = arith.constant 0 : i32
      %dma_start3A_31 = tpu.memref_slice %dma_start3A_28[%dma_start3A_29, %dma_start3A_30] : memref<10000x128xf32, #tpu.memory_space<hbm>> -> memref<10000x128xf32, #tpu.memory_space<hbm>>
      tpu.enqueue_indirect_dma source(%dma_start3A_31 : memref<10000x128xf32, #tpu.memory_space<hbm>>) target(%arg10 : memref<80x128xf32, #tpu.memory_space<vmem>>) offsets(%dma_start3A_24 : memref<80xi32, #tpu.memory_space<vmem>>) semaphore(%arg13 : memref<!tpu.dma_semaphore, #tpu.memory_space<semaphore_mem>>)
      %scan3A_32 = arith.constant 0 : i32
      %scan3A_33 = arith.constant 32 : i32
      %scan3A_34 = arith.addi %scan3A_32, %scan3A_33 : i32
      %scan3A_35 = arith.constant 1 : i32
      scf.for %scan3A_37 = %scan3A_32 to %scan3A_34 step %scan3A_35  : i32 {
        %mul3A_38 = arith.constant 2 : i32
        %mul3A_39 = arith.muli %scan3A_37, %mul3A_38 : i32
        %add3A = arith.constant 0 : i32
        %add3A_40 = arith.addi %mul3A_39, %add3A : i32
        %dma_wait3A = arith.constant 0 : i32
        %dma_wait3A_41 = arith.constant 0 : i32
        %dma_wait3A_42 = tpu.memref_slice %arg4[%arg0, %dma_wait3A, %dma_wait3A_41] : memref<2x10000x128xf32, #tpu.memory_space<hbm>> -> memref<1x10000x128xf32, #tpu.memory_space<hbm>>
        %dma_wait3A_43 = tpu.memref_squeeze %dma_wait3A_42 : memref<1x10000x128xf32, #tpu.memory_space<hbm>> -> memref<10000x128xf32, #tpu.memory_space<hbm>>
        %dma_wait3A_44 = arith.constant 0 : i32
        %dma_wait3A_45 = arith.constant 0 : i32
        %dma_wait3A_46 = tpu.memref_slice %dma_wait3A_43[%dma_wait3A_44, %dma_wait3A_45] : memref<10000x128xf32, #tpu.memory_space<hbm>> -> memref<80x128xf32, #tpu.memory_space<hbm>>
        %dma_wait3A_47 = arith.constant 0 : i32
        %dma_wait3A_48 = arith.constant 0 : i32
        %dma_wait3A_49 = tpu.memref_slice %arg4[%arg0, %dma_wait3A_47, %dma_wait3A_48] : memref<2x10000x128xf32, #tpu.memory_space<hbm>> -> memref<1x10000x128xf32, #tpu.memory_space<hbm>>
        %dma_wait3A_50 = tpu.memref_squeeze %dma_wait3A_49 : memref<1x10000x128xf32, #tpu.memory_space<hbm>> -> memref<10000x128xf32, #tpu.memory_space<hbm>>
        %dma_wait3A_51 = arith.constant 0 : i32
        %dma_wait3A_52 = arith.constant 0 : i32
        %dma_wait3A_53 = tpu.memref_slice %dma_wait3A_50[%dma_wait3A_51, %dma_wait3A_52] : memref<10000x128xf32, #tpu.memory_space<hbm>> -> memref<80x128xf32, #tpu.memory_space<hbm>>
        tpu.wait_dma2 semaphore(%arg12 : memref<!tpu.dma_semaphore, #tpu.memory_space<semaphore_mem>>) src(%dma_wait3A_53 : memref<80x128xf32, #tpu.memory_space<hbm>>) dst(%arg9 : memref<80x128xf32, #tpu.memory_space<vmem>>)
        "tpu.region"() ({
          %run_scoped3A = tpu.sem_alloc : memref<!tpu.dma_semaphore, #tpu.memory_space<semaphore_mem>>
          %dma_start3A_79 = arith.constant 0 : i32
          %dma_start3A_80 = tpu.memref_slice %arg8[%add3A_40, %dma_start3A_79] : memref<64x80xi32, #tpu.memory_space<vmem>> -> memref<1x80xi32, #tpu.memory_space<vmem>>
          %dma_start3A_81 = tpu.memref_squeeze %dma_start3A_80 : memref<1x80xi32, #tpu.memory_space<vmem>> -> memref<80xi32, #tpu.memory_space<vmem>>
          %dma_start3A_82 = arith.constant 0 : i32
          %dma_start3A_83 = arith.constant 0 : i32
          %dma_start3A_84 = tpu.memref_slice %arg11[%dma_start3A_82, %dma_start3A_83] : memref<10112x128xf32, #tpu.memory_space<vmem_shared>> -> memref<10112x128xf32, #tpu.memory_space<vmem_shared>>
          tpu.enqueue_indirect_dma source(%arg9 : memref<80x128xf32, #tpu.memory_space<vmem>>) target(%dma_start3A_84 : memref<10112x128xf32, #tpu.memory_space<vmem_shared>>) offsets(%dma_start3A_81 : memref<80xi32, #tpu.memory_space<vmem>>) semaphore(%run_scoped3A : memref<!tpu.dma_semaphore, #tpu.memory_space<semaphore_mem>>) {add = true}
          %dma_wait3A_85 = arith.constant 0 : i32
          %dma_wait3A_86 = tpu.memref_slice %arg8[%add3A_40, %dma_wait3A_85] : memref<64x80xi32, #tpu.memory_space<vmem>> -> memref<1x80xi32, #tpu.memory_space<vmem>>
          %dma_wait3A_87 = tpu.memref_squeeze %dma_wait3A_86 : memref<1x80xi32, #tpu.memory_space<vmem>> -> memref<80xi32, #tpu.memory_space<vmem>>
          %dma_wait3A_88 = arith.constant 0 : i32
          %dma_wait3A_89 = arith.constant 0 : i32
          %dma_wait3A_90 = tpu.memref_slice %arg11[%dma_wait3A_88, %dma_wait3A_89] : memref<10112x128xf32, #tpu.memory_space<vmem_shared>> -> memref<10112x128xf32, #tpu.memory_space<vmem_shared>>
          tpu.wait_indirect_dma semaphore(%run_scoped3A : memref<!tpu.dma_semaphore, #tpu.memory_space<semaphore_mem>>) src(%arg9 : memref<80x128xf32, #tpu.memory_space<vmem>>) dst(%dma_wait3A_90 : memref<10112x128xf32, #tpu.memory_space<vmem_shared>>)
          tpu.yield
        }) : () -> ()
        %lt3A = arith.constant 31 : i32
        %lt3A_54 = arith.cmpi slt, %scan3A_37, %lt3A : i32
        %convert_element_type3A = arith.extui %lt3A_54 : i1 to i32
        %cond3A = arith.constant 0 : i32
        %cond3A_55 = arith.cmpi ne, %convert_element_type3A, %cond3A : i32
        scf.if %cond3A_55 {
          %add3A_79 = arith.constant 2 : i32
          %add3A_80 = arith.addi %add3A_40, %add3A_79 : i32
          %dma_start3A_81 = arith.constant 0 : i32
          %dma_start3A_82 = tpu.memref_slice %arg7[%add3A_80, %dma_start3A_81] : memref<64x80xi32, #tpu.memory_space<vmem>> -> memref<1x80xi32, #tpu.memory_space<vmem>>
          %dma_start3A_83 = tpu.memref_squeeze %dma_start3A_82 : memref<1x80xi32, #tpu.memory_space<vmem>> -> memref<80xi32, #tpu.memory_space<vmem>>
          %dma_start3A_84 = arith.constant 0 : i32
          %dma_start3A_85 = arith.constant 0 : i32
          %dma_start3A_86 = tpu.memref_slice %arg4[%arg0, %dma_start3A_84, %dma_start3A_85] : memref<2x10000x128xf32, #tpu.memory_space<hbm>> -> memref<1x10000x128xf32, #tpu.memory_space<hbm>>
          %dma_start3A_87 = tpu.memref_squeeze %dma_start3A_86 : memref<1x10000x128xf32, #tpu.memory_space<hbm>> -> memref<10000x128xf32, #tpu.memory_space<hbm>>
          %dma_start3A_88 = arith.constant 0 : i32
          %dma_start3A_89 = arith.constant 0 : i32
          %dma_start3A_90 = tpu.memref_slice %dma_start3A_87[%dma_start3A_88, %dma_start3A_89] : memref<10000x128xf32, #tpu.memory_space<hbm>> -> memref<10000x128xf32, #tpu.memory_space<hbm>>
          tpu.enqueue_indirect_dma source(%dma_start3A_90 : memref<10000x128xf32, #tpu.memory_space<hbm>>) target(%arg9 : memref<80x128xf32, #tpu.memory_space<vmem>>) offsets(%dma_start3A_83 : memref<80xi32, #tpu.memory_space<vmem>>) semaphore(%arg12 : memref<!tpu.dma_semaphore, #tpu.memory_space<semaphore_mem>>)
        } else {
        }
        %mul3A_56 = arith.constant 2 : i32
        %mul3A_57 = arith.muli %scan3A_37, %mul3A_56 : i32
        %add3A_58 = arith.constant 1 : i32
        %add3A_59 = arith.addi %mul3A_57, %add3A_58 : i32
        %dma_wait3A_60 = arith.constant 0 : i32
        %dma_wait3A_61 = arith.constant 0 : i32
        %dma_wait3A_62 = tpu.memref_slice %arg4[%arg0, %dma_wait3A_60, %dma_wait3A_61] : memref<2x10000x128xf32, #tpu.memory_space<hbm>> -> memref<1x10000x128xf32, #tpu.memory_space<hbm>>
        %dma_wait3A_63 = tpu.memref_squeeze %dma_wait3A_62 : memref<1x10000x128xf32, #tpu.memory_space<hbm>> -> memref<10000x128xf32, #tpu.memory_space<hbm>>
        %dma_wait3A_64 = arith.constant 0 : i32
        %dma_wait3A_65 = arith.constant 0 : i32
        %dma_wait3A_66 = tpu.memref_slice %dma_wait3A_63[%dma_wait3A_64, %dma_wait3A_65] : memref<10000x128xf32, #tpu.memory_space<hbm>> -> memref<80x128xf32, #tpu.memory_space<hbm>>
        %dma_wait3A_67 = arith.constant 0 : i32
        %dma_wait3A_68 = arith.constant 0 : i32
        %dma_wait3A_69 = tpu.memref_slice %arg4[%arg0, %dma_wait3A_67, %dma_wait3A_68] : memref<2x10000x128xf32, #tpu.memory_space<hbm>> -> memref<1x10000x128xf32, #tpu.memory_space<hbm>>
        %dma_wait3A_70 = tpu.memref_squeeze %dma_wait3A_69 : memref<1x10000x128xf32, #tpu.memory_space<hbm>> -> memref<10000x128xf32, #tpu.memory_space<hbm>>
        %dma_wait3A_71 = arith.constant 0 : i32
        %dma_wait3A_72 = arith.constant 0 : i32
        %dma_wait3A_73 = tpu.memref_slice %dma_wait3A_70[%dma_wait3A_71, %dma_wait3A_72] : memref<10000x128xf32, #tpu.memory_space<hbm>> -> memref<80x128xf32, #tpu.memory_space<hbm>>
        tpu.wait_dma2 semaphore(%arg13 : memref<!tpu.dma_semaphore, #tpu.memory_space<semaphore_mem>>) src(%dma_wait3A_73 : memref<80x128xf32, #tpu.memory_space<hbm>>) dst(%arg10 : memref<80x128xf32, #tpu.memory_space<vmem>>)
        "tpu.region"() ({
          %run_scoped3A = tpu.sem_alloc : memref<!tpu.dma_semaphore, #tpu.memory_space<semaphore_mem>>
          %dma_start3A_79 = arith.constant 0 : i32
          %dma_start3A_80 = tpu.memref_slice %arg8[%add3A_59, %dma_start3A_79] : memref<64x80xi32, #tpu.memory_space<vmem>> -> memref<1x80xi32, #tpu.memory_space<vmem>>
          %dma_start3A_81 = tpu.memref_squeeze %dma_start3A_80 : memref<1x80xi32, #tpu.memory_space<vmem>> -> memref<80xi32, #tpu.memory_space<vmem>>
          %dma_start3A_82 = arith.constant 0 : i32
          %dma_start3A_83 = arith.constant 0 : i32
          %dma_start3A_84 = tpu.memref_slice %arg11[%dma_start3A_82, %dma_start3A_83] : memref<10112x128xf32, #tpu.memory_space<vmem_shared>> -> memref<10112x128xf32, #tpu.memory_space<vmem_shared>>
          tpu.enqueue_indirect_dma source(%arg10 : memref<80x128xf32, #tpu.memory_space<vmem>>) target(%dma_start3A_84 : memref<10112x128xf32, #tpu.memory_space<vmem_shared>>) offsets(%dma_start3A_81 : memref<80xi32, #tpu.memory_space<vmem>>) semaphore(%run_scoped3A : memref<!tpu.dma_semaphore, #tpu.memory_space<semaphore_mem>>) {add = true}
          %dma_wait3A_85 = arith.constant 0 : i32
          %dma_wait3A_86 = tpu.memref_slice %arg8[%add3A_59, %dma_wait3A_85] : memref<64x80xi32, #tpu.memory_space<vmem>> -> memref<1x80xi32, #tpu.memory_space<vmem>>
          %dma_wait3A_87 = tpu.memref_squeeze %dma_wait3A_86 : memref<1x80xi32, #tpu.memory_space<vmem>> -> memref<80xi32, #tpu.memory_space<vmem>>
          %dma_wait3A_88 = arith.constant 0 : i32
          %dma_wait3A_89 = arith.constant 0 : i32
          %dma_wait3A_90 = tpu.memref_slice %arg11[%dma_wait3A_88, %dma_wait3A_89] : memref<10112x128xf32, #tpu.memory_space<vmem_shared>> -> memref<10112x128xf32, #tpu.memory_space<vmem_shared>>
          tpu.wait_indirect_dma semaphore(%run_scoped3A : memref<!tpu.dma_semaphore, #tpu.memory_space<semaphore_mem>>) src(%arg10 : memref<80x128xf32, #tpu.memory_space<vmem>>) dst(%dma_wait3A_90 : memref<10112x128xf32, #tpu.memory_space<vmem_shared>>)
          tpu.yield
        }) : () -> ()
        %lt3A_74 = arith.constant 31 : i32
        %lt3A_75 = arith.cmpi slt, %scan3A_37, %lt3A_74 : i32
        %convert_element_type3A_76 = arith.extui %lt3A_75 : i1 to i32
        %cond3A_77 = arith.constant 0 : i32
        %cond3A_78 = arith.cmpi ne, %convert_element_type3A_76, %cond3A_77 : i32
        scf.if %cond3A_78 {
          %add3A_79 = arith.constant 2 : i32
          %add3A_80 = arith.addi %add3A_59, %add3A_79 : i32
          %dma_start3A_81 = arith.constant 0 : i32
          %dma_start3A_82 = tpu.memref_slice %arg7[%add3A_80, %dma_start3A_81] : memref<64x80xi32, #tpu.memory_space<vmem>> -> memref<1x80xi32, #tpu.memory_space<vmem>>
          %dma_start3A_83 = tpu.memref_squeeze %dma_start3A_82 : memref<1x80xi32, #tpu.memory_space<vmem>> -> memref<80xi32, #tpu.memory_space<vmem>>
          %dma_start3A_84 = arith.constant 0 : i32
          %dma_start3A_85 = arith.constant 0 : i32
          %dma_start3A_86 = tpu.memref_slice %arg4[%arg0, %dma_start3A_84, %dma_start3A_85] : memref<2x10000x128xf32, #tpu.memory_space<hbm>> -> memref<1x10000x128xf32, #tpu.memory_space<hbm>>
          %dma_start3A_87 = tpu.memref_squeeze %dma_start3A_86 : memref<1x10000x128xf32, #tpu.memory_space<hbm>> -> memref<10000x128xf32, #tpu.memory_space<hbm>>
          %dma_start3A_88 = arith.constant 0 : i32
          %dma_start3A_89 = arith.constant 0 : i32
          %dma_start3A_90 = tpu.memref_slice %dma_start3A_87[%dma_start3A_88, %dma_start3A_89] : memref<10000x128xf32, #tpu.memory_space<hbm>> -> memref<10000x128xf32, #tpu.memory_space<hbm>>
          tpu.enqueue_indirect_dma source(%dma_start3A_90 : memref<10000x128xf32, #tpu.memory_space<hbm>>) target(%arg10 : memref<80x128xf32, #tpu.memory_space<vmem>>) offsets(%dma_start3A_83 : memref<80xi32, #tpu.memory_space<vmem>>) semaphore(%arg13 : memref<!tpu.dma_semaphore, #tpu.memory_space<semaphore_mem>>)
        } else {
        }
      }
      %scan3A_36 = arith.constant 32 : i32
    }
    %scan3A_4 = arith.constant 2 : i32
    %barrier3A_5 = arith.constant 0 : index
    tpu.barrier barrier_id(%barrier3A_5)
    %mul3A_6 = arith.constant 632 : i32
    %mul3A_7 = arith.muli %arg1, %mul3A_6 : i32
    %mul3A_8 = arith.constant 632 : i32
    %mul3A_9 = arith.muli %arg1, %mul3A_8 : i32
    "tpu.region"() ({
      %run_scoped3A = tpu.sem_alloc : memref<!tpu.dma_semaphore, #tpu.memory_space<semaphore_mem>>
      %dma_start3A = arith.constant 0 : i32
      %dma_start3A_10 = arith.constant 0 : i32
      %dma_start3A_11 = tpu.memref_slice %arg6[%arg0, %dma_start3A, %dma_start3A_10] : memref<2x10112x128xf32, #tpu.memory_space<hbm>> -> memref<1x10112x128xf32, #tpu.memory_space<hbm>>
      %dma_start3A_12 = tpu.memref_squeeze %dma_start3A_11 : memref<1x10112x128xf32, #tpu.memory_space<hbm>> -> memref<10112x128xf32, #tpu.memory_space<hbm>>
      %dma_start3A_13 = arith.constant 0 : i32
      %dma_start3A_14 = tpu.memref_slice %dma_start3A_12[%mul3A_9, %dma_start3A_13] : memref<10112x128xf32, #tpu.memory_space<hbm>> -> memref<632x128xf32, #tpu.memory_space<hbm>>
      %dma_start3A_15 = arith.constant 0 : i32
      %dma_start3A_16 = tpu.memref_slice %arg11[%mul3A_7, %dma_start3A_15] : memref<10112x128xf32, #tpu.memory_space<vmem_shared>> -> memref<632x128xf32, #tpu.memory_space<vmem_shared>>
      tpu.enqueue_dma source(%dma_start3A_16 : memref<632x128xf32, #tpu.memory_space<vmem_shared>>) target(%dma_start3A_14 : memref<632x128xf32, #tpu.memory_space<hbm>>) target_semaphore(%run_scoped3A : memref<!tpu.dma_semaphore, #tpu.memory_space<semaphore_mem>>)
      %dma_wait3A = arith.constant 0 : i32
      %dma_wait3A_17 = arith.constant 0 : i32
      %dma_wait3A_18 = tpu.memref_slice %arg6[%arg0, %dma_wait3A, %dma_wait3A_17] : memref<2x10112x128xf32, #tpu.memory_space<hbm>> -> memref<1x10112x128xf32, #tpu.memory_space<hbm>>
      %dma_wait3A_19 = tpu.memref_squeeze %dma_wait3A_18 : memref<1x10112x128xf32, #tpu.memory_space<hbm>> -> memref<10112x128xf32, #tpu.memory_space<hbm>>
      %dma_wait3A_20 = arith.constant 0 : i32
      %dma_wait3A_21 = tpu.memref_slice %dma_wait3A_19[%mul3A_9, %dma_wait3A_20] : memref<10112x128xf32, #tpu.memory_space<hbm>> -> memref<632x128xf32, #tpu.memory_space<hbm>>
      %dma_wait3A_22 = arith.constant 0 : i32
      %dma_wait3A_23 = tpu.memref_slice %arg11[%mul3A_7, %dma_wait3A_22] : memref<10112x128xf32, #tpu.memory_space<vmem_shared>> -> memref<632x128xf32, #tpu.memory_space<vmem_shared>>
      tpu.wait_dma2 semaphore(%run_scoped3A : memref<!tpu.dma_semaphore, #tpu.memory_space<semaphore_mem>>) src(%dma_wait3A_23 : memref<632x128xf32, #tpu.memory_space<vmem_shared>>) dst(%dma_wait3A_21 : memref<632x128xf32, #tpu.memory_space<hbm>>)
      tpu.yield
    }) : () -> ()
    return
  }
}

#map = affine_map<(d0, d1) -> (0, 0, 0, 0)>
#map1 = affine_map<(d0, d1) -> (0, 0, 0)>
#map2 = affine_map<(d0, d1) -> (0, 0)>
module attributes {stable_mosaic.version = 14 : i64} {
  func.func @_prop_kernel(%arg0: i32, %arg1: i32, %arg2: memref<16x2x64x80xi32, #tpu.memory_space<hbm>>, %arg3: memref<16x2x64x80xi32, #tpu.memory_space<hbm>>, %arg4: memref<2x10000x128xf32, #tpu.memory_space<hbm>>, %arg5: memref<632x128xf32, #tpu.memory_space<hbm>>, %arg6: memref<2x10112x128xf32, #tpu.memory_space<hbm>>, %arg7: memref<64x80xi32, #tpu.memory_space<vmem>>, %arg8: memref<64x80xi32, #tpu.memory_space<vmem>>, %arg9: memref<80x128xf32, #tpu.memory_space<vmem>>, %arg10: memref<80x128xf32, #tpu.memory_space<vmem>>, %arg11: memref<10112x128xf32, #tpu.memory_space<vmem_shared>>, %arg12: memref<!tpu.dma_semaphore, #tpu.memory_space<semaphore_mem>>, %arg13: memref<!tpu.dma_semaphore, #tpu.memory_space<semaphore_mem>>) attributes {dimension_semantics = [#tpu.dimension_semantics<core_parallel>, #tpu.dimension_semantics<subcore_parallel>], iteration_bounds = array<i64: 2, 16>, scalar_prefetch = 0 : i64, scratch_operands = 7 : i64, tpu.core_type = #tpu.core_type<sc_vector_subcore>, window_params = [{transform_indices = #map}, {transform_indices = #map}, {transform_indices = #map1}, {transform_indices = #map2}, {transform_indices = #map1}]} {
    %mul3A = arith.constant 632 : i32
    %mul3A_0 = arith.muli %arg1, %mul3A : i32
    "tpu.region"() ({
      %run_scoped3A = tpu.sem_alloc : memref<!tpu.dma_semaphore, #tpu.memory_space<semaphore_mem>>
      %dma_start3A = arith.constant 0 : i32
      %dma_start3A_10 = tpu.memref_slice %arg11[%mul3A_0, %dma_start3A] : memref<10112x128xf32, #tpu.memory_space<vmem_shared>> -> memref<632x128xf32, #tpu.memory_space<vmem_shared>>
      tpu.enqueue_dma source(%arg5 : memref<632x128xf32, #tpu.memory_space<hbm>>) target(%dma_start3A_10 : memref<632x128xf32, #tpu.memory_space<vmem_shared>>) target_semaphore(%run_scoped3A : memref<!tpu.dma_semaphore, #tpu.memory_space<semaphore_mem>>)
      %dma_wait3A = arith.constant 0 : i32
      %dma_wait3A_11 = tpu.memref_slice %arg11[%mul3A_0, %dma_wait3A] : memref<10112x128xf32, #tpu.memory_space<vmem_shared>> -> memref<632x128xf32, #tpu.memory_space<vmem_shared>>
      tpu.wait_dma2 semaphore(%run_scoped3A : memref<!tpu.dma_semaphore, #tpu.memory_space<semaphore_mem>>) src(%arg5 : memref<632x128xf32, #tpu.memory_space<hbm>>) dst(%dma_wait3A_11 : memref<632x128xf32, #tpu.memory_space<vmem_shared>>)
      tpu.yield
    }) : () -> ()
    %barrier3A = arith.constant 0 : index
    tpu.barrier barrier_id(%barrier3A)
    %scan3A = arith.constant 0 : i32
    %scan3A_1 = arith.constant 2 : i32
    %scan3A_2 = arith.addi %scan3A, %scan3A_1 : i32
    %scan3A_3 = arith.constant 1 : i32
    scf.for %scan3A_10 = %scan3A to %scan3A_2 step %scan3A_3  : i32 {
      "tpu.region"() ({
        %run_scoped3A = tpu.sem_alloc : memref<!tpu.dma_semaphore, #tpu.memory_space<semaphore_mem>>
        %dma_start3A_37 = arith.constant 0 : i32
        %dma_start3A_38 = arith.constant 0 : i32
        %dma_start3A_39 = arith.constant 0 : i32
        %dma_start3A_40 = tpu.memref_slice %arg2[%arg1, %dma_start3A_37, %dma_start3A_38, %dma_start3A_39] : memref<16x2x64x80xi32, #tpu.memory_space<hbm>> -> memref<1x2x64x80xi32, #tpu.memory_space<hbm>>
        %dma_start3A_41 = tpu.memref_squeeze %dma_start3A_40 : memref<1x2x64x80xi32, #tpu.memory_space<hbm>> -> memref<2x64x80xi32, #tpu.memory_space<hbm>>
        %dma_start3A_42 = arith.constant 0 : i32
        %dma_start3A_43 = arith.constant 0 : i32
        %dma_start3A_44 = tpu.memref_slice %dma_start3A_41[%scan3A_10, %dma_start3A_42, %dma_start3A_43] : memref<2x64x80xi32, #tpu.memory_space<hbm>> -> memref<1x64x80xi32, #tpu.memory_space<hbm>>
        %dma_start3A_45 = tpu.memref_squeeze %dma_start3A_44 : memref<1x64x80xi32, #tpu.memory_space<hbm>> -> memref<64x80xi32, #tpu.memory_space<hbm>>
        %dma_start3A_46 = arith.constant 0 : i32
        %dma_start3A_47 = arith.constant 0 : i32
        %dma_start3A_48 = arith.constant 0 : i32
        %dma_start3A_49 = tpu.memref_slice %arg2[%arg1, %dma_start3A_46, %dma_start3A_47, %dma_start3A_48] : memref<16x2x64x80xi32, #tpu.memory_space<hbm>> -> memref<1x2x64x80xi32, #tpu.memory_space<hbm>>
        %dma_start3A_50 = tpu.memref_squeeze %dma_start3A_49 : memref<1x2x64x80xi32, #tpu.memory_space<hbm>> -> memref<2x64x80xi32, #tpu.memory_space<hbm>>
        %dma_start3A_51 = arith.constant 0 : i32
        %dma_start3A_52 = arith.constant 0 : i32
        %dma_start3A_53 = tpu.memref_slice %dma_start3A_50[%scan3A_10, %dma_start3A_51, %dma_start3A_52] : memref<2x64x80xi32, #tpu.memory_space<hbm>> -> memref<1x64x80xi32, #tpu.memory_space<hbm>>
        %dma_start3A_54 = tpu.memref_squeeze %dma_start3A_53 : memref<1x64x80xi32, #tpu.memory_space<hbm>> -> memref<64x80xi32, #tpu.memory_space<hbm>>
        tpu.enqueue_dma source(%dma_start3A_54 : memref<64x80xi32, #tpu.memory_space<hbm>>) target(%arg7 : memref<64x80xi32, #tpu.memory_space<vmem>>) target_semaphore(%run_scoped3A : memref<!tpu.dma_semaphore, #tpu.memory_space<semaphore_mem>>)
        %dma_wait3A = arith.constant 0 : i32
        %dma_wait3A_55 = arith.constant 0 : i32
        %dma_wait3A_56 = arith.constant 0 : i32
        %dma_wait3A_57 = tpu.memref_slice %arg2[%arg1, %dma_wait3A, %dma_wait3A_55, %dma_wait3A_56] : memref<16x2x64x80xi32, #tpu.memory_space<hbm>> -> memref<1x2x64x80xi32, #tpu.memory_space<hbm>>
        %dma_wait3A_58 = tpu.memref_squeeze %dma_wait3A_57 : memref<1x2x64x80xi32, #tpu.memory_space<hbm>> -> memref<2x64x80xi32, #tpu.memory_space<hbm>>
        %dma_wait3A_59 = arith.constant 0 : i32
        %dma_wait3A_60 = arith.constant 0 : i32
        %dma_wait3A_61 = tpu.memref_slice %dma_wait3A_58[%scan3A_10, %dma_wait3A_59, %dma_wait3A_60] : memref<2x64x80xi32, #tpu.memory_space<hbm>> -> memref<1x64x80xi32, #tpu.memory_space<hbm>>
        %dma_wait3A_62 = tpu.memref_squeeze %dma_wait3A_61 : memref<1x64x80xi32, #tpu.memory_space<hbm>> -> memref<64x80xi32, #tpu.memory_space<hbm>>
        %dma_wait3A_63 = arith.constant 0 : i32
        %dma_wait3A_64 = arith.constant 0 : i32
        %dma_wait3A_65 = arith.constant 0 : i32
        %dma_wait3A_66 = tpu.memref_slice %arg2[%arg1, %dma_wait3A_63, %dma_wait3A_64, %dma_wait3A_65] : memref<16x2x64x80xi32, #tpu.memory_space<hbm>> -> memref<1x2x64x80xi32, #tpu.memory_space<hbm>>
        %dma_wait3A_67 = tpu.memref_squeeze %dma_wait3A_66 : memref<1x2x64x80xi32, #tpu.memory_space<hbm>> -> memref<2x64x80xi32, #tpu.memory_space<hbm>>
        %dma_wait3A_68 = arith.constant 0 : i32
        %dma_wait3A_69 = arith.constant 0 : i32
        %dma_wait3A_70 = tpu.memref_slice %dma_wait3A_67[%scan3A_10, %dma_wait3A_68, %dma_wait3A_69] : memref<2x64x80xi32, #tpu.memory_space<hbm>> -> memref<1x64x80xi32, #tpu.memory_space<hbm>>
        %dma_wait3A_71 = tpu.memref_squeeze %dma_wait3A_70 : memref<1x64x80xi32, #tpu.memory_space<hbm>> -> memref<64x80xi32, #tpu.memory_space<hbm>>
        tpu.wait_dma2 semaphore(%run_scoped3A : memref<!tpu.dma_semaphore, #tpu.memory_space<semaphore_mem>>) src(%dma_wait3A_71 : memref<64x80xi32, #tpu.memory_space<hbm>>) dst(%arg7 : memref<64x80xi32, #tpu.memory_space<vmem>>)
        tpu.yield
      }) : () -> ()
      "tpu.region"() ({
        %run_scoped3A = tpu.sem_alloc : memref<!tpu.dma_semaphore, #tpu.memory_space<semaphore_mem>>
        %dma_start3A_37 = arith.constant 0 : i32
        %dma_start3A_38 = arith.constant 0 : i32
        %dma_start3A_39 = arith.constant 0 : i32
        %dma_start3A_40 = tpu.memref_slice %arg3[%arg1, %dma_start3A_37, %dma_start3A_38, %dma_start3A_39] : memref<16x2x64x80xi32, #tpu.memory_space<hbm>> -> memref<1x2x64x80xi32, #tpu.memory_space<hbm>>
        %dma_start3A_41 = tpu.memref_squeeze %dma_start3A_40 : memref<1x2x64x80xi32, #tpu.memory_space<hbm>> -> memref<2x64x80xi32, #tpu.memory_space<hbm>>
        %dma_start3A_42 = arith.constant 0 : i32
        %dma_start3A_43 = arith.constant 0 : i32
        %dma_start3A_44 = tpu.memref_slice %dma_start3A_41[%scan3A_10, %dma_start3A_42, %dma_start3A_43] : memref<2x64x80xi32, #tpu.memory_space<hbm>> -> memref<1x64x80xi32, #tpu.memory_space<hbm>>
        %dma_start3A_45 = tpu.memref_squeeze %dma_start3A_44 : memref<1x64x80xi32, #tpu.memory_space<hbm>> -> memref<64x80xi32, #tpu.memory_space<hbm>>
        %dma_start3A_46 = arith.constant 0 : i32
        %dma_start3A_47 = arith.constant 0 : i32
        %dma_start3A_48 = arith.constant 0 : i32
        %dma_start3A_49 = tpu.memref_slice %arg3[%arg1, %dma_start3A_46, %dma_start3A_47, %dma_start3A_48] : memref<16x2x64x80xi32, #tpu.memory_space<hbm>> -> memref<1x2x64x80xi32, #tpu.memory_space<hbm>>
        %dma_start3A_50 = tpu.memref_squeeze %dma_start3A_49 : memref<1x2x64x80xi32, #tpu.memory_space<hbm>> -> memref<2x64x80xi32, #tpu.memory_space<hbm>>
        %dma_start3A_51 = arith.constant 0 : i32
        %dma_start3A_52 = arith.constant 0 : i32
        %dma_start3A_53 = tpu.memref_slice %dma_start3A_50[%scan3A_10, %dma_start3A_51, %dma_start3A_52] : memref<2x64x80xi32, #tpu.memory_space<hbm>> -> memref<1x64x80xi32, #tpu.memory_space<hbm>>
        %dma_start3A_54 = tpu.memref_squeeze %dma_start3A_53 : memref<1x64x80xi32, #tpu.memory_space<hbm>> -> memref<64x80xi32, #tpu.memory_space<hbm>>
        tpu.enqueue_dma source(%dma_start3A_54 : memref<64x80xi32, #tpu.memory_space<hbm>>) target(%arg8 : memref<64x80xi32, #tpu.memory_space<vmem>>) target_semaphore(%run_scoped3A : memref<!tpu.dma_semaphore, #tpu.memory_space<semaphore_mem>>)
        %dma_wait3A = arith.constant 0 : i32
        %dma_wait3A_55 = arith.constant 0 : i32
        %dma_wait3A_56 = arith.constant 0 : i32
        %dma_wait3A_57 = tpu.memref_slice %arg3[%arg1, %dma_wait3A, %dma_wait3A_55, %dma_wait3A_56] : memref<16x2x64x80xi32, #tpu.memory_space<hbm>> -> memref<1x2x64x80xi32, #tpu.memory_space<hbm>>
        %dma_wait3A_58 = tpu.memref_squeeze %dma_wait3A_57 : memref<1x2x64x80xi32, #tpu.memory_space<hbm>> -> memref<2x64x80xi32, #tpu.memory_space<hbm>>
        %dma_wait3A_59 = arith.constant 0 : i32
        %dma_wait3A_60 = arith.constant 0 : i32
        %dma_wait3A_61 = tpu.memref_slice %dma_wait3A_58[%scan3A_10, %dma_wait3A_59, %dma_wait3A_60] : memref<2x64x80xi32, #tpu.memory_space<hbm>> -> memref<1x64x80xi32, #tpu.memory_space<hbm>>
        %dma_wait3A_62 = tpu.memref_squeeze %dma_wait3A_61 : memref<1x64x80xi32, #tpu.memory_space<hbm>> -> memref<64x80xi32, #tpu.memory_space<hbm>>
        %dma_wait3A_63 = arith.constant 0 : i32
        %dma_wait3A_64 = arith.constant 0 : i32
        %dma_wait3A_65 = arith.constant 0 : i32
        %dma_wait3A_66 = tpu.memref_slice %arg3[%arg1, %dma_wait3A_63, %dma_wait3A_64, %dma_wait3A_65] : memref<16x2x64x80xi32, #tpu.memory_space<hbm>> -> memref<1x2x64x80xi32, #tpu.memory_space<hbm>>
        %dma_wait3A_67 = tpu.memref_squeeze %dma_wait3A_66 : memref<1x2x64x80xi32, #tpu.memory_space<hbm>> -> memref<2x64x80xi32, #tpu.memory_space<hbm>>
        %dma_wait3A_68 = arith.constant 0 : i32
        %dma_wait3A_69 = arith.constant 0 : i32
        %dma_wait3A_70 = tpu.memref_slice %dma_wait3A_67[%scan3A_10, %dma_wait3A_68, %dma_wait3A_69] : memref<2x64x80xi32, #tpu.memory_space<hbm>> -> memref<1x64x80xi32, #tpu.memory_space<hbm>>
        %dma_wait3A_71 = tpu.memref_squeeze %dma_wait3A_70 : memref<1x64x80xi32, #tpu.memory_space<hbm>> -> memref<64x80xi32, #tpu.memory_space<hbm>>
        tpu.wait_dma2 semaphore(%run_scoped3A : memref<!tpu.dma_semaphore, #tpu.memory_space<semaphore_mem>>) src(%dma_wait3A_71 : memref<64x80xi32, #tpu.memory_space<hbm>>) dst(%arg8 : memref<64x80xi32, #tpu.memory_space<vmem>>)
        tpu.yield
      }) : () -> ()
      %dma_start3A = arith.constant 0 : i32
      %dma_start3A_11 = arith.constant 0 : i32
      %dma_start3A_12 = tpu.memref_slice %arg7[%dma_start3A, %dma_start3A_11] : memref<64x80xi32, #tpu.memory_space<vmem>> -> memref<1x80xi32, #tpu.memory_space<vmem>>
      %dma_start3A_13 = tpu.memref_squeeze %dma_start3A_12 : memref<1x80xi32, #tpu.memory_space<vmem>> -> memref<80xi32, #tpu.memory_space<vmem>>
      %dma_start3A_14 = arith.constant 0 : i32
      %dma_start3A_15 = arith.constant 0 : i32
      %dma_start3A_16 = tpu.memref_slice %arg4[%arg0, %dma_start3A_14, %dma_start3A_15] : memref<2x10000x128xf32, #tpu.memory_space<hbm>> -> memref<1x10000x128xf32, #tpu.memory_space<hbm>>
      %dma_start3A_17 = tpu.memref_squeeze %dma_start3A_16 : memref<1x10000x128xf32, #tpu.memory_space<hbm>> -> memref<10000x128xf32, #tpu.memory_space<hbm>>
      %dma_start3A_18 = arith.constant 0 : i32
      %dma_start3A_19 = arith.constant 0 : i32
      %dma_start3A_20 = tpu.memref_slice %dma_start3A_17[%dma_start3A_18, %dma_start3A_19] : memref<10000x128xf32, #tpu.memory_space<hbm>> -> memref<10000x128xf32, #tpu.memory_space<hbm>>
      tpu.enqueue_indirect_dma source(%dma_start3A_20 : memref<10000x128xf32, #tpu.memory_space<hbm>>) target(%arg9 : memref<80x128xf32, #tpu.memory_space<vmem>>) offsets(%dma_start3A_13 : memref<80xi32, #tpu.memory_space<vmem>>) semaphore(%arg12 : memref<!tpu.dma_semaphore, #tpu.memory_space<semaphore_mem>>)
      %dma_start3A_21 = arith.constant 1 : i32
      %dma_start3A_22 = arith.constant 0 : i32
      %dma_start3A_23 = tpu.memref_slice %arg7[%dma_start3A_21, %dma_start3A_22] : memref<64x80xi32, #tpu.memory_space<vmem>> -> memref<1x80xi32, #tpu.memory_space<vmem>>
      %dma_start3A_24 = tpu.memref_squeeze %dma_start3A_23 : memref<1x80xi32, #tpu.memory_space<vmem>> -> memref<80xi32, #tpu.memory_space<vmem>>
      %dma_start3A_25 = arith.constant 0 : i32
      %dma_start3A_26 = arith.constant 0 : i32
      %dma_start3A_27 = tpu.memref_slice %arg4[%arg0, %dma_start3A_25, %dma_start3A_26] : memref<2x10000x128xf32, #tpu.memory_space<hbm>> -> memref<1x10000x128xf32, #tpu.memory_space<hbm>>
      %dma_start3A_28 = tpu.memref_squeeze %dma_start3A_27 : memref<1x10000x128xf32, #tpu.memory_space<hbm>> -> memref<10000x128xf32, #tpu.memory_space<hbm>>
      %dma_start3A_29 = arith.constant 0 : i32
      %dma_start3A_30 = arith.constant 0 : i32
      %dma_start3A_31 = tpu.memref_slice %dma_start3A_28[%dma_start3A_29, %dma_start3A_30] : memref<10000x128xf32, #tpu.memory_space<hbm>> -> memref<10000x128xf32, #tpu.memory_space<hbm>>
      tpu.enqueue_indirect_dma source(%dma_start3A_31 : memref<10000x128xf32, #tpu.memory_space<hbm>>) target(%arg10 : memref<80x128xf32, #tpu.memory_space<vmem>>) offsets(%dma_start3A_24 : memref<80xi32, #tpu.memory_space<vmem>>) semaphore(%arg13 : memref<!tpu.dma_semaphore, #tpu.memory_space<semaphore_mem>>)
      %scan3A_32 = arith.constant 0 : i32
      %scan3A_33 = arith.constant 32 : i32
      %scan3A_34 = arith.addi %scan3A_32, %scan3A_33 : i32
      %scan3A_35 = arith.constant 1 : i32
      scf.for %scan3A_37 = %scan3A_32 to %scan3A_34 step %scan3A_35  : i32 {
        %mul3A_38 = arith.constant 2 : i32
        %mul3A_39 = arith.muli %scan3A_37, %mul3A_38 : i32
        %add3A = arith.constant 0 : i32
        %add3A_40 = arith.addi %mul3A_39, %add3A : i32
        %dma_wait3A = arith.constant 0 : i32
        %dma_wait3A_41 = arith.constant 0 : i32
        %dma_wait3A_42 = tpu.memref_slice %arg4[%arg0, %dma_wait3A, %dma_wait3A_41] : memref<2x10000x128xf32, #tpu.memory_space<hbm>> -> memref<1x10000x128xf32, #tpu.memory_space<hbm>>
        %dma_wait3A_43 = tpu.memref_squeeze %dma_wait3A_42 : memref<1x10000x128xf32, #tpu.memory_space<hbm>> -> memref<10000x128xf32, #tpu.memory_space<hbm>>
        %dma_wait3A_44 = arith.constant 0 : i32
        %dma_wait3A_45 = arith.constant 0 : i32
        %dma_wait3A_46 = tpu.memref_slice %dma_wait3A_43[%dma_wait3A_44, %dma_wait3A_45] : memref<10000x128xf32, #tpu.memory_space<hbm>> -> memref<80x128xf32, #tpu.memory_space<hbm>>
        %dma_wait3A_47 = arith.constant 0 : i32
        %dma_wait3A_48 = arith.constant 0 : i32
        %dma_wait3A_49 = tpu.memref_slice %arg4[%arg0, %dma_wait3A_47, %dma_wait3A_48] : memref<2x10000x128xf32, #tpu.memory_space<hbm>> -> memref<1x10000x128xf32, #tpu.memory_space<hbm>>
        %dma_wait3A_50 = tpu.memref_squeeze %dma_wait3A_49 : memref<1x10000x128xf32, #tpu.memory_space<hbm>> -> memref<10000x128xf32, #tpu.memory_space<hbm>>
        %dma_wait3A_51 = arith.constant 0 : i32
        %dma_wait3A_52 = arith.constant 0 : i32
        %dma_wait3A_53 = tpu.memref_slice %dma_wait3A_50[%dma_wait3A_51, %dma_wait3A_52] : memref<10000x128xf32, #tpu.memory_space<hbm>> -> memref<80x128xf32, #tpu.memory_space<hbm>>
        tpu.wait_dma2 semaphore(%arg12 : memref<!tpu.dma_semaphore, #tpu.memory_space<semaphore_mem>>) src(%dma_wait3A_53 : memref<80x128xf32, #tpu.memory_space<hbm>>) dst(%arg9 : memref<80x128xf32, #tpu.memory_space<vmem>>)
        "tpu.region"() ({
          %run_scoped3A = tpu.sem_alloc : memref<!tpu.dma_semaphore, #tpu.memory_space<semaphore_mem>>
          %dma_start3A_79 = arith.constant 0 : i32
          %dma_start3A_80 = tpu.memref_slice %arg8[%add3A_40, %dma_start3A_79] : memref<64x80xi32, #tpu.memory_space<vmem>> -> memref<1x80xi32, #tpu.memory_space<vmem>>
          %dma_start3A_81 = tpu.memref_squeeze %dma_start3A_80 : memref<1x80xi32, #tpu.memory_space<vmem>> -> memref<80xi32, #tpu.memory_space<vmem>>
          %dma_start3A_82 = arith.constant 0 : i32
          %dma_start3A_83 = arith.constant 0 : i32
          %dma_start3A_84 = tpu.memref_slice %arg11[%dma_start3A_82, %dma_start3A_83] : memref<10112x128xf32, #tpu.memory_space<vmem_shared>> -> memref<10112x128xf32, #tpu.memory_space<vmem_shared>>
          tpu.enqueue_indirect_dma source(%arg9 : memref<80x128xf32, #tpu.memory_space<vmem>>) target(%dma_start3A_84 : memref<10112x128xf32, #tpu.memory_space<vmem_shared>>) offsets(%dma_start3A_81 : memref<80xi32, #tpu.memory_space<vmem>>) semaphore(%run_scoped3A : memref<!tpu.dma_semaphore, #tpu.memory_space<semaphore_mem>>) {add = true}
          %dma_wait3A_85 = arith.constant 0 : i32
          %dma_wait3A_86 = tpu.memref_slice %arg8[%add3A_40, %dma_wait3A_85] : memref<64x80xi32, #tpu.memory_space<vmem>> -> memref<1x80xi32, #tpu.memory_space<vmem>>
          %dma_wait3A_87 = tpu.memref_squeeze %dma_wait3A_86 : memref<1x80xi32, #tpu.memory_space<vmem>> -> memref<80xi32, #tpu.memory_space<vmem>>
          %dma_wait3A_88 = arith.constant 0 : i32
          %dma_wait3A_89 = arith.constant 0 : i32
          %dma_wait3A_90 = tpu.memref_slice %arg11[%dma_wait3A_88, %dma_wait3A_89] : memref<10112x128xf32, #tpu.memory_space<vmem_shared>> -> memref<10112x128xf32, #tpu.memory_space<vmem_shared>>
          tpu.wait_indirect_dma semaphore(%run_scoped3A : memref<!tpu.dma_semaphore, #tpu.memory_space<semaphore_mem>>) src(%arg9 : memref<80x128xf32, #tpu.memory_space<vmem>>) dst(%dma_wait3A_90 : memref<10112x128xf32, #tpu.memory_space<vmem_shared>>)
          tpu.yield
        }) : () -> ()
        %lt3A = arith.constant 31 : i32
        %lt3A_54 = arith.cmpi slt, %scan3A_37, %lt3A : i32
        %convert_element_type3A = arith.extui %lt3A_54 : i1 to i32
        %cond3A = arith.constant 0 : i32
        %cond3A_55 = arith.cmpi ne, %convert_element_type3A, %cond3A : i32
        scf.if %cond3A_55 {
          %add3A_79 = arith.constant 2 : i32
          %add3A_80 = arith.addi %add3A_40, %add3A_79 : i32
          %dma_start3A_81 = arith.constant 0 : i32
          %dma_start3A_82 = tpu.memref_slice %arg7[%add3A_80, %dma_start3A_81] : memref<64x80xi32, #tpu.memory_space<vmem>> -> memref<1x80xi32, #tpu.memory_space<vmem>>
          %dma_start3A_83 = tpu.memref_squeeze %dma_start3A_82 : memref<1x80xi32, #tpu.memory_space<vmem>> -> memref<80xi32, #tpu.memory_space<vmem>>
          %dma_start3A_84 = arith.constant 0 : i32
          %dma_start3A_85 = arith.constant 0 : i32
          %dma_start3A_86 = tpu.memref_slice %arg4[%arg0, %dma_start3A_84, %dma_start3A_85] : memref<2x10000x128xf32, #tpu.memory_space<hbm>> -> memref<1x10000x128xf32, #tpu.memory_space<hbm>>
          %dma_start3A_87 = tpu.memref_squeeze %dma_start3A_86 : memref<1x10000x128xf32, #tpu.memory_space<hbm>> -> memref<10000x128xf32, #tpu.memory_space<hbm>>
          %dma_start3A_88 = arith.constant 0 : i32
          %dma_start3A_89 = arith.constant 0 : i32
          %dma_start3A_90 = tpu.memref_slice %dma_start3A_87[%dma_start3A_88, %dma_start3A_89] : memref<10000x128xf32, #tpu.memory_space<hbm>> -> memref<10000x128xf32, #tpu.memory_space<hbm>>
          tpu.enqueue_indirect_dma source(%dma_start3A_90 : memref<10000x128xf32, #tpu.memory_space<hbm>>) target(%arg9 : memref<80x128xf32, #tpu.memory_space<vmem>>) offsets(%dma_start3A_83 : memref<80xi32, #tpu.memory_space<vmem>>) semaphore(%arg12 : memref<!tpu.dma_semaphore, #tpu.memory_space<semaphore_mem>>)
        } else {
        }
        %mul3A_56 = arith.constant 2 : i32
        %mul3A_57 = arith.muli %scan3A_37, %mul3A_56 : i32
        %add3A_58 = arith.constant 1 : i32
        %add3A_59 = arith.addi %mul3A_57, %add3A_58 : i32
        %dma_wait3A_60 = arith.constant 0 : i32
        %dma_wait3A_61 = arith.constant 0 : i32
        %dma_wait3A_62 = tpu.memref_slice %arg4[%arg0, %dma_wait3A_60, %dma_wait3A_61] : memref<2x10000x128xf32, #tpu.memory_space<hbm>> -> memref<1x10000x128xf32, #tpu.memory_space<hbm>>
        %dma_wait3A_63 = tpu.memref_squeeze %dma_wait3A_62 : memref<1x10000x128xf32, #tpu.memory_space<hbm>> -> memref<10000x128xf32, #tpu.memory_space<hbm>>
        %dma_wait3A_64 = arith.constant 0 : i32
        %dma_wait3A_65 = arith.constant 0 : i32
        %dma_wait3A_66 = tpu.memref_slice %dma_wait3A_63[%dma_wait3A_64, %dma_wait3A_65] : memref<10000x128xf32, #tpu.memory_space<hbm>> -> memref<80x128xf32, #tpu.memory_space<hbm>>
        %dma_wait3A_67 = arith.constant 0 : i32
        %dma_wait3A_68 = arith.constant 0 : i32
        %dma_wait3A_69 = tpu.memref_slice %arg4[%arg0, %dma_wait3A_67, %dma_wait3A_68] : memref<2x10000x128xf32, #tpu.memory_space<hbm>> -> memref<1x10000x128xf32, #tpu.memory_space<hbm>>
        %dma_wait3A_70 = tpu.memref_squeeze %dma_wait3A_69 : memref<1x10000x128xf32, #tpu.memory_space<hbm>> -> memref<10000x128xf32, #tpu.memory_space<hbm>>
        %dma_wait3A_71 = arith.constant 0 : i32
        %dma_wait3A_72 = arith.constant 0 : i32
        %dma_wait3A_73 = tpu.memref_slice %dma_wait3A_70[%dma_wait3A_71, %dma_wait3A_72] : memref<10000x128xf32, #tpu.memory_space<hbm>> -> memref<80x128xf32, #tpu.memory_space<hbm>>
        tpu.wait_dma2 semaphore(%arg13 : memref<!tpu.dma_semaphore, #tpu.memory_space<semaphore_mem>>) src(%dma_wait3A_73 : memref<80x128xf32, #tpu.memory_space<hbm>>) dst(%arg10 : memref<80x128xf32, #tpu.memory_space<vmem>>)
        "tpu.region"() ({
          %run_scoped3A = tpu.sem_alloc : memref<!tpu.dma_semaphore, #tpu.memory_space<semaphore_mem>>
          %dma_start3A_79 = arith.constant 0 : i32
          %dma_start3A_80 = tpu.memref_slice %arg8[%add3A_59, %dma_start3A_79] : memref<64x80xi32, #tpu.memory_space<vmem>> -> memref<1x80xi32, #tpu.memory_space<vmem>>
          %dma_start3A_81 = tpu.memref_squeeze %dma_start3A_80 : memref<1x80xi32, #tpu.memory_space<vmem>> -> memref<80xi32, #tpu.memory_space<vmem>>
          %dma_start3A_82 = arith.constant 0 : i32
          %dma_start3A_83 = arith.constant 0 : i32
          %dma_start3A_84 = tpu.memref_slice %arg11[%dma_start3A_82, %dma_start3A_83] : memref<10112x128xf32, #tpu.memory_space<vmem_shared>> -> memref<10112x128xf32, #tpu.memory_space<vmem_shared>>
          tpu.enqueue_indirect_dma source(%arg10 : memref<80x128xf32, #tpu.memory_space<vmem>>) target(%dma_start3A_84 : memref<10112x128xf32, #tpu.memory_space<vmem_shared>>) offsets(%dma_start3A_81 : memref<80xi32, #tpu.memory_space<vmem>>) semaphore(%run_scoped3A : memref<!tpu.dma_semaphore, #tpu.memory_space<semaphore_mem>>) {add = true}
          %dma_wait3A_85 = arith.constant 0 : i32
          %dma_wait3A_86 = tpu.memref_slice %arg8[%add3A_59, %dma_wait3A_85] : memref<64x80xi32, #tpu.memory_space<vmem>> -> memref<1x80xi32, #tpu.memory_space<vmem>>
          %dma_wait3A_87 = tpu.memref_squeeze %dma_wait3A_86 : memref<1x80xi32, #tpu.memory_space<vmem>> -> memref<80xi32, #tpu.memory_space<vmem>>
          %dma_wait3A_88 = arith.constant 0 : i32
          %dma_wait3A_89 = arith.constant 0 : i32
          %dma_wait3A_90 = tpu.memref_slice %arg11[%dma_wait3A_88, %dma_wait3A_89] : memref<10112x128xf32, #tpu.memory_space<vmem_shared>> -> memref<10112x128xf32, #tpu.memory_space<vmem_shared>>
          tpu.wait_indirect_dma semaphore(%run_scoped3A : memref<!tpu.dma_semaphore, #tpu.memory_space<semaphore_mem>>) src(%arg10 : memref<80x128xf32, #tpu.memory_space<vmem>>) dst(%dma_wait3A_90 : memref<10112x128xf32, #tpu.memory_space<vmem_shared>>)
          tpu.yield
        }) : () -> ()
        %lt3A_74 = arith.constant 31 : i32
        %lt3A_75 = arith.cmpi slt, %scan3A_37, %lt3A_74 : i32
        %convert_element_type3A_76 = arith.extui %lt3A_75 : i1 to i32
        %cond3A_77 = arith.constant 0 : i32
        %cond3A_78 = arith.cmpi ne, %convert_element_type3A_76, %cond3A_77 : i32
        scf.if %cond3A_78 {
          %add3A_79 = arith.constant 2 : i32
          %add3A_80 = arith.addi %add3A_59, %add3A_79 : i32
          %dma_start3A_81 = arith.constant 0 : i32
          %dma_start3A_82 = tpu.memref_slice %arg7[%add3A_80, %dma_start3A_81] : memref<64x80xi32, #tpu.memory_space<vmem>> -> memref<1x80xi32, #tpu.memory_space<vmem>>
          %dma_start3A_83 = tpu.memref_squeeze %dma_start3A_82 : memref<1x80xi32, #tpu.memory_space<vmem>> -> memref<80xi32, #tpu.memory_space<vmem>>
          %dma_start3A_84 = arith.constant 0 : i32
          %dma_start3A_85 = arith.constant 0 : i32
          %dma_start3A_86 = tpu.memref_slice %arg4[%arg0, %dma_start3A_84, %dma_start3A_85] : memref<2x10000x128xf32, #tpu.memory_space<hbm>> -> memref<1x10000x128xf32, #tpu.memory_space<hbm>>
          %dma_start3A_87 = tpu.memref_squeeze %dma_start3A_86 : memref<1x10000x128xf32, #tpu.memory_space<hbm>> -> memref<10000x128xf32, #tpu.memory_space<hbm>>
          %dma_start3A_88 = arith.constant 0 : i32
          %dma_start3A_89 = arith.constant 0 : i32
          %dma_start3A_90 = tpu.memref_slice %dma_start3A_87[%dma_start3A_88, %dma_start3A_89] : memref<10000x128xf32, #tpu.memory_space<hbm>> -> memref<10000x128xf32, #tpu.memory_space<hbm>>
          tpu.enqueue_indirect_dma source(%dma_start3A_90 : memref<10000x128xf32, #tpu.memory_space<hbm>>) target(%arg10 : memref<80x128xf32, #tpu.memory_space<vmem>>) offsets(%dma_start3A_83 : memref<80xi32, #tpu.memory_space<vmem>>) semaphore(%arg13 : memref<!tpu.dma_semaphore, #tpu.memory_space<semaphore_mem>>)
        } else {
        }
      }
      %scan3A_36 = arith.constant 32 : i32
    }
    %scan3A_4 = arith.constant 2 : i32
    %barrier3A_5 = arith.constant 0 : index
    tpu.barrier barrier_id(%barrier3A_5)
    %mul3A_6 = arith.constant 632 : i32
    %mul3A_7 = arith.muli %arg1, %mul3A_6 : i32
    %mul3A_8 = arith.constant 632 : i32
    %mul3A_9 = arith.muli %arg1, %mul3A_8 : i32
    "tpu.region"() ({
      %run_scoped3A = tpu.sem_alloc : memref<!tpu.dma_semaphore, #tpu.memory_space<semaphore_mem>>
      %dma_start3A = arith.constant 0 : i32
      %dma_start3A_10 = arith.constant 0 : i32
      %dma_start3A_11 = tpu.memref_slice %arg6[%arg0, %dma_start3A, %dma_start3A_10] : memref<2x10112x128xf32, #tpu.memory_space<hbm>> -> memref<1x10112x128xf32, #tpu.memory_space<hbm>>
      %dma_start3A_12 = tpu.memref_squeeze %dma_start3A_11 : memref<1x10112x128xf32, #tpu.memory_space<hbm>> -> memref<10112x128xf32, #tpu.memory_space<hbm>>
      %dma_start3A_13 = arith.constant 0 : i32
      %dma_start3A_14 = tpu.memref_slice %dma_start3A_12[%mul3A_9, %dma_start3A_13] : memref<10112x128xf32, #tpu.memory_space<hbm>> -> memref<632x128xf32, #tpu.memory_space<hbm>>
      %dma_start3A_15 = arith.constant 0 : i32
      %dma_start3A_16 = tpu.memref_slice %arg11[%mul3A_7, %dma_start3A_15] : memref<10112x128xf32, #tpu.memory_space<vmem_shared>> -> memref<632x128xf32, #tpu.memory_space<vmem_shared>>
      tpu.enqueue_dma source(%dma_start3A_16 : memref<632x128xf32, #tpu.memory_space<vmem_shared>>) target(%dma_start3A_14 : memref<632x128xf32, #tpu.memory_space<hbm>>) target_semaphore(%run_scoped3A : memref<!tpu.dma_semaphore, #tpu.memory_space<semaphore_mem>>)
      %dma_wait3A = arith.constant 0 : i32
      %dma_wait3A_17 = arith.constant 0 : i32
      %dma_wait3A_18 = tpu.memref_slice %arg6[%arg0, %dma_wait3A, %dma_wait3A_17] : memref<2x10112x128xf32, #tpu.memory_space<hbm>> -> memref<1x10112x128xf32, #tpu.memory_space<hbm>>
      %dma_wait3A_19 = tpu.memref_squeeze %dma_wait3A_18 : memref<1x10112x128xf32, #tpu.memory_space<hbm>> -> memref<10112x128xf32, #tpu.memory_space<hbm>>
      %dma_wait3A_20 = arith.constant 0 : i32
      %dma_wait3A_21 = tpu.memref_slice %dma_wait3A_19[%mul3A_9, %dma_wait3A_20] : memref<10112x128xf32, #tpu.memory_space<hbm>> -> memref<632x128xf32, #tpu.memory_space<hbm>>
      %dma_wait3A_22 = arith.constant 0 : i32
      %dma_wait3A_23 = tpu.memref_slice %arg11[%mul3A_7, %dma_wait3A_22] : memref<10112x128xf32, #tpu.memory_space<vmem_shared>> -> memref<632x128xf32, #tpu.memory_space<vmem_shared>>
      tpu.wait_dma2 semaphore(%run_scoped3A : memref<!tpu.dma_semaphore, #tpu.memory_space<semaphore_mem>>) src(%dma_wait3A_23 : memref<632x128xf32, #tpu.memory_space<vmem_shared>>) dst(%dma_wait3A_21 : memref<632x128xf32, #tpu.memory_space<hbm>>)
      tpu.yield
    }) : () -> ()
    return
  }
}

#map = affine_map<(d0, d1) -> (0, 0, 0, 0)>
#map1 = affine_map<(d0, d1) -> (0, 0)>
#map2 = affine_map<(d0, d1) -> (0, 0, 0)>
module attributes {stable_mosaic.version = 14 : i64} {
  func.func @_deg_kernel(%arg0: i32, %arg1: i32, %arg2: memref<2x16x64x80xi32, #tpu.memory_space<hbm>>, %arg3: memref<80x128xf32, #tpu.memory_space<hbm>>, %arg4: memref<632x128xf32, #tpu.memory_space<hbm>>, %arg5: memref<2x10112x128xf32, #tpu.memory_space<hbm>>, %arg6: memref<64x80xi32, #tpu.memory_space<vmem>>, %arg7: memref<80x128xf32, #tpu.memory_space<vmem>>, %arg8: memref<10112x128xf32, #tpu.memory_space<vmem_shared>>) attributes {dimension_semantics = [#tpu.dimension_semantics<core_parallel>, #tpu.dimension_semantics<subcore_parallel>], iteration_bounds = array<i64: 2, 16>, scalar_prefetch = 0 : i64, scratch_operands = 3 : i64, tpu.core_type = #tpu.core_type<sc_vector_subcore>, window_params = [{transform_indices = #map}, {transform_indices = #map1}, {transform_indices = #map1}, {transform_indices = #map2}]} {
    "tpu.region"() ({
      %run_scoped3A = tpu.sem_alloc : memref<!tpu.dma_semaphore, #tpu.memory_space<semaphore_mem>>
      %dma_start3A = arith.constant 0 : i32
      %dma_start3A_10 = arith.constant 0 : i32
      %dma_start3A_11 = arith.constant 0 : i32
      %dma_start3A_12 = tpu.memref_slice %arg2[%arg0, %dma_start3A, %dma_start3A_10, %dma_start3A_11] : memref<2x16x64x80xi32, #tpu.memory_space<hbm>> -> memref<1x16x64x80xi32, #tpu.memory_space<hbm>>
      %dma_start3A_13 = tpu.memref_squeeze %dma_start3A_12 : memref<1x16x64x80xi32, #tpu.memory_space<hbm>> -> memref<16x64x80xi32, #tpu.memory_space<hbm>>
      %dma_start3A_14 = arith.constant 0 : i32
      %dma_start3A_15 = arith.constant 0 : i32
      %dma_start3A_16 = tpu.memref_slice %dma_start3A_13[%arg1, %dma_start3A_14, %dma_start3A_15] : memref<16x64x80xi32, #tpu.memory_space<hbm>> -> memref<1x64x80xi32, #tpu.memory_space<hbm>>
      %dma_start3A_17 = tpu.memref_squeeze %dma_start3A_16 : memref<1x64x80xi32, #tpu.memory_space<hbm>> -> memref<64x80xi32, #tpu.memory_space<hbm>>
      %dma_start3A_18 = arith.constant 0 : i32
      %dma_start3A_19 = arith.constant 0 : i32
      %dma_start3A_20 = arith.constant 0 : i32
      %dma_start3A_21 = tpu.memref_slice %arg2[%arg0, %dma_start3A_18, %dma_start3A_19, %dma_start3A_20] : memref<2x16x64x80xi32, #tpu.memory_space<hbm>> -> memref<1x16x64x80xi32, #tpu.memory_space<hbm>>
      %dma_start3A_22 = tpu.memref_squeeze %dma_start3A_21 : memref<1x16x64x80xi32, #tpu.memory_space<hbm>> -> memref<16x64x80xi32, #tpu.memory_space<hbm>>
      %dma_start3A_23 = arith.constant 0 : i32
      %dma_start3A_24 = arith.constant 0 : i32
      %dma_start3A_25 = tpu.memref_slice %dma_start3A_22[%arg1, %dma_start3A_23, %dma_start3A_24] : memref<16x64x80xi32, #tpu.memory_space<hbm>> -> memref<1x64x80xi32, #tpu.memory_space<hbm>>
      %dma_start3A_26 = tpu.memref_squeeze %dma_start3A_25 : memref<1x64x80xi32, #tpu.memory_space<hbm>> -> memref<64x80xi32, #tpu.memory_space<hbm>>
      tpu.enqueue_dma source(%dma_start3A_26 : memref<64x80xi32, #tpu.memory_space<hbm>>) target(%arg6 : memref<64x80xi32, #tpu.memory_space<vmem>>) target_semaphore(%run_scoped3A : memref<!tpu.dma_semaphore, #tpu.memory_space<semaphore_mem>>)
      %dma_wait3A = arith.constant 0 : i32
      %dma_wait3A_27 = arith.constant 0 : i32
      %dma_wait3A_28 = arith.constant 0 : i32
      %dma_wait3A_29 = tpu.memref_slice %arg2[%arg0, %dma_wait3A, %dma_wait3A_27, %dma_wait3A_28] : memref<2x16x64x80xi32, #tpu.memory_space<hbm>> -> memref<1x16x64x80xi32, #tpu.memory_space<hbm>>
      %dma_wait3A_30 = tpu.memref_squeeze %dma_wait3A_29 : memref<1x16x64x80xi32, #tpu.memory_space<hbm>> -> memref<16x64x80xi32, #tpu.memory_space<hbm>>
      %dma_wait3A_31 = arith.constant 0 : i32
      %dma_wait3A_32 = arith.constant 0 : i32
      %dma_wait3A_33 = tpu.memref_slice %dma_wait3A_30[%arg1, %dma_wait3A_31, %dma_wait3A_32] : memref<16x64x80xi32, #tpu.memory_space<hbm>> -> memref<1x64x80xi32, #tpu.memory_space<hbm>>
      %dma_wait3A_34 = tpu.memref_squeeze %dma_wait3A_33 : memref<1x64x80xi32, #tpu.memory_space<hbm>> -> memref<64x80xi32, #tpu.memory_space<hbm>>
      %dma_wait3A_35 = arith.constant 0 : i32
      %dma_wait3A_36 = arith.constant 0 : i32
      %dma_wait3A_37 = arith.constant 0 : i32
      %dma_wait3A_38 = tpu.memref_slice %arg2[%arg0, %dma_wait3A_35, %dma_wait3A_36, %dma_wait3A_37] : memref<2x16x64x80xi32, #tpu.memory_space<hbm>> -> memref<1x16x64x80xi32, #tpu.memory_space<hbm>>
      %dma_wait3A_39 = tpu.memref_squeeze %dma_wait3A_38 : memref<1x16x64x80xi32, #tpu.memory_space<hbm>> -> memref<16x64x80xi32, #tpu.memory_space<hbm>>
      %dma_wait3A_40 = arith.constant 0 : i32
      %dma_wait3A_41 = arith.constant 0 : i32
      %dma_wait3A_42 = tpu.memref_slice %dma_wait3A_39[%arg1, %dma_wait3A_40, %dma_wait3A_41] : memref<16x64x80xi32, #tpu.memory_space<hbm>> -> memref<1x64x80xi32, #tpu.memory_space<hbm>>
      %dma_wait3A_43 = tpu.memref_squeeze %dma_wait3A_42 : memref<1x64x80xi32, #tpu.memory_space<hbm>> -> memref<64x80xi32, #tpu.memory_space<hbm>>
      tpu.wait_dma2 semaphore(%run_scoped3A : memref<!tpu.dma_semaphore, #tpu.memory_space<semaphore_mem>>) src(%dma_wait3A_43 : memref<64x80xi32, #tpu.memory_space<hbm>>) dst(%arg6 : memref<64x80xi32, #tpu.memory_space<vmem>>)
      tpu.yield
    }) : () -> ()
    "tpu.region"() ({
      %run_scoped3A = tpu.sem_alloc : memref<!tpu.dma_semaphore, #tpu.memory_space<semaphore_mem>>
      tpu.enqueue_dma source(%arg3 : memref<80x128xf32, #tpu.memory_space<hbm>>) target(%arg7 : memref<80x128xf32, #tpu.memory_space<vmem>>) target_semaphore(%run_scoped3A : memref<!tpu.dma_semaphore, #tpu.memory_space<semaphore_mem>>)
      tpu.wait_dma2 semaphore(%run_scoped3A : memref<!tpu.dma_semaphore, #tpu.memory_space<semaphore_mem>>) src(%arg3 : memref<80x128xf32, #tpu.memory_space<hbm>>) dst(%arg7 : memref<80x128xf32, #tpu.memory_space<vmem>>)
      tpu.yield
    }) : () -> ()
    %mul3A = arith.constant 632 : i32
    %mul3A_0 = arith.muli %arg1, %mul3A : i32
    "tpu.region"() ({
      %run_scoped3A = tpu.sem_alloc : memref<!tpu.dma_semaphore, #tpu.memory_space<semaphore_mem>>
      %dma_start3A = arith.constant 0 : i32
      %dma_start3A_10 = tpu.memref_slice %arg8[%mul3A_0, %dma_start3A] : memref<10112x128xf32, #tpu.memory_space<vmem_shared>> -> memref<632x128xf32, #tpu.memory_space<vmem_shared>>
      tpu.enqueue_dma source(%arg4 : memref<632x128xf32, #tpu.memory_space<hbm>>) target(%dma_start3A_10 : memref<632x128xf32, #tpu.memory_space<vmem_shared>>) target_semaphore(%run_scoped3A : memref<!tpu.dma_semaphore, #tpu.memory_space<semaphore_mem>>)
      %dma_wait3A = arith.constant 0 : i32
      %dma_wait3A_11 = tpu.memref_slice %arg8[%mul3A_0, %dma_wait3A] : memref<10112x128xf32, #tpu.memory_space<vmem_shared>> -> memref<632x128xf32, #tpu.memory_space<vmem_shared>>
      tpu.wait_dma2 semaphore(%run_scoped3A : memref<!tpu.dma_semaphore, #tpu.memory_space<semaphore_mem>>) src(%arg4 : memref<632x128xf32, #tpu.memory_space<hbm>>) dst(%dma_wait3A_11 : memref<632x128xf32, #tpu.memory_space<vmem_shared>>)
      tpu.yield
    }) : () -> ()
    %barrier3A = arith.constant 0 : index
    tpu.barrier barrier_id(%barrier3A)
    %scan3A = arith.constant 0 : i32
    %scan3A_1 = arith.constant 64 : i32
    %scan3A_2 = arith.addi %scan3A, %scan3A_1 : i32
    %scan3A_3 = arith.constant 1 : i32
    scf.for %scan3A_10 = %scan3A to %scan3A_2 step %scan3A_3  : i32 {
      "tpu.region"() ({
        %run_scoped3A = tpu.sem_alloc : memref<!tpu.dma_semaphore, #tpu.memory_space<semaphore_mem>>
        %dma_start3A = arith.constant 0 : i32
        %dma_start3A_11 = tpu.memref_slice %arg6[%scan3A_10, %dma_start3A] : memref<64x80xi32, #tpu.memory_space<vmem>> -> memref<1x80xi32, #tpu.memory_space<vmem>>
        %dma_start3A_12 = tpu.memref_squeeze %dma_start3A_11 : memref<1x80xi32, #tpu.memory_space<vmem>> -> memref<80xi32, #tpu.memory_space<vmem>>
        %dma_start3A_13 = arith.constant 0 : i32
        %dma_start3A_14 = arith.constant 0 : i32
        %dma_start3A_15 = tpu.memref_slice %arg8[%dma_start3A_13, %dma_start3A_14] : memref<10112x128xf32, #tpu.memory_space<vmem_shared>> -> memref<10112x128xf32, #tpu.memory_space<vmem_shared>>
        tpu.enqueue_indirect_dma source(%arg7 : memref<80x128xf32, #tpu.memory_space<vmem>>) target(%dma_start3A_15 : memref<10112x128xf32, #tpu.memory_space<vmem_shared>>) offsets(%dma_start3A_12 : memref<80xi32, #tpu.memory_space<vmem>>) semaphore(%run_scoped3A : memref<!tpu.dma_semaphore, #tpu.memory_space<semaphore_mem>>) {add = true}
        %dma_wait3A = arith.constant 0 : i32
        %dma_wait3A_16 = tpu.memref_slice %arg6[%scan3A_10, %dma_wait3A] : memref<64x80xi32, #tpu.memory_space<vmem>> -> memref<1x80xi32, #tpu.memory_space<vmem>>
        %dma_wait3A_17 = tpu.memref_squeeze %dma_wait3A_16 : memref<1x80xi32, #tpu.memory_space<vmem>> -> memref<80xi32, #tpu.memory_space<vmem>>
        %dma_wait3A_18 = arith.constant 0 : i32
        %dma_wait3A_19 = arith.constant 0 : i32
        %dma_wait3A_20 = tpu.memref_slice %arg8[%dma_wait3A_18, %dma_wait3A_19] : memref<10112x128xf32, #tpu.memory_space<vmem_shared>> -> memref<10112x128xf32, #tpu.memory_space<vmem_shared>>
        tpu.wait_indirect_dma semaphore(%run_scoped3A : memref<!tpu.dma_semaphore, #tpu.memory_space<semaphore_mem>>) src(%arg7 : memref<80x128xf32, #tpu.memory_space<vmem>>) dst(%dma_wait3A_20 : memref<10112x128xf32, #tpu.memory_space<vmem_shared>>)
        tpu.yield
      }) : () -> ()
    }
    %scan3A_4 = arith.constant 64 : i32
    %barrier3A_5 = arith.constant 0 : index
    tpu.barrier barrier_id(%barrier3A_5)
    %mul3A_6 = arith.constant 632 : i32
    %mul3A_7 = arith.muli %arg1, %mul3A_6 : i32
    %mul3A_8 = arith.constant 632 : i32
    %mul3A_9 = arith.muli %arg1, %mul3A_8 : i32
    "tpu.region"() ({
      %run_scoped3A = tpu.sem_alloc : memref<!tpu.dma_semaphore, #tpu.memory_space<semaphore_mem>>
      %dma_start3A = arith.constant 0 : i32
      %dma_start3A_10 = arith.constant 0 : i32
      %dma_start3A_11 = tpu.memref_slice %arg5[%arg0, %dma_start3A, %dma_start3A_10] : memref<2x10112x128xf32, #tpu.memory_space<hbm>> -> memref<1x10112x128xf32, #tpu.memory_space<hbm>>
      %dma_start3A_12 = tpu.memref_squeeze %dma_start3A_11 : memref<1x10112x128xf32, #tpu.memory_space<hbm>> -> memref<10112x128xf32, #tpu.memory_space<hbm>>
      %dma_start3A_13 = arith.constant 0 : i32
      %dma_start3A_14 = tpu.memref_slice %dma_start3A_12[%mul3A_9, %dma_start3A_13] : memref<10112x128xf32, #tpu.memory_space<hbm>> -> memref<632x128xf32, #tpu.memory_space<hbm>>
      %dma_start3A_15 = arith.constant 0 : i32
      %dma_start3A_16 = tpu.memref_slice %arg8[%mul3A_7, %dma_start3A_15] : memref<10112x128xf32, #tpu.memory_space<vmem_shared>> -> memref<632x128xf32, #tpu.memory_space<vmem_shared>>
      tpu.enqueue_dma source(%dma_start3A_16 : memref<632x128xf32, #tpu.memory_space<vmem_shared>>) target(%dma_start3A_14 : memref<632x128xf32, #tpu.memory_space<hbm>>) target_semaphore(%run_scoped3A : memref<!tpu.dma_semaphore, #tpu.memory_space<semaphore_mem>>)
      %dma_wait3A = arith.constant 0 : i32
      %dma_wait3A_17 = arith.constant 0 : i32
      %dma_wait3A_18 = tpu.memref_slice %arg5[%arg0, %dma_wait3A, %dma_wait3A_17] : memref<2x10112x128xf32, #tpu.memory_space<hbm>> -> memref<1x10112x128xf32, #tpu.memory_space<hbm>>
      %dma_wait3A_19 = tpu.memref_squeeze %dma_wait3A_18 : memref<1x10112x128xf32, #tpu.memory_space<hbm>> -> memref<10112x128xf32, #tpu.memory_space<hbm>>
      %dma_wait3A_20 = arith.constant 0 : i32
      %dma_wait3A_21 = tpu.memref_slice %dma_wait3A_19[%mul3A_9, %dma_wait3A_20] : memref<10112x128xf32, #tpu.memory_space<hbm>> -> memref<632x128xf32, #tpu.memory_space<hbm>>
      %dma_wait3A_22 = arith.constant 0 : i32
      %dma_wait3A_23 = tpu.memref_slice %arg8[%mul3A_7, %dma_wait3A_22] : memref<10112x128xf32, #tpu.memory_space<vmem_shared>> -> memref<632x128xf32, #tpu.memory_space<vmem_shared>>
      tpu.wait_dma2 semaphore(%run_scoped3A : memref<!tpu.dma_semaphore, #tpu.memory_space<semaphore_mem>>) src(%dma_wait3A_23 : memref<632x128xf32, #tpu.memory_space<vmem_shared>>) dst(%dma_wait3A_21 : memref<632x128xf32, #tpu.memory_space<hbm>>)
      tpu.yield
    }) : () -> ()
    return
  }
}

#map = affine_map<(d0, d1) -> (0, 0, 0, 0)>
#map1 = affine_map<(d0, d1) -> (0, 0, 0)>
#map2 = affine_map<(d0, d1) -> (0, 0)>
module attributes {stable_mosaic.version = 14 : i64} {
  func.func @_prop_kernel(%arg0: i32, %arg1: i32, %arg2: memref<16x2x64x80xi32, #tpu.memory_space<hbm>>, %arg3: memref<16x2x64x80xi32, #tpu.memory_space<hbm>>, %arg4: memref<2x10000x128xf32, #tpu.memory_space<hbm>>, %arg5: memref<632x128xf32, #tpu.memory_space<hbm>>, %arg6: memref<2x10112x128xf32, #tpu.memory_space<hbm>>, %arg7: memref<64x80xi32, #tpu.memory_space<vmem>>, %arg8: memref<64x80xi32, #tpu.memory_space<vmem>>, %arg9: memref<80x128xf32, #tpu.memory_space<vmem>>, %arg10: memref<80x128xf32, #tpu.memory_space<vmem>>, %arg11: memref<10112x128xf32, #tpu.memory_space<vmem_shared>>, %arg12: memref<!tpu.dma_semaphore, #tpu.memory_space<semaphore_mem>>, %arg13: memref<!tpu.dma_semaphore, #tpu.memory_space<semaphore_mem>>) attributes {dimension_semantics = [#tpu.dimension_semantics<core_parallel>, #tpu.dimension_semantics<subcore_parallel>], iteration_bounds = array<i64: 2, 16>, scalar_prefetch = 0 : i64, scratch_operands = 7 : i64, tpu.core_type = #tpu.core_type<sc_vector_subcore>, window_params = [{transform_indices = #map}, {transform_indices = #map}, {transform_indices = #map1}, {transform_indices = #map2}, {transform_indices = #map1}]} {
    %mul3A = arith.constant 632 : i32
    %mul3A_0 = arith.muli %arg1, %mul3A : i32
    "tpu.region"() ({
      %run_scoped3A = tpu.sem_alloc : memref<!tpu.dma_semaphore, #tpu.memory_space<semaphore_mem>>
      %dma_start3A = arith.constant 0 : i32
      %dma_start3A_10 = tpu.memref_slice %arg11[%mul3A_0, %dma_start3A] : memref<10112x128xf32, #tpu.memory_space<vmem_shared>> -> memref<632x128xf32, #tpu.memory_space<vmem_shared>>
      tpu.enqueue_dma source(%arg5 : memref<632x128xf32, #tpu.memory_space<hbm>>) target(%dma_start3A_10 : memref<632x128xf32, #tpu.memory_space<vmem_shared>>) target_semaphore(%run_scoped3A : memref<!tpu.dma_semaphore, #tpu.memory_space<semaphore_mem>>)
      %dma_wait3A = arith.constant 0 : i32
      %dma_wait3A_11 = tpu.memref_slice %arg11[%mul3A_0, %dma_wait3A] : memref<10112x128xf32, #tpu.memory_space<vmem_shared>> -> memref<632x128xf32, #tpu.memory_space<vmem_shared>>
      tpu.wait_dma2 semaphore(%run_scoped3A : memref<!tpu.dma_semaphore, #tpu.memory_space<semaphore_mem>>) src(%arg5 : memref<632x128xf32, #tpu.memory_space<hbm>>) dst(%dma_wait3A_11 : memref<632x128xf32, #tpu.memory_space<vmem_shared>>)
      tpu.yield
    }) : () -> ()
    %barrier3A = arith.constant 0 : index
    tpu.barrier barrier_id(%barrier3A)
    %scan3A = arith.constant 0 : i32
    %scan3A_1 = arith.constant 2 : i32
    %scan3A_2 = arith.addi %scan3A, %scan3A_1 : i32
    %scan3A_3 = arith.constant 1 : i32
    scf.for %scan3A_10 = %scan3A to %scan3A_2 step %scan3A_3  : i32 {
      "tpu.region"() ({
        %run_scoped3A = tpu.sem_alloc : memref<!tpu.dma_semaphore, #tpu.memory_space<semaphore_mem>>
        %dma_start3A_37 = arith.constant 0 : i32
        %dma_start3A_38 = arith.constant 0 : i32
        %dma_start3A_39 = arith.constant 0 : i32
        %dma_start3A_40 = tpu.memref_slice %arg2[%arg1, %dma_start3A_37, %dma_start3A_38, %dma_start3A_39] : memref<16x2x64x80xi32, #tpu.memory_space<hbm>> -> memref<1x2x64x80xi32, #tpu.memory_space<hbm>>
        %dma_start3A_41 = tpu.memref_squeeze %dma_start3A_40 : memref<1x2x64x80xi32, #tpu.memory_space<hbm>> -> memref<2x64x80xi32, #tpu.memory_space<hbm>>
        %dma_start3A_42 = arith.constant 0 : i32
        %dma_start3A_43 = arith.constant 0 : i32
        %dma_start3A_44 = tpu.memref_slice %dma_start3A_41[%scan3A_10, %dma_start3A_42, %dma_start3A_43] : memref<2x64x80xi32, #tpu.memory_space<hbm>> -> memref<1x64x80xi32, #tpu.memory_space<hbm>>
        %dma_start3A_45 = tpu.memref_squeeze %dma_start3A_44 : memref<1x64x80xi32, #tpu.memory_space<hbm>> -> memref<64x80xi32, #tpu.memory_space<hbm>>
        %dma_start3A_46 = arith.constant 0 : i32
        %dma_start3A_47 = arith.constant 0 : i32
        %dma_start3A_48 = arith.constant 0 : i32
        %dma_start3A_49 = tpu.memref_slice %arg2[%arg1, %dma_start3A_46, %dma_start3A_47, %dma_start3A_48] : memref<16x2x64x80xi32, #tpu.memory_space<hbm>> -> memref<1x2x64x80xi32, #tpu.memory_space<hbm>>
        %dma_start3A_50 = tpu.memref_squeeze %dma_start3A_49 : memref<1x2x64x80xi32, #tpu.memory_space<hbm>> -> memref<2x64x80xi32, #tpu.memory_space<hbm>>
        %dma_start3A_51 = arith.constant 0 : i32
        %dma_start3A_52 = arith.constant 0 : i32
        %dma_start3A_53 = tpu.memref_slice %dma_start3A_50[%scan3A_10, %dma_start3A_51, %dma_start3A_52] : memref<2x64x80xi32, #tpu.memory_space<hbm>> -> memref<1x64x80xi32, #tpu.memory_space<hbm>>
        %dma_start3A_54 = tpu.memref_squeeze %dma_start3A_53 : memref<1x64x80xi32, #tpu.memory_space<hbm>> -> memref<64x80xi32, #tpu.memory_space<hbm>>
        tpu.enqueue_dma source(%dma_start3A_54 : memref<64x80xi32, #tpu.memory_space<hbm>>) target(%arg7 : memref<64x80xi32, #tpu.memory_space<vmem>>) target_semaphore(%run_scoped3A : memref<!tpu.dma_semaphore, #tpu.memory_space<semaphore_mem>>)
        %dma_wait3A = arith.constant 0 : i32
        %dma_wait3A_55 = arith.constant 0 : i32
        %dma_wait3A_56 = arith.constant 0 : i32
        %dma_wait3A_57 = tpu.memref_slice %arg2[%arg1, %dma_wait3A, %dma_wait3A_55, %dma_wait3A_56] : memref<16x2x64x80xi32, #tpu.memory_space<hbm>> -> memref<1x2x64x80xi32, #tpu.memory_space<hbm>>
        %dma_wait3A_58 = tpu.memref_squeeze %dma_wait3A_57 : memref<1x2x64x80xi32, #tpu.memory_space<hbm>> -> memref<2x64x80xi32, #tpu.memory_space<hbm>>
        %dma_wait3A_59 = arith.constant 0 : i32
        %dma_wait3A_60 = arith.constant 0 : i32
        %dma_wait3A_61 = tpu.memref_slice %dma_wait3A_58[%scan3A_10, %dma_wait3A_59, %dma_wait3A_60] : memref<2x64x80xi32, #tpu.memory_space<hbm>> -> memref<1x64x80xi32, #tpu.memory_space<hbm>>
        %dma_wait3A_62 = tpu.memref_squeeze %dma_wait3A_61 : memref<1x64x80xi32, #tpu.memory_space<hbm>> -> memref<64x80xi32, #tpu.memory_space<hbm>>
        %dma_wait3A_63 = arith.constant 0 : i32
        %dma_wait3A_64 = arith.constant 0 : i32
        %dma_wait3A_65 = arith.constant 0 : i32
        %dma_wait3A_66 = tpu.memref_slice %arg2[%arg1, %dma_wait3A_63, %dma_wait3A_64, %dma_wait3A_65] : memref<16x2x64x80xi32, #tpu.memory_space<hbm>> -> memref<1x2x64x80xi32, #tpu.memory_space<hbm>>
        %dma_wait3A_67 = tpu.memref_squeeze %dma_wait3A_66 : memref<1x2x64x80xi32, #tpu.memory_space<hbm>> -> memref<2x64x80xi32, #tpu.memory_space<hbm>>
        %dma_wait3A_68 = arith.constant 0 : i32
        %dma_wait3A_69 = arith.constant 0 : i32
        %dma_wait3A_70 = tpu.memref_slice %dma_wait3A_67[%scan3A_10, %dma_wait3A_68, %dma_wait3A_69] : memref<2x64x80xi32, #tpu.memory_space<hbm>> -> memref<1x64x80xi32, #tpu.memory_space<hbm>>
        %dma_wait3A_71 = tpu.memref_squeeze %dma_wait3A_70 : memref<1x64x80xi32, #tpu.memory_space<hbm>> -> memref<64x80xi32, #tpu.memory_space<hbm>>
        tpu.wait_dma2 semaphore(%run_scoped3A : memref<!tpu.dma_semaphore, #tpu.memory_space<semaphore_mem>>) src(%dma_wait3A_71 : memref<64x80xi32, #tpu.memory_space<hbm>>) dst(%arg7 : memref<64x80xi32, #tpu.memory_space<vmem>>)
        tpu.yield
      }) : () -> ()
      "tpu.region"() ({
        %run_scoped3A = tpu.sem_alloc : memref<!tpu.dma_semaphore, #tpu.memory_space<semaphore_mem>>
        %dma_start3A_37 = arith.constant 0 : i32
        %dma_start3A_38 = arith.constant 0 : i32
        %dma_start3A_39 = arith.constant 0 : i32
        %dma_start3A_40 = tpu.memref_slice %arg3[%arg1, %dma_start3A_37, %dma_start3A_38, %dma_start3A_39] : memref<16x2x64x80xi32, #tpu.memory_space<hbm>> -> memref<1x2x64x80xi32, #tpu.memory_space<hbm>>
        %dma_start3A_41 = tpu.memref_squeeze %dma_start3A_40 : memref<1x2x64x80xi32, #tpu.memory_space<hbm>> -> memref<2x64x80xi32, #tpu.memory_space<hbm>>
        %dma_start3A_42 = arith.constant 0 : i32
        %dma_start3A_43 = arith.constant 0 : i32
        %dma_start3A_44 = tpu.memref_slice %dma_start3A_41[%scan3A_10, %dma_start3A_42, %dma_start3A_43] : memref<2x64x80xi32, #tpu.memory_space<hbm>> -> memref<1x64x80xi32, #tpu.memory_space<hbm>>
        %dma_start3A_45 = tpu.memref_squeeze %dma_start3A_44 : memref<1x64x80xi32, #tpu.memory_space<hbm>> -> memref<64x80xi32, #tpu.memory_space<hbm>>
        %dma_start3A_46 = arith.constant 0 : i32
        %dma_start3A_47 = arith.constant 0 : i32
        %dma_start3A_48 = arith.constant 0 : i32
        %dma_start3A_49 = tpu.memref_slice %arg3[%arg1, %dma_start3A_46, %dma_start3A_47, %dma_start3A_48] : memref<16x2x64x80xi32, #tpu.memory_space<hbm>> -> memref<1x2x64x80xi32, #tpu.memory_space<hbm>>
        %dma_start3A_50 = tpu.memref_squeeze %dma_start3A_49 : memref<1x2x64x80xi32, #tpu.memory_space<hbm>> -> memref<2x64x80xi32, #tpu.memory_space<hbm>>
        %dma_start3A_51 = arith.constant 0 : i32
        %dma_start3A_52 = arith.constant 0 : i32
        %dma_start3A_53 = tpu.memref_slice %dma_start3A_50[%scan3A_10, %dma_start3A_51, %dma_start3A_52] : memref<2x64x80xi32, #tpu.memory_space<hbm>> -> memref<1x64x80xi32, #tpu.memory_space<hbm>>
        %dma_start3A_54 = tpu.memref_squeeze %dma_start3A_53 : memref<1x64x80xi32, #tpu.memory_space<hbm>> -> memref<64x80xi32, #tpu.memory_space<hbm>>
        tpu.enqueue_dma source(%dma_start3A_54 : memref<64x80xi32, #tpu.memory_space<hbm>>) target(%arg8 : memref<64x80xi32, #tpu.memory_space<vmem>>) target_semaphore(%run_scoped3A : memref<!tpu.dma_semaphore, #tpu.memory_space<semaphore_mem>>)
        %dma_wait3A = arith.constant 0 : i32
        %dma_wait3A_55 = arith.constant 0 : i32
        %dma_wait3A_56 = arith.constant 0 : i32
        %dma_wait3A_57 = tpu.memref_slice %arg3[%arg1, %dma_wait3A, %dma_wait3A_55, %dma_wait3A_56] : memref<16x2x64x80xi32, #tpu.memory_space<hbm>> -> memref<1x2x64x80xi32, #tpu.memory_space<hbm>>
        %dma_wait3A_58 = tpu.memref_squeeze %dma_wait3A_57 : memref<1x2x64x80xi32, #tpu.memory_space<hbm>> -> memref<2x64x80xi32, #tpu.memory_space<hbm>>
        %dma_wait3A_59 = arith.constant 0 : i32
        %dma_wait3A_60 = arith.constant 0 : i32
        %dma_wait3A_61 = tpu.memref_slice %dma_wait3A_58[%scan3A_10, %dma_wait3A_59, %dma_wait3A_60] : memref<2x64x80xi32, #tpu.memory_space<hbm>> -> memref<1x64x80xi32, #tpu.memory_space<hbm>>
        %dma_wait3A_62 = tpu.memref_squeeze %dma_wait3A_61 : memref<1x64x80xi32, #tpu.memory_space<hbm>> -> memref<64x80xi32, #tpu.memory_space<hbm>>
        %dma_wait3A_63 = arith.constant 0 : i32
        %dma_wait3A_64 = arith.constant 0 : i32
        %dma_wait3A_65 = arith.constant 0 : i32
        %dma_wait3A_66 = tpu.memref_slice %arg3[%arg1, %dma_wait3A_63, %dma_wait3A_64, %dma_wait3A_65] : memref<16x2x64x80xi32, #tpu.memory_space<hbm>> -> memref<1x2x64x80xi32, #tpu.memory_space<hbm>>
        %dma_wait3A_67 = tpu.memref_squeeze %dma_wait3A_66 : memref<1x2x64x80xi32, #tpu.memory_space<hbm>> -> memref<2x64x80xi32, #tpu.memory_space<hbm>>
        %dma_wait3A_68 = arith.constant 0 : i32
        %dma_wait3A_69 = arith.constant 0 : i32
        %dma_wait3A_70 = tpu.memref_slice %dma_wait3A_67[%scan3A_10, %dma_wait3A_68, %dma_wait3A_69] : memref<2x64x80xi32, #tpu.memory_space<hbm>> -> memref<1x64x80xi32, #tpu.memory_space<hbm>>
        %dma_wait3A_71 = tpu.memref_squeeze %dma_wait3A_70 : memref<1x64x80xi32, #tpu.memory_space<hbm>> -> memref<64x80xi32, #tpu.memory_space<hbm>>
        tpu.wait_dma2 semaphore(%run_scoped3A : memref<!tpu.dma_semaphore, #tpu.memory_space<semaphore_mem>>) src(%dma_wait3A_71 : memref<64x80xi32, #tpu.memory_space<hbm>>) dst(%arg8 : memref<64x80xi32, #tpu.memory_space<vmem>>)
        tpu.yield
      }) : () -> ()
      %dma_start3A = arith.constant 0 : i32
      %dma_start3A_11 = arith.constant 0 : i32
      %dma_start3A_12 = tpu.memref_slice %arg7[%dma_start3A, %dma_start3A_11] : memref<64x80xi32, #tpu.memory_space<vmem>> -> memref<1x80xi32, #tpu.memory_space<vmem>>
      %dma_start3A_13 = tpu.memref_squeeze %dma_start3A_12 : memref<1x80xi32, #tpu.memory_space<vmem>> -> memref<80xi32, #tpu.memory_space<vmem>>
      %dma_start3A_14 = arith.constant 0 : i32
      %dma_start3A_15 = arith.constant 0 : i32
      %dma_start3A_16 = tpu.memref_slice %arg4[%arg0, %dma_start3A_14, %dma_start3A_15] : memref<2x10000x128xf32, #tpu.memory_space<hbm>> -> memref<1x10000x128xf32, #tpu.memory_space<hbm>>
      %dma_start3A_17 = tpu.memref_squeeze %dma_start3A_16 : memref<1x10000x128xf32, #tpu.memory_space<hbm>> -> memref<10000x128xf32, #tpu.memory_space<hbm>>
      %dma_start3A_18 = arith.constant 0 : i32
      %dma_start3A_19 = arith.constant 0 : i32
      %dma_start3A_20 = tpu.memref_slice %dma_start3A_17[%dma_start3A_18, %dma_start3A_19] : memref<10000x128xf32, #tpu.memory_space<hbm>> -> memref<10000x128xf32, #tpu.memory_space<hbm>>
      tpu.enqueue_indirect_dma source(%dma_start3A_20 : memref<10000x128xf32, #tpu.memory_space<hbm>>) target(%arg9 : memref<80x128xf32, #tpu.memory_space<vmem>>) offsets(%dma_start3A_13 : memref<80xi32, #tpu.memory_space<vmem>>) semaphore(%arg12 : memref<!tpu.dma_semaphore, #tpu.memory_space<semaphore_mem>>)
      %dma_start3A_21 = arith.constant 1 : i32
      %dma_start3A_22 = arith.constant 0 : i32
      %dma_start3A_23 = tpu.memref_slice %arg7[%dma_start3A_21, %dma_start3A_22] : memref<64x80xi32, #tpu.memory_space<vmem>> -> memref<1x80xi32, #tpu.memory_space<vmem>>
      %dma_start3A_24 = tpu.memref_squeeze %dma_start3A_23 : memref<1x80xi32, #tpu.memory_space<vmem>> -> memref<80xi32, #tpu.memory_space<vmem>>
      %dma_start3A_25 = arith.constant 0 : i32
      %dma_start3A_26 = arith.constant 0 : i32
      %dma_start3A_27 = tpu.memref_slice %arg4[%arg0, %dma_start3A_25, %dma_start3A_26] : memref<2x10000x128xf32, #tpu.memory_space<hbm>> -> memref<1x10000x128xf32, #tpu.memory_space<hbm>>
      %dma_start3A_28 = tpu.memref_squeeze %dma_start3A_27 : memref<1x10000x128xf32, #tpu.memory_space<hbm>> -> memref<10000x128xf32, #tpu.memory_space<hbm>>
      %dma_start3A_29 = arith.constant 0 : i32
      %dma_start3A_30 = arith.constant 0 : i32
      %dma_start3A_31 = tpu.memref_slice %dma_start3A_28[%dma_start3A_29, %dma_start3A_30] : memref<10000x128xf32, #tpu.memory_space<hbm>> -> memref<10000x128xf32, #tpu.memory_space<hbm>>
      tpu.enqueue_indirect_dma source(%dma_start3A_31 : memref<10000x128xf32, #tpu.memory_space<hbm>>) target(%arg10 : memref<80x128xf32, #tpu.memory_space<vmem>>) offsets(%dma_start3A_24 : memref<80xi32, #tpu.memory_space<vmem>>) semaphore(%arg13 : memref<!tpu.dma_semaphore, #tpu.memory_space<semaphore_mem>>)
      %scan3A_32 = arith.constant 0 : i32
      %scan3A_33 = arith.constant 32 : i32
      %scan3A_34 = arith.addi %scan3A_32, %scan3A_33 : i32
      %scan3A_35 = arith.constant 1 : i32
      scf.for %scan3A_37 = %scan3A_32 to %scan3A_34 step %scan3A_35  : i32 {
        %mul3A_38 = arith.constant 2 : i32
        %mul3A_39 = arith.muli %scan3A_37, %mul3A_38 : i32
        %add3A = arith.constant 0 : i32
        %add3A_40 = arith.addi %mul3A_39, %add3A : i32
        %dma_wait3A = arith.constant 0 : i32
        %dma_wait3A_41 = arith.constant 0 : i32
        %dma_wait3A_42 = tpu.memref_slice %arg4[%arg0, %dma_wait3A, %dma_wait3A_41] : memref<2x10000x128xf32, #tpu.memory_space<hbm>> -> memref<1x10000x128xf32, #tpu.memory_space<hbm>>
        %dma_wait3A_43 = tpu.memref_squeeze %dma_wait3A_42 : memref<1x10000x128xf32, #tpu.memory_space<hbm>> -> memref<10000x128xf32, #tpu.memory_space<hbm>>
        %dma_wait3A_44 = arith.constant 0 : i32
        %dma_wait3A_45 = arith.constant 0 : i32
        %dma_wait3A_46 = tpu.memref_slice %dma_wait3A_43[%dma_wait3A_44, %dma_wait3A_45] : memref<10000x128xf32, #tpu.memory_space<hbm>> -> memref<80x128xf32, #tpu.memory_space<hbm>>
        %dma_wait3A_47 = arith.constant 0 : i32
        %dma_wait3A_48 = arith.constant 0 : i32
        %dma_wait3A_49 = tpu.memref_slice %arg4[%arg0, %dma_wait3A_47, %dma_wait3A_48] : memref<2x10000x128xf32, #tpu.memory_space<hbm>> -> memref<1x10000x128xf32, #tpu.memory_space<hbm>>
        %dma_wait3A_50 = tpu.memref_squeeze %dma_wait3A_49 : memref<1x10000x128xf32, #tpu.memory_space<hbm>> -> memref<10000x128xf32, #tpu.memory_space<hbm>>
        %dma_wait3A_51 = arith.constant 0 : i32
        %dma_wait3A_52 = arith.constant 0 : i32
        %dma_wait3A_53 = tpu.memref_slice %dma_wait3A_50[%dma_wait3A_51, %dma_wait3A_52] : memref<10000x128xf32, #tpu.memory_space<hbm>> -> memref<80x128xf32, #tpu.memory_space<hbm>>
        tpu.wait_dma2 semaphore(%arg12 : memref<!tpu.dma_semaphore, #tpu.memory_space<semaphore_mem>>) src(%dma_wait3A_53 : memref<80x128xf32, #tpu.memory_space<hbm>>) dst(%arg9 : memref<80x128xf32, #tpu.memory_space<vmem>>)
        "tpu.region"() ({
          %run_scoped3A = tpu.sem_alloc : memref<!tpu.dma_semaphore, #tpu.memory_space<semaphore_mem>>
          %dma_start3A_79 = arith.constant 0 : i32
          %dma_start3A_80 = tpu.memref_slice %arg8[%add3A_40, %dma_start3A_79] : memref<64x80xi32, #tpu.memory_space<vmem>> -> memref<1x80xi32, #tpu.memory_space<vmem>>
          %dma_start3A_81 = tpu.memref_squeeze %dma_start3A_80 : memref<1x80xi32, #tpu.memory_space<vmem>> -> memref<80xi32, #tpu.memory_space<vmem>>
          %dma_start3A_82 = arith.constant 0 : i32
          %dma_start3A_83 = arith.constant 0 : i32
          %dma_start3A_84 = tpu.memref_slice %arg11[%dma_start3A_82, %dma_start3A_83] : memref<10112x128xf32, #tpu.memory_space<vmem_shared>> -> memref<10112x128xf32, #tpu.memory_space<vmem_shared>>
          tpu.enqueue_indirect_dma source(%arg9 : memref<80x128xf32, #tpu.memory_space<vmem>>) target(%dma_start3A_84 : memref<10112x128xf32, #tpu.memory_space<vmem_shared>>) offsets(%dma_start3A_81 : memref<80xi32, #tpu.memory_space<vmem>>) semaphore(%run_scoped3A : memref<!tpu.dma_semaphore, #tpu.memory_space<semaphore_mem>>) {add = true}
          %dma_wait3A_85 = arith.constant 0 : i32
          %dma_wait3A_86 = tpu.memref_slice %arg8[%add3A_40, %dma_wait3A_85] : memref<64x80xi32, #tpu.memory_space<vmem>> -> memref<1x80xi32, #tpu.memory_space<vmem>>
          %dma_wait3A_87 = tpu.memref_squeeze %dma_wait3A_86 : memref<1x80xi32, #tpu.memory_space<vmem>> -> memref<80xi32, #tpu.memory_space<vmem>>
          %dma_wait3A_88 = arith.constant 0 : i32
          %dma_wait3A_89 = arith.constant 0 : i32
          %dma_wait3A_90 = tpu.memref_slice %arg11[%dma_wait3A_88, %dma_wait3A_89] : memref<10112x128xf32, #tpu.memory_space<vmem_shared>> -> memref<10112x128xf32, #tpu.memory_space<vmem_shared>>
          tpu.wait_indirect_dma semaphore(%run_scoped3A : memref<!tpu.dma_semaphore, #tpu.memory_space<semaphore_mem>>) src(%arg9 : memref<80x128xf32, #tpu.memory_space<vmem>>) dst(%dma_wait3A_90 : memref<10112x128xf32, #tpu.memory_space<vmem_shared>>)
          tpu.yield
        }) : () -> ()
        %lt3A = arith.constant 31 : i32
        %lt3A_54 = arith.cmpi slt, %scan3A_37, %lt3A : i32
        %convert_element_type3A = arith.extui %lt3A_54 : i1 to i32
        %cond3A = arith.constant 0 : i32
        %cond3A_55 = arith.cmpi ne, %convert_element_type3A, %cond3A : i32
        scf.if %cond3A_55 {
          %add3A_79 = arith.constant 2 : i32
          %add3A_80 = arith.addi %add3A_40, %add3A_79 : i32
          %dma_start3A_81 = arith.constant 0 : i32
          %dma_start3A_82 = tpu.memref_slice %arg7[%add3A_80, %dma_start3A_81] : memref<64x80xi32, #tpu.memory_space<vmem>> -> memref<1x80xi32, #tpu.memory_space<vmem>>
          %dma_start3A_83 = tpu.memref_squeeze %dma_start3A_82 : memref<1x80xi32, #tpu.memory_space<vmem>> -> memref<80xi32, #tpu.memory_space<vmem>>
          %dma_start3A_84 = arith.constant 0 : i32
          %dma_start3A_85 = arith.constant 0 : i32
          %dma_start3A_86 = tpu.memref_slice %arg4[%arg0, %dma_start3A_84, %dma_start3A_85] : memref<2x10000x128xf32, #tpu.memory_space<hbm>> -> memref<1x10000x128xf32, #tpu.memory_space<hbm>>
          %dma_start3A_87 = tpu.memref_squeeze %dma_start3A_86 : memref<1x10000x128xf32, #tpu.memory_space<hbm>> -> memref<10000x128xf32, #tpu.memory_space<hbm>>
          %dma_start3A_88 = arith.constant 0 : i32
          %dma_start3A_89 = arith.constant 0 : i32
          %dma_start3A_90 = tpu.memref_slice %dma_start3A_87[%dma_start3A_88, %dma_start3A_89] : memref<10000x128xf32, #tpu.memory_space<hbm>> -> memref<10000x128xf32, #tpu.memory_space<hbm>>
          tpu.enqueue_indirect_dma source(%dma_start3A_90 : memref<10000x128xf32, #tpu.memory_space<hbm>>) target(%arg9 : memref<80x128xf32, #tpu.memory_space<vmem>>) offsets(%dma_start3A_83 : memref<80xi32, #tpu.memory_space<vmem>>) semaphore(%arg12 : memref<!tpu.dma_semaphore, #tpu.memory_space<semaphore_mem>>)
        } else {
        }
        %mul3A_56 = arith.constant 2 : i32
        %mul3A_57 = arith.muli %scan3A_37, %mul3A_56 : i32
        %add3A_58 = arith.constant 1 : i32
        %add3A_59 = arith.addi %mul3A_57, %add3A_58 : i32
        %dma_wait3A_60 = arith.constant 0 : i32
        %dma_wait3A_61 = arith.constant 0 : i32
        %dma_wait3A_62 = tpu.memref_slice %arg4[%arg0, %dma_wait3A_60, %dma_wait3A_61] : memref<2x10000x128xf32, #tpu.memory_space<hbm>> -> memref<1x10000x128xf32, #tpu.memory_space<hbm>>
        %dma_wait3A_63 = tpu.memref_squeeze %dma_wait3A_62 : memref<1x10000x128xf32, #tpu.memory_space<hbm>> -> memref<10000x128xf32, #tpu.memory_space<hbm>>
        %dma_wait3A_64 = arith.constant 0 : i32
        %dma_wait3A_65 = arith.constant 0 : i32
        %dma_wait3A_66 = tpu.memref_slice %dma_wait3A_63[%dma_wait3A_64, %dma_wait3A_65] : memref<10000x128xf32, #tpu.memory_space<hbm>> -> memref<80x128xf32, #tpu.memory_space<hbm>>
        %dma_wait3A_67 = arith.constant 0 : i32
        %dma_wait3A_68 = arith.constant 0 : i32
        %dma_wait3A_69 = tpu.memref_slice %arg4[%arg0, %dma_wait3A_67, %dma_wait3A_68] : memref<2x10000x128xf32, #tpu.memory_space<hbm>> -> memref<1x10000x128xf32, #tpu.memory_space<hbm>>
        %dma_wait3A_70 = tpu.memref_squeeze %dma_wait3A_69 : memref<1x10000x128xf32, #tpu.memory_space<hbm>> -> memref<10000x128xf32, #tpu.memory_space<hbm>>
        %dma_wait3A_71 = arith.constant 0 : i32
        %dma_wait3A_72 = arith.constant 0 : i32
        %dma_wait3A_73 = tpu.memref_slice %dma_wait3A_70[%dma_wait3A_71, %dma_wait3A_72] : memref<10000x128xf32, #tpu.memory_space<hbm>> -> memref<80x128xf32, #tpu.memory_space<hbm>>
        tpu.wait_dma2 semaphore(%arg13 : memref<!tpu.dma_semaphore, #tpu.memory_space<semaphore_mem>>) src(%dma_wait3A_73 : memref<80x128xf32, #tpu.memory_space<hbm>>) dst(%arg10 : memref<80x128xf32, #tpu.memory_space<vmem>>)
        "tpu.region"() ({
          %run_scoped3A = tpu.sem_alloc : memref<!tpu.dma_semaphore, #tpu.memory_space<semaphore_mem>>
          %dma_start3A_79 = arith.constant 0 : i32
          %dma_start3A_80 = tpu.memref_slice %arg8[%add3A_59, %dma_start3A_79] : memref<64x80xi32, #tpu.memory_space<vmem>> -> memref<1x80xi32, #tpu.memory_space<vmem>>
          %dma_start3A_81 = tpu.memref_squeeze %dma_start3A_80 : memref<1x80xi32, #tpu.memory_space<vmem>> -> memref<80xi32, #tpu.memory_space<vmem>>
          %dma_start3A_82 = arith.constant 0 : i32
          %dma_start3A_83 = arith.constant 0 : i32
          %dma_start3A_84 = tpu.memref_slice %arg11[%dma_start3A_82, %dma_start3A_83] : memref<10112x128xf32, #tpu.memory_space<vmem_shared>> -> memref<10112x128xf32, #tpu.memory_space<vmem_shared>>
          tpu.enqueue_indirect_dma source(%arg10 : memref<80x128xf32, #tpu.memory_space<vmem>>) target(%dma_start3A_84 : memref<10112x128xf32, #tpu.memory_space<vmem_shared>>) offsets(%dma_start3A_81 : memref<80xi32, #tpu.memory_space<vmem>>) semaphore(%run_scoped3A : memref<!tpu.dma_semaphore, #tpu.memory_space<semaphore_mem>>) {add = true}
          %dma_wait3A_85 = arith.constant 0 : i32
          %dma_wait3A_86 = tpu.memref_slice %arg8[%add3A_59, %dma_wait3A_85] : memref<64x80xi32, #tpu.memory_space<vmem>> -> memref<1x80xi32, #tpu.memory_space<vmem>>
          %dma_wait3A_87 = tpu.memref_squeeze %dma_wait3A_86 : memref<1x80xi32, #tpu.memory_space<vmem>> -> memref<80xi32, #tpu.memory_space<vmem>>
          %dma_wait3A_88 = arith.constant 0 : i32
          %dma_wait3A_89 = arith.constant 0 : i32
          %dma_wait3A_90 = tpu.memref_slice %arg11[%dma_wait3A_88, %dma_wait3A_89] : memref<10112x128xf32, #tpu.memory_space<vmem_shared>> -> memref<10112x128xf32, #tpu.memory_space<vmem_shared>>
          tpu.wait_indirect_dma semaphore(%run_scoped3A : memref<!tpu.dma_semaphore, #tpu.memory_space<semaphore_mem>>) src(%arg10 : memref<80x128xf32, #tpu.memory_space<vmem>>) dst(%dma_wait3A_90 : memref<10112x128xf32, #tpu.memory_space<vmem_shared>>)
          tpu.yield
        }) : () -> ()
        %lt3A_74 = arith.constant 31 : i32
        %lt3A_75 = arith.cmpi slt, %scan3A_37, %lt3A_74 : i32
        %convert_element_type3A_76 = arith.extui %lt3A_75 : i1 to i32
        %cond3A_77 = arith.constant 0 : i32
        %cond3A_78 = arith.cmpi ne, %convert_element_type3A_76, %cond3A_77 : i32
        scf.if %cond3A_78 {
          %add3A_79 = arith.constant 2 : i32
          %add3A_80 = arith.addi %add3A_59, %add3A_79 : i32
          %dma_start3A_81 = arith.constant 0 : i32
          %dma_start3A_82 = tpu.memref_slice %arg7[%add3A_80, %dma_start3A_81] : memref<64x80xi32, #tpu.memory_space<vmem>> -> memref<1x80xi32, #tpu.memory_space<vmem>>
          %dma_start3A_83 = tpu.memref_squeeze %dma_start3A_82 : memref<1x80xi32, #tpu.memory_space<vmem>> -> memref<80xi32, #tpu.memory_space<vmem>>
          %dma_start3A_84 = arith.constant 0 : i32
          %dma_start3A_85 = arith.constant 0 : i32
          %dma_start3A_86 = tpu.memref_slice %arg4[%arg0, %dma_start3A_84, %dma_start3A_85] : memref<2x10000x128xf32, #tpu.memory_space<hbm>> -> memref<1x10000x128xf32, #tpu.memory_space<hbm>>
          %dma_start3A_87 = tpu.memref_squeeze %dma_start3A_86 : memref<1x10000x128xf32, #tpu.memory_space<hbm>> -> memref<10000x128xf32, #tpu.memory_space<hbm>>
          %dma_start3A_88 = arith.constant 0 : i32
          %dma_start3A_89 = arith.constant 0 : i32
          %dma_start3A_90 = tpu.memref_slice %dma_start3A_87[%dma_start3A_88, %dma_start3A_89] : memref<10000x128xf32, #tpu.memory_space<hbm>> -> memref<10000x128xf32, #tpu.memory_space<hbm>>
          tpu.enqueue_indirect_dma source(%dma_start3A_90 : memref<10000x128xf32, #tpu.memory_space<hbm>>) target(%arg10 : memref<80x128xf32, #tpu.memory_space<vmem>>) offsets(%dma_start3A_83 : memref<80xi32, #tpu.memory_space<vmem>>) semaphore(%arg13 : memref<!tpu.dma_semaphore, #tpu.memory_space<semaphore_mem>>)
        } else {
        }
      }
      %scan3A_36 = arith.constant 32 : i32
    }
    %scan3A_4 = arith.constant 2 : i32
    %barrier3A_5 = arith.constant 0 : index
    tpu.barrier barrier_id(%barrier3A_5)
    %mul3A_6 = arith.constant 632 : i32
    %mul3A_7 = arith.muli %arg1, %mul3A_6 : i32
    %mul3A_8 = arith.constant 632 : i32
    %mul3A_9 = arith.muli %arg1, %mul3A_8 : i32
    "tpu.region"() ({
      %run_scoped3A = tpu.sem_alloc : memref<!tpu.dma_semaphore, #tpu.memory_space<semaphore_mem>>
      %dma_start3A = arith.constant 0 : i32
      %dma_start3A_10 = arith.constant 0 : i32
      %dma_start3A_11 = tpu.memref_slice %arg6[%arg0, %dma_start3A, %dma_start3A_10] : memref<2x10112x128xf32, #tpu.memory_space<hbm>> -> memref<1x10112x128xf32, #tpu.memory_space<hbm>>
      %dma_start3A_12 = tpu.memref_squeeze %dma_start3A_11 : memref<1x10112x128xf32, #tpu.memory_space<hbm>> -> memref<10112x128xf32, #tpu.memory_space<hbm>>
      %dma_start3A_13 = arith.constant 0 : i32
      %dma_start3A_14 = tpu.memref_slice %dma_start3A_12[%mul3A_9, %dma_start3A_13] : memref<10112x128xf32, #tpu.memory_space<hbm>> -> memref<632x128xf32, #tpu.memory_space<hbm>>
      %dma_start3A_15 = arith.constant 0 : i32
      %dma_start3A_16 = tpu.memref_slice %arg11[%mul3A_7, %dma_start3A_15] : memref<10112x128xf32, #tpu.memory_space<vmem_shared>> -> memref<632x128xf32, #tpu.memory_space<vmem_shared>>
      tpu.enqueue_dma source(%dma_start3A_16 : memref<632x128xf32, #tpu.memory_space<vmem_shared>>) target(%dma_start3A_14 : memref<632x128xf32, #tpu.memory_space<hbm>>) target_semaphore(%run_scoped3A : memref<!tpu.dma_semaphore, #tpu.memory_space<semaphore_mem>>)
      %dma_wait3A = arith.constant 0 : i32
      %dma_wait3A_17 = arith.constant 0 : i32
      %dma_wait3A_18 = tpu.memref_slice %arg6[%arg0, %dma_wait3A, %dma_wait3A_17] : memref<2x10112x128xf32, #tpu.memory_space<hbm>> -> memref<1x10112x128xf32, #tpu.memory_space<hbm>>
      %dma_wait3A_19 = tpu.memref_squeeze %dma_wait3A_18 : memref<1x10112x128xf32, #tpu.memory_space<hbm>> -> memref<10112x128xf32, #tpu.memory_space<hbm>>
      %dma_wait3A_20 = arith.constant 0 : i32
      %dma_wait3A_21 = tpu.memref_slice %dma_wait3A_19[%mul3A_9, %dma_wait3A_20] : memref<10112x128xf32, #tpu.memory_space<hbm>> -> memref<632x128xf32, #tpu.memory_space<hbm>>
      %dma_wait3A_22 = arith.constant 0 : i32
      %dma_wait3A_23 = tpu.memref_slice %arg11[%mul3A_7, %dma_wait3A_22] : memref<10112x128xf32, #tpu.memory_space<vmem_shared>> -> memref<632x128xf32, #tpu.memory_space<vmem_shared>>
      tpu.wait_dma2 semaphore(%run_scoped3A : memref<!tpu.dma_semaphore, #tpu.memory_space<semaphore_mem>>) src(%dma_wait3A_23 : memref<632x128xf32, #tpu.memory_space<vmem_shared>>) dst(%dma_wait3A_21 : memref<632x128xf32, #tpu.memory_space<hbm>>)
      tpu.yield
    }) : () -> ()
    return
  }
}

module attributes {stable_mosaic.version = 14 : i64} {
  func.func @_tc1_body(%arg0: i32, %arg1: memref<2000x1xf32, #tpu.memory_space<vmem>>, %arg2: memref<2000x1xf32, #tpu.memory_space<vmem>>, %arg3: memref<2000x256xf32, #tpu.memory_space<vmem>>, %arg4: memref<256x256xf32, #tpu.memory_space<vmem>>, %arg5: memref<2x2000x128xf32, #tpu.memory_space<vmem>>) attributes {dimension_semantics = [#tpu.dimension_semantics<arbitrary>], iteration_bounds = array<i64: 5>, scalar_prefetch = 0 : i64, scratch_operands = 0 : i64, tpu.core_type = #tpu.core_type<tc>, window_params = [{transform_indices = @transform_0, window_bounds = array<i64: 2000, 1>}, {transform_indices = @transform_1, window_bounds = array<i64: 2000, 1>}, {transform_indices = @transform_2, window_bounds = array<i64: 2000, 256>}, {pipeline_mode = #tpu.pipeline_mode<synchronous>, transform_indices = @transform_3, window_bounds = array<i64: 256, 256>}, {transform_indices = @transform_4, window_bounds = array<i64: 2, 2000, 128>}]} {
    %get3A = arith.constant 0 : index
    %get3A_0 = arith.constant 0 : index
    %get3A_1 = vector.load %arg1[%get3A, %get3A_0] : memref<2000x1xf32, #tpu.memory_space<vmem>>, vector<2000x1xf32>
    %get3A_2 = arith.constant 0 : index
    %get3A_3 = arith.constant 0 : index
    %get3A_4 = vector.load %arg2[%get3A_2, %get3A_3] : memref<2000x1xf32, #tpu.memory_space<vmem>>, vector<2000x1xf32>
    %add3A = arith.addf %get3A_1, %get3A_4 : vector<2000x1xf32>
    %add3A_5 = arith.constant 1.000000e+00 : f32
    %add3A_6 = vector.broadcast %add3A_5 : f32 to vector<2000x1xf32>
    %add3A_7 = arith.addf %add3A, %add3A_6 : vector<2000x1xf32>
    %rsqrt3A = math.rsqrt %add3A_7 : vector<2000x1xf32>
    %get3A_8 = arith.constant 0 : index
    %get3A_9 = arith.constant 0 : index
    %get3A_10 = vector.load %arg3[%get3A_8, %get3A_9] : memref<2000x256xf32, #tpu.memory_space<vmem>>, vector<2000x256xf32>
    %get3A_11 = arith.constant 0 : index
    %get3A_12 = arith.constant 0 : index
    %get3A_13 = vector.load %arg4[%get3A_11, %get3A_12] : memref<256x256xf32, #tpu.memory_space<vmem>>, vector<256x256xf32>
    %dot_general3A = arith.constant dense<0.000000e+00> : vector<2000x256xf32>
    %dot_general3A_14 = tpu.matmul %get3A_10, %get3A_13, %dot_general3A {dimension_numbers = #tpu.dot_dimension_numbers<[1], [0], [0], [1], [0, 0, 1, 1], [], []>, transpose_lhs_hint = false} : vector<2000x256xf32>, vector<256x256xf32>, vector<2000x256xf32> -> vector<2000x256xf32>
    %mul3A = vector.broadcast %rsqrt3A : vector<2000x1xf32> to vector<2000x256xf32>
    %mul3A_15 = arith.mulf %mul3A, %dot_general3A_14 : vector<2000x256xf32>
    %slice3A = vector.extract_strided_slice %mul3A_15 {offsets = [0, 0], sizes = [2000, 128], strides = [1, 1]} : vector<2000x256xf32> to vector<2000x128xf32>
    %swap3A = arith.constant 0 : index
    %swap3A_16 = arith.constant 0 : index
    %swap3A_17 = arith.constant 0 : index
    %swap3A_18 = vector.load %arg5[%swap3A, %swap3A_16, %swap3A_17] : memref<2x2000x128xf32, #tpu.memory_space<vmem>>, vector<1x2000x128xf32>
    %swap3A_19 = vector.shape_cast %swap3A_18 : vector<1x2000x128xf32> to vector<2000x128xf32>
    %swap3A_20 = vector.shape_cast %slice3A : vector<2000x128xf32> to vector<1x2000x128xf32>
    tpu.vector_store %arg5[%swap3A, %swap3A_16, %swap3A_17], %swap3A_20 {strides = array<i32>} : memref<2x2000x128xf32, #tpu.memory_space<vmem>>, vector<1x2000x128xf32>,
    %slice3A_21 = vector.extract_strided_slice %mul3A_15 {offsets = [0, 128], sizes = [2000, 128], strides = [1, 1]} : vector<2000x256xf32> to vector<2000x128xf32>
    %swap3A_22 = arith.constant 1 : index
    %swap3A_23 = arith.constant 0 : index
    %swap3A_24 = arith.constant 0 : index
    %swap3A_25 = vector.load %arg5[%swap3A_22, %swap3A_23, %swap3A_24] : memref<2x2000x128xf32, #tpu.memory_space<vmem>>, vector<1x2000x128xf32>
    %swap3A_26 = vector.shape_cast %swap3A_25 : vector<1x2000x128xf32> to vector<2000x128xf32>
    %swap3A_27 = vector.shape_cast %slice3A_21 : vector<2000x128xf32> to vector<1x2000x128xf32>
    tpu.vector_store %arg5[%swap3A_22, %swap3A_23, %swap3A_24], %swap3A_27 {strides = array<i32>} : memref<2x2000x128xf32, #tpu.memory_space<vmem>>, vector<1x2000x128xf32>,
    return
  }
  func.func @transform_0(%arg0: i32) -> (i32, i32) {
    %c0_i32 = arith.constant 0 : i32
    %c0_i32_0 = arith.constant 0 : i32
    return %arg0, %c0_i32 : i32, i32
  }
  func.func @transform_1(%arg0: i32) -> (i32, i32) {
    %c0_i32 = arith.constant 0 : i32
    %c0_i32_0 = arith.constant 0 : i32
    return %arg0, %c0_i32 : i32, i32
  }
  func.func @transform_2(%arg0: i32) -> (i32, i32) {
    %c0_i32 = arith.constant 0 : i32
    %c0_i32_0 = arith.constant 0 : i32
    return %arg0, %c0_i32 : i32, i32
  }
  func.func @transform_3(%arg0: i32) -> (i32, i32) {
    %c0_i32 = arith.constant 0 : i32
    %c0_i32_0 = arith.constant 0 : i32
    %c0_i32_1 = arith.constant 0 : i32
    return %c0_i32, %c0_i32_0 : i32, i32
  }
  func.func @transform_4(%arg0: i32) -> (i32, i32, i32) {
    %c0_i32 = arith.constant 0 : i32
    %c0_i32_0 = arith.constant 0 : i32
    %c0_i32_1 = arith.constant 0 : i32
    return %c0_i32, %arg0, %c0_i32_0 : i32, i32, i32
  }
}

module attributes {stable_mosaic.version = 14 : i64} {
  func.func @_tc_mid_body(%arg0: i32, %arg1: memref<2000x1xf32, #tpu.memory_space<vmem>>, %arg2: memref<2000x1xf32, #tpu.memory_space<vmem>>, %arg3: memref<2x2000x128xf32, #tpu.memory_space<vmem>>, %arg4: memref<2x2000x128xf32, #tpu.memory_space<vmem>>, %arg5: memref<256x256xf32, #tpu.memory_space<vmem>>, %arg6: memref<1x256xf32, #tpu.memory_space<vmem>>, %arg7: memref<2x2000x128xf32, #tpu.memory_space<vmem>>) attributes {dimension_semantics = [#tpu.dimension_semantics<arbitrary>], iteration_bounds = array<i64: 5>, scalar_prefetch = 0 : i64, scratch_operands = 0 : i64, tpu.core_type = #tpu.core_type<tc>, window_params = [{transform_indices = @transform_0, window_bounds = array<i64: 2000, 1>}, {transform_indices = @transform_1, window_bounds = array<i64: 2000, 1>}, {transform_indices = @transform_2, window_bounds = array<i64: 2, 2000, 128>}, {transform_indices = @transform_3, window_bounds = array<i64: 2, 2000, 128>}, {pipeline_mode = #tpu.pipeline_mode<synchronous>, transform_indices = @transform_4, window_bounds = array<i64: 256, 256>}, {pipeline_mode = #tpu.pipeline_mode<synchronous>, transform_indices = @transform_5, window_bounds = array<i64: 1, 256>}, {transform_indices = @transform_6, window_bounds = array<i64: 2, 2000, 128>}]} {
    %get3A = arith.constant 0 : index
    %get3A_0 = arith.constant 0 : index
    %get3A_1 = vector.load %arg1[%get3A, %get3A_0] : memref<2000x1xf32, #tpu.memory_space<vmem>>, vector<2000x1xf32>
    %get3A_2 = arith.constant 0 : index
    %get3A_3 = arith.constant 0 : index
    %get3A_4 = vector.load %arg2[%get3A_2, %get3A_3] : memref<2000x1xf32, #tpu.memory_space<vmem>>, vector<2000x1xf32>
    %add3A = arith.addf %get3A_1, %get3A_4 : vector<2000x1xf32>
    %add3A_5 = arith.constant 1.000000e+00 : f32
    %add3A_6 = vector.broadcast %add3A_5 : f32 to vector<2000x1xf32>
    %add3A_7 = arith.addf %add3A, %add3A_6 : vector<2000x1xf32>
    %rsqrt3A = math.rsqrt %add3A_7 : vector<2000x1xf32>
    %get3A_8 = arith.constant 0 : index
    %get3A_9 = arith.constant 0 : index
    %get3A_10 = arith.constant 0 : index
    %get3A_11 = vector.load %arg3[%get3A_8, %get3A_9, %get3A_10] : memref<2x2000x128xf32, #tpu.memory_space<vmem>>, vector<1x2000x128xf32>
    %get3A_12 = vector.shape_cast %get3A_11 : vector<1x2000x128xf32> to vector<2000x128xf32>
    %get3A_13 = arith.constant 1 : index
    %get3A_14 = arith.constant 0 : index
    %get3A_15 = arith.constant 0 : index
    %get3A_16 = vector.load %arg3[%get3A_13, %get3A_14, %get3A_15] : memref<2x2000x128xf32, #tpu.memory_space<vmem>>, vector<1x2000x128xf32>
    %get3A_17 = vector.shape_cast %get3A_16 : vector<1x2000x128xf32> to vector<2000x128xf32>
    %concatenate3A = tpu.concatenate %get3A_12, %get3A_17 in 1 : vector<2000x128xf32>, vector<2000x128xf32> -> vector<2000x256xf32>
    %get3A_18 = arith.constant 0 : index
    %get3A_19 = arith.constant 0 : index
    %get3A_20 = arith.constant 0 : index
    %get3A_21 = vector.load %arg4[%get3A_18, %get3A_19, %get3A_20] : memref<2x2000x128xf32, #tpu.memory_space<vmem>>, vector<1x2000x128xf32>
    %get3A_22 = vector.shape_cast %get3A_21 : vector<1x2000x128xf32> to vector<2000x128xf32>
    %get3A_23 = arith.constant 1 : index
    %get3A_24 = arith.constant 0 : index
    %get3A_25 = arith.constant 0 : index
    %get3A_26 = vector.load %arg4[%get3A_23, %get3A_24, %get3A_25] : memref<2x2000x128xf32, #tpu.memory_space<vmem>>, vector<1x2000x128xf32>
    %get3A_27 = vector.shape_cast %get3A_26 : vector<1x2000x128xf32> to vector<2000x128xf32>
    %concatenate3A_28 = tpu.concatenate %get3A_22, %get3A_27 in 1 : vector<2000x128xf32>, vector<2000x128xf32> -> vector<2000x256xf32>
    %add3A_29 = arith.addf %concatenate3A, %concatenate3A_28 : vector<2000x256xf32>
    %mul3A = vector.broadcast %rsqrt3A : vector<2000x1xf32> to vector<2000x256xf32>
    %mul3A_30 = arith.mulf %mul3A, %add3A_29 : vector<2000x256xf32>
    %get3A_31 = arith.constant 0 : index
    %get3A_32 = arith.constant 0 : index
    %get3A_33 = vector.load %arg6[%get3A_31, %get3A_32] : memref<1x256xf32, #tpu.memory_space<vmem>>, vector<1x256xf32>
    %add3A_34 = vector.broadcast %get3A_33 : vector<1x256xf32> to vector<2000x256xf32>
    %add3A_35 = arith.addf %mul3A_30, %add3A_34 : vector<2000x256xf32>
    %max3A = arith.constant 0.000000e+00 : f32
    %max3A_36 = vector.broadcast %max3A : f32 to vector<2000x256xf32>
    %max3A_37 = arith.maximumf %add3A_35, %max3A_36 : vector<2000x256xf32>
    %get3A_38 = arith.constant 0 : index
    %get3A_39 = arith.constant 0 : index
    %get3A_40 = vector.load %arg5[%get3A_38, %get3A_39] : memref<256x256xf32, #tpu.memory_space<vmem>>, vector<256x256xf32>
    %dot_general3A = arith.constant dense<0.000000e+00> : vector<2000x256xf32>
    %dot_general3A_41 = tpu.matmul %max3A_37, %get3A_40, %dot_general3A {dimension_numbers = #tpu.dot_dimension_numbers<[1], [0], [0], [1], [0, 0, 1, 1], [], []>, transpose_lhs_hint = false} : vector<2000x256xf32>, vector<256x256xf32>, vector<2000x256xf32> -> vector<2000x256xf32>
    %mul3A_42 = vector.broadcast %rsqrt3A : vector<2000x1xf32> to vector<2000x256xf32>
    %mul3A_43 = arith.mulf %mul3A_42, %dot_general3A_41 : vector<2000x256xf32>
    %slice3A = vector.extract_strided_slice %mul3A_43 {offsets = [0, 0], sizes = [2000, 128], strides = [1, 1]} : vector<2000x256xf32> to vector<2000x128xf32>
    %swap3A = arith.constant 0 : index
    %swap3A_44 = arith.constant 0 : index
    %swap3A_45 = arith.constant 0 : index
    %swap3A_46 = vector.load %arg7[%swap3A, %swap3A_44, %swap3A_45] : memref<2x2000x128xf32, #tpu.memory_space<vmem>>, vector<1x2000x128xf32>
    %swap3A_47 = vector.shape_cast %swap3A_46 : vector<1x2000x128xf32> to vector<2000x128xf32>
    %swap3A_48 = vector.shape_cast %slice3A : vector<2000x128xf32> to vector<1x2000x128xf32>
    tpu.vector_store %arg7[%swap3A, %swap3A_44, %swap3A_45], %swap3A_48 {strides = array<i32>} : memref<2x2000x128xf32, #tpu.memory_space<vmem>>, vector<1x2000x128xf32>,
    %slice3A_49 = vector.extract_strided_slice %mul3A_43 {offsets = [0, 128], sizes = [2000, 128], strides = [1, 1]} : vector<2000x256xf32> to vector<2000x128xf32>
    %swap3A_50 = arith.constant 1 : index
    %swap3A_51 = arith.constant 0 : index
    %swap3A_52 = arith.constant 0 : index
    %swap3A_53 = vector.load %arg7[%swap3A_50, %swap3A_51, %swap3A_52] : memref<2x2000x128xf32, #tpu.memory_space<vmem>>, vector<1x2000x128xf32>
    %swap3A_54 = vector.shape_cast %swap3A_53 : vector<1x2000x128xf32> to vector<2000x128xf32>
    %swap3A_55 = vector.shape_cast %slice3A_49 : vector<2000x128xf32> to vector<1x2000x128xf32>
    tpu.vector_store %arg7[%swap3A_50, %swap3A_51, %swap3A_52], %swap3A_55 {strides = array<i32>} : memref<2x2000x128xf32, #tpu.memory_space<vmem>>, vector<1x2000x128xf32>,
    return
  }
  func.func @transform_0(%arg0: i32) -> (i32, i32) {
    %c0_i32 = arith.constant 0 : i32
    %c0_i32_0 = arith.constant 0 : i32
    return %arg0, %c0_i32 : i32, i32
  }
  func.func @transform_1(%arg0: i32) -> (i32, i32) {
    %c0_i32 = arith.constant 0 : i32
    %c0_i32_0 = arith.constant 0 : i32
    return %arg0, %c0_i32 : i32, i32
  }
  func.func @transform_2(%arg0: i32) -> (i32, i32, i32) {
    %c0_i32 = arith.constant 0 : i32
    %c0_i32_0 = arith.constant 0 : i32
    %c0_i32_1 = arith.constant 0 : i32
    return %c0_i32, %arg0, %c0_i32_0 : i32, i32, i32
  }
  func.func @transform_3(%arg0: i32) -> (i32, i32, i32) {
    %c0_i32 = arith.constant 0 : i32
    %c0_i32_0 = arith.constant 0 : i32
    %c0_i32_1 = arith.constant 0 : i32
    return %c0_i32, %arg0, %c0_i32_0 : i32, i32, i32
  }
  func.func @transform_4(%arg0: i32) -> (i32, i32) {
    %c0_i32 = arith.constant 0 : i32
    %c0_i32_0 = arith.constant 0 : i32
    %c0_i32_1 = arith.constant 0 : i32
    return %c0_i32, %c0_i32_0 : i32, i32
  }
  func.func @transform_5(%arg0: i32) -> (i32, i32) {
    %c0_i32 = arith.constant 0 : i32
    %c0_i32_0 = arith.constant 0 : i32
    %c0_i32_1 = arith.constant 0 : i32
    return %c0_i32, %c0_i32_0 : i32, i32
  }
  func.func @transform_6(%arg0: i32) -> (i32, i32, i32) {
    %c0_i32 = arith.constant 0 : i32
    %c0_i32_0 = arith.constant 0 : i32
    %c0_i32_1 = arith.constant 0 : i32
    return %c0_i32, %arg0, %c0_i32_0 : i32, i32, i32
  }
}

module attributes {stable_mosaic.version = 14 : i64} {
  func.func @_tc3_body(%arg0: i32, %arg1: memref<2000x1xf32, #tpu.memory_space<vmem>>, %arg2: memref<2000x1xf32, #tpu.memory_space<vmem>>, %arg3: memref<2x2000x128xf32, #tpu.memory_space<vmem>>, %arg4: memref<2x2000x128xf32, #tpu.memory_space<vmem>>, %arg5: memref<1x256xf32, #tpu.memory_space<vmem>>, %arg6: memref<256x128xf32, #tpu.memory_space<vmem>>, %arg7: memref<256x128xf32, #tpu.memory_space<vmem>>, %arg8: memref<2x2000x128xf32, #tpu.memory_space<vmem>>) attributes {dimension_semantics = [#tpu.dimension_semantics<arbitrary>], iteration_bounds = array<i64: 5>, scalar_prefetch = 0 : i64, scratch_operands = 0 : i64, tpu.core_type = #tpu.core_type<tc>, window_params = [{transform_indices = @transform_0, window_bounds = array<i64: 2000, 1>}, {transform_indices = @transform_1, window_bounds = array<i64: 2000, 1>}, {transform_indices = @transform_2, window_bounds = array<i64: 2, 2000, 128>}, {transform_indices = @transform_3, window_bounds = array<i64: 2, 2000, 128>}, {pipeline_mode = #tpu.pipeline_mode<synchronous>, transform_indices = @transform_4, window_bounds = array<i64: 1, 256>}, {pipeline_mode = #tpu.pipeline_mode<synchronous>, transform_indices = @transform_5, window_bounds = array<i64: 256, 128>}, {pipeline_mode = #tpu.pipeline_mode<synchronous>, transform_indices = @transform_6, window_bounds = array<i64: 256, 128>}, {transform_indices = @transform_7, window_bounds = array<i64: 2, 2000, 128>}]} {
    %get3A = arith.constant 0 : index
    %get3A_0 = arith.constant 0 : index
    %get3A_1 = vector.load %arg1[%get3A, %get3A_0] : memref<2000x1xf32, #tpu.memory_space<vmem>>, vector<2000x1xf32>
    %get3A_2 = arith.constant 0 : index
    %get3A_3 = arith.constant 0 : index
    %get3A_4 = vector.load %arg2[%get3A_2, %get3A_3] : memref<2000x1xf32, #tpu.memory_space<vmem>>, vector<2000x1xf32>
    %add3A = arith.addf %get3A_1, %get3A_4 : vector<2000x1xf32>
    %add3A_5 = arith.constant 1.000000e+00 : f32
    %add3A_6 = vector.broadcast %add3A_5 : f32 to vector<2000x1xf32>
    %add3A_7 = arith.addf %add3A, %add3A_6 : vector<2000x1xf32>
    %rsqrt3A = math.rsqrt %add3A_7 : vector<2000x1xf32>
    %get3A_8 = arith.constant 0 : index
    %get3A_9 = arith.constant 0 : index
    %get3A_10 = arith.constant 0 : index
    %get3A_11 = vector.load %arg3[%get3A_8, %get3A_9, %get3A_10] : memref<2x2000x128xf32, #tpu.memory_space<vmem>>, vector<1x2000x128xf32>
    %get3A_12 = vector.shape_cast %get3A_11 : vector<1x2000x128xf32> to vector<2000x128xf32>
    %get3A_13 = arith.constant 1 : index
    %get3A_14 = arith.constant 0 : index
    %get3A_15 = arith.constant 0 : index
    %get3A_16 = vector.load %arg3[%get3A_13, %get3A_14, %get3A_15] : memref<2x2000x128xf32, #tpu.memory_space<vmem>>, vector<1x2000x128xf32>
    %get3A_17 = vector.shape_cast %get3A_16 : vector<1x2000x128xf32> to vector<2000x128xf32>
    %concatenate3A = tpu.concatenate %get3A_12, %get3A_17 in 1 : vector<2000x128xf32>, vector<2000x128xf32> -> vector<2000x256xf32>
    %get3A_18 = arith.constant 0 : index
    %get3A_19 = arith.constant 0 : index
    %get3A_20 = arith.constant 0 : index
    %get3A_21 = vector.load %arg4[%get3A_18, %get3A_19, %get3A_20] : memref<2x2000x128xf32, #tpu.memory_space<vmem>>, vector<1x2000x128xf32>
    %get3A_22 = vector.shape_cast %get3A_21 : vector<1x2000x128xf32> to vector<2000x128xf32>
    %get3A_23 = arith.constant 1 : index
    %get3A_24 = arith.constant 0 : index
    %get3A_25 = arith.constant 0 : index
    %get3A_26 = vector.load %arg4[%get3A_23, %get3A_24, %get3A_25] : memref<2x2000x128xf32, #tpu.memory_space<vmem>>, vector<1x2000x128xf32>
    %get3A_27 = vector.shape_cast %get3A_26 : vector<1x2000x128xf32> to vector<2000x128xf32>
    %concatenate3A_28 = tpu.concatenate %get3A_22, %get3A_27 in 1 : vector<2000x128xf32>, vector<2000x128xf32> -> vector<2000x256xf32>
    %add3A_29 = arith.addf %concatenate3A, %concatenate3A_28 : vector<2000x256xf32>
    %mul3A = vector.broadcast %rsqrt3A : vector<2000x1xf32> to vector<2000x256xf32>
    %mul3A_30 = arith.mulf %mul3A, %add3A_29 : vector<2000x256xf32>
    %get3A_31 = arith.constant 0 : index
    %get3A_32 = arith.constant 0 : index
    %get3A_33 = vector.load %arg5[%get3A_31, %get3A_32] : memref<1x256xf32, #tpu.memory_space<vmem>>, vector<1x256xf32>
    %add3A_34 = vector.broadcast %get3A_33 : vector<1x256xf32> to vector<2000x256xf32>
    %add3A_35 = arith.addf %mul3A_30, %add3A_34 : vector<2000x256xf32>
    %max3A = arith.constant 0.000000e+00 : f32
    %max3A_36 = vector.broadcast %max3A : f32 to vector<2000x256xf32>
    %max3A_37 = arith.maximumf %add3A_35, %max3A_36 : vector<2000x256xf32>
    %get3A_38 = arith.constant 0 : index
    %get3A_39 = arith.constant 0 : index
    %get3A_40 = vector.load %arg6[%get3A_38, %get3A_39] : memref<256x128xf32, #tpu.memory_space<vmem>>, vector<256x128xf32>
    %get3A_41 = arith.constant 0 : index
    %get3A_42 = arith.constant 0 : index
    %get3A_43 = vector.load %arg7[%get3A_41, %get3A_42] : memref<256x128xf32, #tpu.memory_space<vmem>>, vector<256x128xf32>
    %concatenate3A_44 = tpu.concatenate %get3A_40, %get3A_43 in 1 : vector<256x128xf32>, vector<256x128xf32> -> vector<256x256xf32>
    %dot_general3A = arith.constant dense<0.000000e+00> : vector<2000x256xf32>
    %dot_general3A_45 = tpu.matmul %max3A_37, %concatenate3A_44, %dot_general3A {dimension_numbers = #tpu.dot_dimension_numbers<[1], [0], [0], [1], [0, 0, 1, 1], [], []>, transpose_lhs_hint = false} : vector<2000x256xf32>, vector<256x256xf32>, vector<2000x256xf32> -> vector<2000x256xf32>
    %mul3A_46 = vector.broadcast %rsqrt3A : vector<2000x1xf32> to vector<2000x256xf32>
    %mul3A_47 = arith.mulf %mul3A_46, %dot_general3A_45 : vector<2000x256xf32>
    %slice3A = vector.extract_strided_slice %mul3A_47 {offsets = [0, 0], sizes = [2000, 128], strides = [1, 1]} : vector<2000x256xf32> to vector<2000x128xf32>
    %swap3A = arith.constant 0 : index
    %swap3A_48 = arith.constant 0 : index
    %swap3A_49 = arith.constant 0 : index
    %swap3A_50 = vector.load %arg8[%swap3A, %swap3A_48, %swap3A_49] : memref<2x2000x128xf32, #tpu.memory_space<vmem>>, vector<1x2000x128xf32>
    %swap3A_51 = vector.shape_cast %swap3A_50 : vector<1x2000x128xf32> to vector<2000x128xf32>
    %swap3A_52 = vector.shape_cast %slice3A : vector<2000x128xf32> to vector<1x2000x128xf32>
    tpu.vector_store %arg8[%swap3A, %swap3A_48, %swap3A_49], %swap3A_52 {strides = array<i32>} : memref<2x2000x128xf32, #tpu.memory_space<vmem>>, vector<1x2000x128xf32>,
    %slice3A_53 = vector.extract_strided_slice %mul3A_47 {offsets = [0, 128], sizes = [2000, 128], strides = [1, 1]} : vector<2000x256xf32> to vector<2000x128xf32>
    %swap3A_54 = arith.constant 1 : index
    %swap3A_55 = arith.constant 0 : index
    %swap3A_56 = arith.constant 0 : index
    %swap3A_57 = vector.load %arg8[%swap3A_54, %swap3A_55, %swap3A_56] : memref<2x2000x128xf32, #tpu.memory_space<vmem>>, vector<1x2000x128xf32>
    %swap3A_58 = vector.shape_cast %swap3A_57 : vector<1x2000x128xf32> to vector<2000x128xf32>
    %swap3A_59 = vector.shape_cast %slice3A_53 : vector<2000x128xf32> to vector<1x2000x128xf32>
    tpu.vector_store %arg8[%swap3A_54, %swap3A_55, %swap3A_56], %swap3A_59 {strides = array<i32>} : memref<2x2000x128xf32, #tpu.memory_space<vmem>>, vector<1x2000x128xf32>,
    return
  }
  func.func @transform_0(%arg0: i32) -> (i32, i32) {
    %c0_i32 = arith.constant 0 : i32
    %c0_i32_0 = arith.constant 0 : i32
    return %arg0, %c0_i32 : i32, i32
  }
  func.func @transform_1(%arg0: i32) -> (i32, i32) {
    %c0_i32 = arith.constant 0 : i32
    %c0_i32_0 = arith.constant 0 : i32
    return %arg0, %c0_i32 : i32, i32
  }
  func.func @transform_2(%arg0: i32) -> (i32, i32, i32) {
    %c0_i32 = arith.constant 0 : i32
    %c0_i32_0 = arith.constant 0 : i32
    %c0_i32_1 = arith.constant 0 : i32
    return %c0_i32, %arg0, %c0_i32_0 : i32, i32, i32
  }
  func.func @transform_3(%arg0: i32) -> (i32, i32, i32) {
    %c0_i32 = arith.constant 0 : i32
    %c0_i32_0 = arith.constant 0 : i32
    %c0_i32_1 = arith.constant 0 : i32
    return %c0_i32, %arg0, %c0_i32_0 : i32, i32, i32
  }
  func.func @transform_4(%arg0: i32) -> (i32, i32) {
    %c0_i32 = arith.constant 0 : i32
    %c0_i32_0 = arith.constant 0 : i32
    %c0_i32_1 = arith.constant 0 : i32
    return %c0_i32, %c0_i32_0 : i32, i32
  }
  func.func @transform_5(%arg0: i32) -> (i32, i32) {
    %c0_i32 = arith.constant 0 : i32
    %c0_i32_0 = arith.constant 0 : i32
    %c0_i32_1 = arith.constant 0 : i32
    return %c0_i32, %c0_i32_0 : i32, i32
  }
  func.func @transform_6(%arg0: i32) -> (i32, i32) {
    %c0_i32 = arith.constant 0 : i32
    %c0_i32_0 = arith.constant 0 : i32
    %c0_i32_1 = arith.constant 0 : i32
    return %c0_i32, %c0_i32_0 : i32, i32
  }
  func.func @transform_7(%arg0: i32) -> (i32, i32, i32) {
    %c0_i32 = arith.constant 0 : i32
    %c0_i32_0 = arith.constant 0 : i32
    %c0_i32_1 = arith.constant 0 : i32
    return %c0_i32, %arg0, %c0_i32_0 : i32, i32, i32
  }
}

module attributes {stable_mosaic.version = 14 : i64} {
  func.func @_tc4_body(%arg0: i32, %arg1: memref<2000x1xf32, #tpu.memory_space<vmem>>, %arg2: memref<2000x1xf32, #tpu.memory_space<vmem>>, %arg3: memref<2x2000x128xf32, #tpu.memory_space<vmem>>, %arg4: memref<2x2000x128xf32, #tpu.memory_space<vmem>>, %arg5: memref<1x128xf32, #tpu.memory_space<vmem>>, %arg6: memref<1x128xf32, #tpu.memory_space<vmem>>, %arg7: memref<2000x128xf32, #tpu.memory_space<vmem>>, %arg8: memref<2000x128xf32, #tpu.memory_space<vmem>>) attributes {dimension_semantics = [#tpu.dimension_semantics<arbitrary>], iteration_bounds = array<i64: 5>, scalar_prefetch = 0 : i64, scratch_operands = 0 : i64, tpu.core_type = #tpu.core_type<tc>, window_params = [{transform_indices = @transform_0, window_bounds = array<i64: 2000, 1>}, {transform_indices = @transform_1, window_bounds = array<i64: 2000, 1>}, {transform_indices = @transform_2, window_bounds = array<i64: 2, 2000, 128>}, {transform_indices = @transform_3, window_bounds = array<i64: 2, 2000, 128>}, {pipeline_mode = #tpu.pipeline_mode<synchronous>, transform_indices = @transform_4, window_bounds = array<i64: 1, 128>}, {pipeline_mode = #tpu.pipeline_mode<synchronous>, transform_indices = @transform_5, window_bounds = array<i64: 1, 128>}, {transform_indices = @transform_6, window_bounds = array<i64: 2000, 128>}, {transform_indices = @transform_7, window_bounds = array<i64: 2000, 128>}]} {
    %get3A = arith.constant 0 : index
    %get3A_0 = arith.constant 0 : index
    %get3A_1 = vector.load %arg1[%get3A, %get3A_0] : memref<2000x1xf32, #tpu.memory_space<vmem>>, vector<2000x1xf32>
    %get3A_2 = arith.constant 0 : index
    %get3A_3 = arith.constant 0 : index
    %get3A_4 = vector.load %arg2[%get3A_2, %get3A_3] : memref<2000x1xf32, #tpu.memory_space<vmem>>, vector<2000x1xf32>
    %add3A = arith.addf %get3A_1, %get3A_4 : vector<2000x1xf32>
    %add3A_5 = arith.constant 1.000000e+00 : f32
    %add3A_6 = vector.broadcast %add3A_5 : f32 to vector<2000x1xf32>
    %add3A_7 = arith.addf %add3A, %add3A_6 : vector<2000x1xf32>
    %rsqrt3A = math.rsqrt %add3A_7 : vector<2000x1xf32>
    %get3A_8 = arith.constant 0 : index
    %get3A_9 = arith.constant 0 : index
    %get3A_10 = arith.constant 0 : index
    %get3A_11 = vector.load %arg3[%get3A_8, %get3A_9, %get3A_10] : memref<2x2000x128xf32, #tpu.memory_space<vmem>>, vector<1x2000x128xf32>
    %get3A_12 = vector.shape_cast %get3A_11 : vector<1x2000x128xf32> to vector<2000x128xf32>
    %get3A_13 = arith.constant 0 : index
    %get3A_14 = arith.constant 0 : index
    %get3A_15 = arith.constant 0 : index
    %get3A_16 = vector.load %arg4[%get3A_13, %get3A_14, %get3A_15] : memref<2x2000x128xf32, #tpu.memory_space<vmem>>, vector<1x2000x128xf32>
    %get3A_17 = vector.shape_cast %get3A_16 : vector<1x2000x128xf32> to vector<2000x128xf32>
    %add3A_18 = arith.addf %get3A_12, %get3A_17 : vector<2000x128xf32>
    %mul3A = vector.broadcast %rsqrt3A : vector<2000x1xf32> to vector<2000x128xf32>
    %mul3A_19 = arith.mulf %mul3A, %add3A_18 : vector<2000x128xf32>
    %get3A_20 = arith.constant 0 : index
    %get3A_21 = arith.constant 0 : index
    %get3A_22 = vector.load %arg5[%get3A_20, %get3A_21] : memref<1x128xf32, #tpu.memory_space<vmem>>, vector<1x128xf32>
    %add3A_23 = vector.broadcast %get3A_22 : vector<1x128xf32> to vector<2000x128xf32>
    %add3A_24 = arith.addf %mul3A_19, %add3A_23 : vector<2000x128xf32>
    %swap3A = arith.constant 0 : index
    %swap3A_25 = arith.constant 0 : index
    %swap3A_26 = vector.load %arg7[%swap3A, %swap3A_25] : memref<2000x128xf32, #tpu.memory_space<vmem>>, vector<2000x128xf32>
    tpu.vector_store %arg7[%swap3A, %swap3A_25], %add3A_24 {strides = array<i32>} : memref<2000x128xf32, #tpu.memory_space<vmem>>, vector<2000x128xf32>,
    %get3A_27 = arith.constant 1 : index
    %get3A_28 = arith.constant 0 : index
    %get3A_29 = arith.constant 0 : index
    %get3A_30 = vector.load %arg3[%get3A_27, %get3A_28, %get3A_29] : memref<2x2000x128xf32, #tpu.memory_space<vmem>>, vector<1x2000x128xf32>
    %get3A_31 = vector.shape_cast %get3A_30 : vector<1x2000x128xf32> to vector<2000x128xf32>
    %get3A_32 = arith.constant 1 : index
    %get3A_33 = arith.constant 0 : index
    %get3A_34 = arith.constant 0 : index
    %get3A_35 = vector.load %arg4[%get3A_32, %get3A_33, %get3A_34] : memref<2x2000x128xf32, #tpu.memory_space<vmem>>, vector<1x2000x128xf32>
    %get3A_36 = vector.shape_cast %get3A_35 : vector<1x2000x128xf32> to vector<2000x128xf32>
    %add3A_37 = arith.addf %get3A_31, %get3A_36 : vector<2000x128xf32>
    %mul3A_38 = vector.broadcast %rsqrt3A : vector<2000x1xf32> to vector<2000x128xf32>
    %mul3A_39 = arith.mulf %mul3A_38, %add3A_37 : vector<2000x128xf32>
    %get3A_40 = arith.constant 0 : index
    %get3A_41 = arith.constant 0 : index
    %get3A_42 = vector.load %arg6[%get3A_40, %get3A_41] : memref<1x128xf32, #tpu.memory_space<vmem>>, vector<1x128xf32>
    %add3A_43 = vector.broadcast %get3A_42 : vector<1x128xf32> to vector<2000x128xf32>
    %add3A_44 = arith.addf %mul3A_39, %add3A_43 : vector<2000x128xf32>
    %swap3A_45 = arith.constant 0 : index
    %swap3A_46 = arith.constant 0 : index
    %swap3A_47 = vector.load %arg8[%swap3A_45, %swap3A_46] : memref<2000x128xf32, #tpu.memory_space<vmem>>, vector<2000x128xf32>
    tpu.vector_store %arg8[%swap3A_45, %swap3A_46], %add3A_44 {strides = array<i32>} : memref<2000x128xf32, #tpu.memory_space<vmem>>, vector<2000x128xf32>,
    return
  }
  func.func @transform_0(%arg0: i32) -> (i32, i32) {
    %c0_i32 = arith.constant 0 : i32
    %c0_i32_0 = arith.constant 0 : i32
    return %arg0, %c0_i32 : i32, i32
  }
  func.func @transform_1(%arg0: i32) -> (i32, i32) {
    %c0_i32 = arith.constant 0 : i32
    %c0_i32_0 = arith.constant 0 : i32
    return %arg0, %c0_i32 : i32, i32
  }
  func.func @transform_2(%arg0: i32) -> (i32, i32, i32) {
    %c0_i32 = arith.constant 0 : i32
    %c0_i32_0 = arith.constant 0 : i32
    %c0_i32_1 = arith.constant 0 : i32
    return %c0_i32, %arg0, %c0_i32_0 : i32, i32, i32
  }
  func.func @transform_3(%arg0: i32) -> (i32, i32, i32) {
    %c0_i32 = arith.constant 0 : i32
    %c0_i32_0 = arith.constant 0 : i32
    %c0_i32_1 = arith.constant 0 : i32
    return %c0_i32, %arg0, %c0_i32_0 : i32, i32, i32
  }
  func.func @transform_4(%arg0: i32) -> (i32, i32) {
    %c0_i32 = arith.constant 0 : i32
    %c0_i32_0 = arith.constant 0 : i32
    %c0_i32_1 = arith.constant 0 : i32
    return %c0_i32, %c0_i32_0 : i32, i32
  }
  func.func @transform_5(%arg0: i32) -> (i32, i32) {
    %c0_i32 = arith.constant 0 : i32
    %c0_i32_0 = arith.constant 0 : i32
    %c0_i32_1 = arith.constant 0 : i32
    return %c0_i32, %c0_i32_0 : i32, i32
  }
  func.func @transform_6(%arg0: i32) -> (i32, i32) {
    %c0_i32 = arith.constant 0 : i32
    %c0_i32_0 = arith.constant 0 : i32
    return %arg0, %c0_i32 : i32, i32
  }
  func.func @transform_7(%arg0: i32) -> (i32, i32) {
    %c0_i32 = arith.constant 0 : i32
    %c0_i32_0 = arith.constant 0 : i32
    return %arg0, %c0_i32 : i32, i32
  }
}

</mosaic_0001>

<sc_bundles>
// kernel: kernel.10.cloned.1.call-start
scs
__scs_entry_jumppad:
0x0: {  	(pc) =	sbr.rel $0x88, $3  }
0x1: {  	(tag) =	ssettag $0x0;
	lr =	simm.s32 $0x1  }
0x2: {  	[smem:$0x3F97] =	sst lr;
	_ =	strace $0xD0000000  }
0x3: {  	_ = 	snop  }
0x4: {  	_ = 	snop  }
0x5: {  	_ = 	snop  }
0x6: {  	_ = 	snop  }
0x7: {  	_ = 	snop  }
__scs_overlays_trampoline_lowered:
0x8: {  	[smem:$0x3FA6] =	sst s0  }
0x9: {  	[smem:$0x3FA7] =	sst s1  }
0xa: {  	[smem:$0x3FA8] =	sst s2  }
0xb: {  	[smem:$0x3FA9] =	sst s3  }
0xc: {  	[smem:$0x3FAA] =	sst s4  }
0xd: {  	[smem:$0x3FAB] =	sst s5  }
0xe: {  	[smem:$0x3FAC] =	sst s6  }
0xf: {  	[smem:$0x3FAD] =	sst s7  }
0x10: {  	[smem:$0x3FAE] =	sst s8  }
0x11: {  	[smem:$0x3FAF] =	sst s9;
	s0 =	simm.s32 @!p0 $0x0  }
0x12: {  	s1 =	sld [smem:$0x3F95];
	s0 =	simm.s32 @p0 $0x1  }
0x13: {  	[smem:$0x3FB0] =	sst s0;
	s0 =	simm.s32 @!p1 $0x0  }
0x14: {  	s2 =	sld [smem:$0x3F94];
	s0 =	simm.s32 @p1 $0x1  }
0x15: {  	[smem:$0x3FB1] =	sst s0;
	s0 =	simm.s32 @!p2 $0x0  }
0x16: {  	s3 =	sld [smem:$0x3FDB];
	s0 =	simm.s32 @p2 $0x1  }
0x17: {  	s4 =	simm.s32 $0x1BF5;
	[smem:$0x3FB3] =	sst s0  }
0x18: {  	s0 =	sld [smem:$0x3F96];
	_ =	swait.ge [sflag:s4], $0x0  }
0x19: {  	s7 =	sld [smem:$0x3F97]  }
0x1a: {  	s8 =	sadd.s32 $0xFFFFE003, lr  }
0x1b: {  	s9 =	sadd.s32 $0xFFFFFEF7, lr;
	s5 =	simm.s32 $0xFFFFFFFF;
	p2 =	slt.u32 s8, $0xFFFFF086  }
0x1c: {  	p1 =	slt.u32 s9, $0xF7A;
	s5 =	simm.s32 @!p2 $0x0  }
0x1d: {  	s5 =	simm.s32 @p1 $0x1;
	p0 =	seq.s32 s7, s2  }
0x1e: {  	s7 =	smul.u32 @!p0 $0xF7A, s2;
	p2 =	seq.s32 @!p0 s5, $0x0  }
0x1f: {  	s9 =	smul.u32 $0xF7A, s1;
	s8 =	simm.s32 @!p0 $0x1BF5;
	p2 =	por !p2, p0  }
0x20: {  	[sflag:s8] =	ssyncset.s32 @!p0 $0xFFFFF086;
	s6 =	sadd.s32 @!p0 s3, s7;
	s7 =	simm.s32 @!p0 $0x108  }
0x21: {  	s3 =	sadd.s32 s3, s9;
	s6 =	sadd.s32 @!p0 $0x88, s6;
	s7 =	simm.s32 @p2 $0x1082  }
0x22: {  	[simem:s7], [sflag:s8] =	dma.local @!p0 [hbm:s6], $0xF7A  }
0x23: {  	s9 =	sor.u32 $0xD0000000, s2;
	s6 =	simm.s32 $0x108;
	_ =	swait.ge @!p0 [sflag:s8], $0x0  }
0x24: {  	s3 =	sadd.s32 $0x88, s3;
	s6 =	simm.s32 @!p1 $0x1082;
	[sflag:s4] =	ssyncset.s32 $0xFFFFF086  }
0x25: {  	[simem:s6], [sflag:s4] =	dma.local [hbm:s3], $0xF7A  }
0x26: {  	[smem:$0x3F97] =	sst s1;
	(tag) =	ssettag s2;
	_ =	strace s9  }
0x27: {  	s1 =	sld [smem:$0x3FA7]  }
0x28: {  	s2 =	sld [smem:$0x3FA8]  }
0x29: {  	s4 =	sld [smem:$0x3FAA]  }
0x2a: {  	p0 =	seq.s32 s5, $0x0;
	s5 =	sld [smem:$0x3FAB]  }
0x2b: {  	s6 =	sld [smem:$0x3FAC]  }
0x2c: {  	s7 =	sld [smem:$0x3FAD]  }
0x2d: {  	s3 =	simm.s32 $0x108;
	s8 =	sld [smem:$0x3FAE]  }
0x2e: {  	s3 =	simm.s32 @!p0 $0x1082;
	s9 =	sld [smem:$0x3FAF]  }
0x2f: {  	lr =	sadd.s32 s0, s3;
	s0 =	sld [smem:$0x3FA6]  }
0x30: {  	s3 =	sld [smem:$0x3FA9]  }
0x31: {  	[smem:$0x3FB2] =	sst s10  }
0x32: {  	s10 =	sld [smem:$0x3FB0];
	_ =	sdelay $0x3  }
0x33: {  	p0 =	seq.s32 s10, $0x1;
	s10 =	sld [smem:$0x3FB2];
	_ =	sdelay $0x3  }
0x34: {  	[smem:$0x3FB2] =	sst s10  }
0x35: {  	s10 =	sld [smem:$0x3FB1];
	_ =	sdelay $0x3  }
0x36: {  	p1 =	seq.s32 s10, $0x1;
	s10 =	sld [smem:$0x3FB2];
	_ =	sdelay $0x3  }
0x37: {  	[smem:$0x3FB2] =	sst s10  }
0x38: {  	s10 =	sld [smem:$0x3FB3]  }
0x39: {  	_ = 	snop;
	(pc) =	sbr.ind lr, $3  }
0x3a: {  	_ = 	snop  }
0x3b: {  	_ = 	snop  }
0x3c: {  	p2 =	seq.s32 s10, $0x1;
	s10 =	sld [smem:$0x3FB2]  }
0x3d: {  	_ =	shalt  }
0x3e: {  	_ =	shalt  }
0x3f: {  	_ =	shalt  }
0x40: {  	_ =	shalt  }
0x41: {  	_ =	shalt  }
0x42: {  	_ =	shalt  }
0x43: {  	_ =	shalt  }
0x44: {  	_ =	shalt  }
0x45: {  	_ =	shalt  }
0x46: {  	_ =	shalt  }
0x47: {  	_ =	shalt  }
0x48: {  	_ =	shalt  }
0x49: {  	_ =	shalt  }
0x4a: {  	_ =	shalt  }
0x4b: {  	_ =	shalt  }
0x4c: {  	_ =	shalt  }
0x4d: {  	_ =	shalt  }
0x4e: {  	_ =	shalt  }
0x4f: {  	_ =	shalt  }
0x50: {  	_ =	shalt  }
0x51: {  	_ =	shalt  }
0x52: {  	_ =	shalt  }
0x53: {  	_ =	shalt  }
0x54: {  	_ =	shalt  }
0x55: {  	_ =	shalt  }
0x56: {  	_ =	shalt  }
0x57: {  	_ =	shalt  }
0x58: {  	_ =	shalt  }
0x59: {  	_ =	shalt  }
0x5a: {  	_ =	shalt  }
0x5b: {  	_ =	shalt  }
0x5c: {  	_ =	shalt  }
0x5d: {  	_ =	shalt  }
0x5e: {  	_ =	shalt  }
0x5f: {  	_ =	shalt  }
0x60: {  	_ =	shalt  }
0x61: {  	_ =	shalt  }
0x62: {  	_ =	shalt  }
0x63: {  	_ =	shalt  }
0x64: {  	_ =	shalt  }
0x65: {  	_ =	shalt  }
0x66: {  	_ =	shalt  }
0x67: {  	_ =	shalt  }
0x68: {  	_ =	shalt  }
0x69: {  	_ =	shalt  }
0x6a: {  	_ =	shalt  }
0x6b: {  	_ =	shalt  }
0x6c: {  	_ =	shalt  }
0x6d: {  	_ =	shalt  }
0x6e: {  	_ =	shalt  }
0x6f: {  	_ =	shalt  }
0x70: {  	_ =	shalt  }
0x71: {  	_ =	shalt  }
0x72: {  	_ =	shalt  }
0x73: {  	_ =	shalt  }
0x74: {  	_ =	shalt  }
0x75: {  	_ =	shalt  }
0x76: {  	_ =	shalt  }
0x77: {  	_ =	shalt  }
0x78: {  	_ =	shalt  }
0x79: {  	_ =	shalt  }
0x7a: {  	_ =	shalt  }
0x7b: {  	_ =	shalt  }
0x7c: {  	_ =	shalt  }
0x7d: {  	_ =	shalt  }
0x7e: {  	_ =	shalt  }
0x7f: {  	_ =	shalt  }
0x80: {  	_ =	shalt  }
0x81: {  	_ =	shalt  }
0x82: {  	_ =	shalt  }
0x83: {  	_ =	shalt  }
0x84: {  	_ =	shalt  }
0x85: {  	_ =	shalt  }
0x86: {  	_ =	shalt  }
0x87: {  	_ =	shalt  }
.Lfunc_end0:
.L_simem_size_0:
called_computation_lowered:
.L_overlay_start_0:
0x88: {  	s2 =	sld [smem:$0x3FD9]  }
0x89: {  	s3 =	sld [smem:$0x3FFE];
	_ =	sdelay $0x1  }
0x8a: {  	s1 =	srdreg.scid  }
0x8b: {  	s0 =	sand.u32 $0x1, s1  }
0x8c: {  	s14 =	sshll.u32 s0, $0xA;
	s2 =	sadd.s32 s3, s2  }
0x8d: {  	s2 =	sadd.s32 s2, s14  }
0x8e: {  	[smem:$0x3FBE] =	sst s2  }
0x8f: {  	_ = 	snop  }
0x90: {  	s2 =	sld [smem:$0x3FD0];
	_ =	sdelay $0x2  }
0x91: {  	s15 =	simm.s32 $0xA;
	s4 =	simm.s32 $0x10  }
0x92: {  	[smem:s4], [sflag:s15] =	dma.local [hbm:s2], $0x1  }
0x93: {  	_ =	swait.eq [sflag:s15], $0x1  }
0x94: {  	[sflag:s15] =	ssyncset.done $0x0  }
0x95: {  	[sflag:s15] =	ssyncadd.s32 $0xFFFFFFFF  }
0x96: {  	s16 =	sld [smem:$0x11];
	(tm) =	ssettm $0x1  }
0x97: {  	s17 =	sld [smem:$0x3FFB];
	_ =	sdelay $0x3  }
0x98: {  	_ =	strace s17  }
0x99: {  	s3 =	sld [smem:$0x3FFC];
	_ =	sdelay $0x3  }
0x9a: {  	_ =	strace s3  }
0x9b: {  	s3 =	sld [smem:$0x3FFD];
	_ =	sdelay $0x3  }
0x9c: {  	_ =	strace s3  }
0x9d: {  	_ =	strace $0x8FFFFFFF  }
0x9e: {  	s18 =	sld [smem:$0x3FDB];
	_ =	sdelay $0x1  }
0x9f: {  	s19 =	simm.s32 $_scs_section_size  }
0xa0: {  	s5 =	simm.s32 $_size__tile_overlayer_lowered;
	s6 =	simm.s32 $_tile_overlayer_lowered  }
0xa1: {  	s22 =	simm.s32 $0x1BFF;
	s21 =	sshll.u32 s6, $0x1;
	s3 =	sadd.s32 s19, s18  }
0xa2: {  	s7 =	simm.s32 $0x0;
	s20 =	sshll.u32 s5, $0x1;
	s5 =	sadd.s32 s21, s3  }
0xa3: {  	[timem:s7], [sflag:s22] =	dma.local [hbm:s5], s20  }
0xa4: {  	_ =	swait.ge [sflag:s22], s20  }
0xa5: {  	s4 =	ssub.s32 $0x0, s20;
	[sflag:s22] =	ssyncset.done $0x0  }
0xa6: {  	[sflag:s22] =	ssyncadd.s32 s4;
	_ =	sdelay $0x1  }
0xa7: {  	s23 =	simm.s32 $0x1B8B  }
0xa8: {  	_ =	swait.ge [sflag:s23], $0x1  }
0xa9: {  	[sflag:s23] =	ssyncset.done $0x0  }
0xaa: {  	s25 =	simm.s32 $0x1B8E;
	s24 =	sld [smem:$0x3FFE];
	[sflag:s23] =	ssyncadd.s32 $0xFFFFFFFF  }
0xab: {  	s26 =	simm.s32 $execute0_lowered;
	[smem:$0x3FD2] =	sst s25  }
0xac: {  	s5 =	sshll.u32 s26, $0x1;
	_ =	strace $0x80000046;
	[dreg:$0x1] =	wrdreg $0xFFFFFFFF  }
0xad: {  	s28 =	simm.s32 $_size_execute0_lowered;
	s3 =	sadd.s32 s3, s5;
	[dreg:$0x0] =	wrdreg $0x0  }
0xae: {  	s5 =	sshll.u32 s28, $0x1;
	[dreg:$0x2] =	wrdreg s3  }
0xaf: {  	[dreg:$0x3] =	wrdreg s5  }
0xb0: {  	[dreg:$0x4] =	wrdreg $0xC0  }
0xb1: {  	_ =	task [dreg:s7], $0x5FFFF  }
0xb2: {  	[dreg:$0x1] =	wrdreg $0xFFFFFFFF  }
0xb3: {  	[dreg:$0x0] =	wrdreg $0x60  }
0xb4: {  	[dreg:$0x2] =	wrdreg s16  }
0xb5: {  	[dreg:$0x3] =	wrdreg s24  }
0xb6: {  	[dreg:$0x4] =	wrdreg $0x48000  }
0xb7: {  	[dreg:$0x5] =	wrdreg $0x9  }
0xb8: {  	_ =	task.clear_ibuf [dreg:s7], $0x6FFFF;
	_ =	strace $0x90000046  }
0xb9: {  	s29 =	simm.s32 $0x9;
	_ =	strace $0x80000048  }
0xba: {  	_ =	swait.ge [sflag:s29], $0x1  }
0xbb: {  	[sflag:s29] =	ssyncadd.s32 $0xFFFFFFFF  }
0xbc: {  	_ =	strace $0x90000048  }
0xbd: {  	_ =	sfence  }
0xbe: {  	s30 =	sld [smem:$0x0];
	_ =	sdelay $0x2  }
0xbf: {  	s31 =	sshll.u32 s1, $0xD;
	s1 =	sshrl.u32 s1, $0x2  }
0xc0: {  	s3 =	sand.u32 $0x4000, s31;
	s1 =	sadd.s32 s1, s30  }
0xc1: {  	s0 =	sor.u32 s3, s0;
	s1 =	sshll.u32 s1, $0x11  }
0xc2: {  	s0 =	sor.u32 s1, s0  }
0xc3: {  	s0 =	sadd.s32 $0x8F2B, s0  }
0xc4: {  	[sflag:s0] =	ssyncadd.remote.s32 $0x1  }
0xc5: {  	_ =	sfence.sel $0xFFFF  }
0xc6: {  	[dreg:$0x0] =	wrdreg $0xFFFFFFFF;
	(pc) =	sbr.abs _section_cstart, $3  }
0xc7: {  	[dreg:$0x1] =	wrdreg $0xFFFFFFFF  }
0xc8: {  	_ =	task.clear_ibuf [dreg:s7], $0x2FFFF;
	_ =	strace $0x9FFFFFFF  }
0xc9: {  	(tm) =	ssettm $0x7FFFFFFF  }
tec
execute0_lowered:
.L_overlay_start_1:
0x0: {  	(tag) =	ssettag $0x1  }
0x1: {  	s6 =	rddreg [dreg:$0x0]  }
0x2: {  	s3 =	rddreg [dreg:$0x1]  }
0x3: {  	s1 =	rddreg [dreg:$0x2]  }
0x4: {  	s4 =	srdreg.scid;
	s0 =	rddreg [dreg:$0x3]  }
0x5: {  	s2 =	simm.s32 $0x0;
	s12 =	simm.s32 $0x50;
	s7 =	sand.u32 $0x1, s4  }
0x6: {  	[smem:$0x7FF] =	sst s2;
	s4 =	sadd.s32 $0x2000, s3;
	s5 =	sadd.s32 $0x2600, s3  }
0x7: {  	s8 =	smul.u32 $0x27800, s7;
	s9 =	ssub.s32 $0x2, s7;
	s7 =	sshll.u32 s7, $0xE  }
0x8: {  	_ =	strace $0x80000047;
	s11 =	sshrl.u32 s9, $0x1;
	s6 =	sadd.s32 s6, s7  }
0x9: {  	s8 =	sadd.s32 s8, s3;
	s3 =	stileid.u32;
	s9 =	ssub.s32 s9, s11  }
0xa: {  	s10 =	smul.u32 $0x4F000, s3;
	s28 =	sshll.u32 s3, $0xA;
	s13 =	sadd.s32 $0x4E00, s8  }
0xb: {  	s14 =	smul.u32 $0x2780, s3;
	s7 =	smax.u32 s9, $0x1;
	s8 =	simm.s32 $0x1  }
0xc: {  	s31 =	sshll.u32 s3, $0x6;
	s9 =	simm.s32 $0x2000;
	s29 =	sshrl.u32 s10, $0x2  }
0xd: {  	s6 =	sadd.s32 s28, s6;
	s10 =	sor.u32 $0x1C01, s31;
	s30 =	sadd.s32 s29, s1  }
0xe: {  	s13 =	sadd.s32 s14, s13;
	s14 =	simm.s32 $0x0;
	s11 =	sshrl.u32 s30, $0x3  }
.LBB2_1:
0xf: {  	[tilespmem:s2], [sflag:$0x1] =	stream.linear.gather [hbm4b:s6+s2], $0x2000, $0x38;
	[tilespmem:$0x18400] =	vst v63  }
0x10: {  	_ =	swait.ge [sflag:s8], $0x2000  }
0x11: {  	[sflag:s8] =	ssyncset.done $0x0  }
0x12: {  	[sflag:s8] =	ssyncadd.s32 $0xFFFFE000  }
0x13: {  	[tilespmem:s9], [sflag:$0x1] =	stream.linear.gather [hbm4b:s4+s2], $0x2800, $0x38;
	[tilespmem:$0x18400] =	vst v63  }
0x14: {  	_ =	swait.ge [sflag:s8], $0x2800  }
0x15: {  	[sflag:s8] =	ssyncset.done $0x0  }
0x16: {  	[sflag:s8] =	ssyncadd.s32 $0xFFFFD800  }
0x17: {  	[spmem:s11], [sflag:s10] =	dma.local [hbm:s5], $0x2780  }
0x18: {  	_ =	swait.ge [sflag:s8], $0x2780  }
0x19: {  	[sflag:s8] =	ssyncset.done $0x0  }
0x1a: {  	[sflag:s8] =	ssyncadd.s32 $0xFFFFD880  }
0x1b: {  	s15 =	simm.s32 $0x0;
	[bflag:$0x0] =	sbarrier.arrive $0xFFFF  }
0x1c: {  	[spmem:s1] =	stream.indirect.scatter.add.f32 [tilespmem:s9], [sflag:$0x1], $0x80, s15, s12, $0xb8;
	[tilespmem:$0x18400] =	vst v63  }
0x1d: {  	_ =	swait.ge [sflag:s8], $0x2800  }
0x1e: {  	s15 =	simm.s32 $0x200;
	[sflag:s8] =	ssyncset.done $0x0  }
.LBB2_2:
0x1f: {  	s16 =	sshra.s32 s15, $0x2;
	[sflag:s8] =	ssyncadd.s32 $0xFFFFD800;
	p0 =	sne.s32 s15, $0x7E00  }
0x20: {  	[spmem:s1] =	stream.indirect.scatter.add.f32 [tilespmem:s9], [sflag:$0x1], $0x80, s16, s12, $0xb8;
	[tilespmem:$0x18400] =	vst v63  }
.Ltmp0:
0x21: {  	_ = 	snop;
	(pc) =	sbr.rel @p0 .LBB2_2-.Ltmp0, $4  }
0x22: {  	_ = 	snop  }
0x23: {  	s15 =	sadd.s32 $0x200, s15  }
0x24: {  	_ =	swait.ge [sflag:s8], $0x2800  }
0x25: {  	[sflag:s8] =	ssyncset.done $0x0  }
0x26: {  	s14 =	sadd.s32 $0x1, s14  }
0x27: {  	[sflag:s8] =	ssyncadd.s32 $0xFFFFD800;
	p0 =	sne.s32 s14, s7  }
.Ltmp1:
0x28: {  	[bflag:$0x0] =	sbarrier.arrive $0xFFFF;
	(pc) =	sbr.rel @p0 .LBB2_1-.Ltmp1, $4  }
0x29: {  	[hbm:s13], [sflag:s10] =	dma.local [spmem:s11], $0x2780  }
0x2a: {  	_ =	swait.ge [sflag:s8], $0x2780  }
0x2b: {  	[sflag:s8] =	ssyncset.done $0x0  }
0x2c: {  	[sflag:s8] =	ssyncadd.s32 $0xFFFFD880  }
0x2d: {  	_ =	sfence.sel $0x180000  }
0x2e: {  	[bflag:$0x0] =	sbarrier.arrive $0xFFFF  }
0x2f: {  	p0 =	sne.s32 s3, $0x0;
	_ =	strace $0x90000047  }
0x30: {  	s0 =	sadd.s32 @!p0 $0x100000, s0;
	[bflag:$0x2] =	sbarrier.arrive $0xFFFF  }
0x31: {  	[sflag:s0] =	ssyncadd.tile.s32 @!p0 $0x1;
	_ =	shalt  }
.Lfunc_end2:
_tile_overlayer_lowered:
.L_overlay_start_2:
0x32: {  	(tag) =	ssettag $0x2  }
0x33: {  	s0 =	rddreg [dreg:$0x0];
	s2 =	stileid.u32  }
0x34: {  	s1 =	rddreg [dreg:$0x1];
	p0 =	sne.s32 s2, $0x0  }
0x35: {  	s3 =	rddreg [dreg:$0x2];
	[bflag:$0x3] =	sbarrier.arrive $0xFFFF;
	s2 =	simm.s32 @!p0 $0x1C01  }
0x36: {  	[timem:s3], [sflag:s2] =	dma.local @!p0 [hbm:s0], s1  }
0x37: {  	s0 =	simm.s32 @!p0 $0x1  }
0x38: {  	_ =	swait.ge @!p0 [sflag:s0], s1  }
0x39: {  	s1 =	ssub.s32 @!p0 $0x0, s1;
	[sflag:s0] =	ssyncset.done @!p0 $0x0  }
0x3a: {  	[sflag:s0] =	ssyncadd.s32 @!p0 s1  }
0x3b: {  	[bflag:$0x3] =	sbarrier.arrive $0xFFFF  }
0x3c: {  	_ =	shalt  }

// kernel: kernel.13.cloned.1.call-start
scs
__scs_entry_jumppad:
0x0: {  	(pc) =	sbr.rel $0x88, $3  }
0x1: {  	(tag) =	ssettag $0x0;
	lr =	simm.s32 $0x1  }
0x2: {  	[smem:$0x3F97] =	sst lr;
	_ =	strace $0xD0000000  }
0x3: {  	_ = 	snop  }
0x4: {  	_ = 	snop  }
0x5: {  	_ = 	snop  }
0x6: {  	_ = 	snop  }
0x7: {  	_ = 	snop  }
__scs_overlays_trampoline_lowered:
0x8: {  	[smem:$0x3FA6] =	sst s0  }
0x9: {  	[smem:$0x3FA7] =	sst s1  }
0xa: {  	[smem:$0x3FA8] =	sst s2  }
0xb: {  	[smem:$0x3FA9] =	sst s3  }
0xc: {  	[smem:$0x3FAA] =	sst s4  }
0xd: {  	[smem:$0x3FAB] =	sst s5  }
0xe: {  	[smem:$0x3FAC] =	sst s6  }
0xf: {  	[smem:$0x3FAD] =	sst s7  }
0x10: {  	[smem:$0x3FAE] =	sst s8  }
0x11: {  	[smem:$0x3FAF] =	sst s9;
	s0 =	simm.s32 @!p0 $0x0  }
0x12: {  	s1 =	sld [smem:$0x3F95];
	s0 =	simm.s32 @p0 $0x1  }
0x13: {  	[smem:$0x3FB0] =	sst s0;
	s0 =	simm.s32 @!p1 $0x0  }
0x14: {  	s2 =	sld [smem:$0x3F94];
	s0 =	simm.s32 @p1 $0x1  }
0x15: {  	[smem:$0x3FB1] =	sst s0;
	s0 =	simm.s32 @!p2 $0x0  }
0x16: {  	s3 =	sld [smem:$0x3FDB];
	s0 =	simm.s32 @p2 $0x1  }
0x17: {  	s4 =	simm.s32 $0x1BF5;
	[smem:$0x3FB3] =	sst s0  }
0x18: {  	s0 =	sld [smem:$0x3F96];
	_ =	swait.ge [sflag:s4], $0x0  }
0x19: {  	s7 =	sld [smem:$0x3F97]  }
0x1a: {  	s8 =	sadd.s32 $0xFFFFE003, lr  }
0x1b: {  	s9 =	sadd.s32 $0xFFFFFEF7, lr;
	s5 =	simm.s32 $0xFFFFFFFF;
	p2 =	slt.u32 s8, $0xFFFFF086  }
0x1c: {  	p1 =	slt.u32 s9, $0xF7A;
	s5 =	simm.s32 @!p2 $0x0  }
0x1d: {  	s5 =	simm.s32 @p1 $0x1;
	p0 =	seq.s32 s7, s2  }
0x1e: {  	s7 =	smul.u32 @!p0 $0xF7A, s2;
	p2 =	seq.s32 @!p0 s5, $0x0  }
0x1f: {  	s9 =	smul.u32 $0xF7A, s1;
	s8 =	simm.s32 @!p0 $0x1BF5;
	p2 =	por !p2, p0  }
0x20: {  	[sflag:s8] =	ssyncset.s32 @!p0 $0xFFFFF086;
	s6 =	sadd.s32 @!p0 s3, s7;
	s7 =	simm.s32 @!p0 $0x108  }
0x21: {  	s3 =	sadd.s32 s3, s9;
	s6 =	sadd.s32 @!p0 $0x88, s6;
	s7 =	simm.s32 @p2 $0x1082  }
0x22: {  	[simem:s7], [sflag:s8] =	dma.local @!p0 [hbm:s6], $0xF7A  }
0x23: {  	s9 =	sor.u32 $0xD0000000, s2;
	s6 =	simm.s32 $0x108;
	_ =	swait.ge @!p0 [sflag:s8], $0x0  }
0x24: {  	s3 =	sadd.s32 $0x88, s3;
	s6 =	simm.s32 @!p1 $0x1082;
	[sflag:s4] =	ssyncset.s32 $0xFFFFF086  }
0x25: {  	[simem:s6], [sflag:s4] =	dma.local [hbm:s3], $0xF7A  }
0x26: {  	[smem:$0x3F97] =	sst s1;
	(tag) =	ssettag s2;
	_ =	strace s9  }
0x27: {  	s1 =	sld [smem:$0x3FA7]  }
0x28: {  	s2 =	sld [smem:$0x3FA8]  }
0x29: {  	s4 =	sld [smem:$0x3FAA]  }
0x2a: {  	p0 =	seq.s32 s5, $0x0;
	s5 =	sld [smem:$0x3FAB]  }
0x2b: {  	s6 =	sld [smem:$0x3FAC]  }
0x2c: {  	s7 =	sld [smem:$0x3FAD]  }
0x2d: {  	s3 =	simm.s32 $0x108;
	s8 =	sld [smem:$0x3FAE]  }
0x2e: {  	s3 =	simm.s32 @!p0 $0x1082;
	s9 =	sld [smem:$0x3FAF]  }
0x2f: {  	lr =	sadd.s32 s0, s3;
	s0 =	sld [smem:$0x3FA6]  }
0x30: {  	s3 =	sld [smem:$0x3FA9]  }
0x31: {  	[smem:$0x3FB2] =	sst s10  }
0x32: {  	s10 =	sld [smem:$0x3FB0];
	_ =	sdelay $0x3  }
0x33: {  	p0 =	seq.s32 s10, $0x1;
	s10 =	sld [smem:$0x3FB2];
	_ =	sdelay $0x3  }
0x34: {  	[smem:$0x3FB2] =	sst s10  }
0x35: {  	s10 =	sld [smem:$0x3FB1];
	_ =	sdelay $0x3  }
0x36: {  	p1 =	seq.s32 s10, $0x1;
	s10 =	sld [smem:$0x3FB2];
	_ =	sdelay $0x3  }
0x37: {  	[smem:$0x3FB2] =	sst s10  }
0x38: {  	s10 =	sld [smem:$0x3FB3]  }
0x39: {  	_ = 	snop;
	(pc) =	sbr.ind lr, $3  }
0x3a: {  	_ = 	snop  }
0x3b: {  	_ = 	snop  }
0x3c: {  	p2 =	seq.s32 s10, $0x1;
	s10 =	sld [smem:$0x3FB2]  }
0x3d: {  	_ =	shalt  }
0x3e: {  	_ =	shalt  }
0x3f: {  	_ =	shalt  }
0x40: {  	_ =	shalt  }
0x41: {  	_ =	shalt  }
0x42: {  	_ =	shalt  }
0x43: {  	_ =	shalt  }
0x44: {  	_ =	shalt  }
0x45: {  	_ =	shalt  }
0x46: {  	_ =	shalt  }
0x47: {  	_ =	shalt  }
0x48: {  	_ =	shalt  }
0x49: {  	_ =	shalt  }
0x4a: {  	_ =	shalt  }
0x4b: {  	_ =	shalt  }
0x4c: {  	_ =	shalt  }
0x4d: {  	_ =	shalt  }
0x4e: {  	_ =	shalt  }
0x4f: {  	_ =	shalt  }
0x50: {  	_ =	shalt  }
0x51: {  	_ =	shalt  }
0x52: {  	_ =	shalt  }
0x53: {  	_ =	shalt  }
0x54: {  	_ =	shalt  }
0x55: {  	_ =	shalt  }
0x56: {  	_ =	shalt  }
0x57: {  	_ =	shalt  }
0x58: {  	_ =	shalt  }
0x59: {  	_ =	shalt  }
0x5a: {  	_ =	shalt  }
0x5b: {  	_ =	shalt  }
0x5c: {  	_ =	shalt  }
0x5d: {  	_ =	shalt  }
0x5e: {  	_ =	shalt  }
0x5f: {  	_ =	shalt  }
0x60: {  	_ =	shalt  }
0x61: {  	_ =	shalt  }
0x62: {  	_ =	shalt  }
0x63: {  	_ =	shalt  }
0x64: {  	_ =	shalt  }
0x65: {  	_ =	shalt  }
0x66: {  	_ =	shalt  }
0x67: {  	_ =	shalt  }
0x68: {  	_ =	shalt  }
0x69: {  	_ =	shalt  }
0x6a: {  	_ =	shalt  }
0x6b: {  	_ =	shalt  }
0x6c: {  	_ =	shalt  }
0x6d: {  	_ =	shalt  }
0x6e: {  	_ =	shalt  }
0x6f: {  	_ =	shalt  }
0x70: {  	_ =	shalt  }
0x71: {  	_ =	shalt  }
0x72: {  	_ =	shalt  }
0x73: {  	_ =	shalt  }
0x74: {  	_ =	shalt  }
0x75: {  	_ =	shalt  }
0x76: {  	_ =	shalt  }
0x77: {  	_ =	shalt  }
0x78: {  	_ =	shalt  }
0x79: {  	_ =	shalt  }
0x7a: {  	_ =	shalt  }
0x7b: {  	_ =	shalt  }
0x7c: {  	_ =	shalt  }
0x7d: {  	_ =	shalt  }
0x7e: {  	_ =	shalt  }
0x7f: {  	_ =	shalt  }
0x80: {  	_ =	shalt  }
0x81: {  	_ =	shalt  }
0x82: {  	_ =	shalt  }
0x83: {  	_ =	shalt  }
0x84: {  	_ =	shalt  }
0x85: {  	_ =	shalt  }
0x86: {  	_ =	shalt  }
0x87: {  	_ =	shalt  }
.Lfunc_end0:
.L_simem_size_0:
called_computation.1_lowered:
.L_overlay_start_0:
0x88: {  	s2 =	sld [smem:$0x3FD9]  }
0x89: {  	s3 =	sld [smem:$0x3FFE];
	_ =	sdelay $0x1  }
0x8a: {  	s1 =	srdreg.scid  }
0x8b: {  	s0 =	sand.u32 $0x1, s1  }
0x8c: {  	s14 =	sshll.u32 s0, $0xA;
	s2 =	sadd.s32 s3, s2  }
0x8d: {  	s2 =	sadd.s32 s2, s14  }
0x8e: {  	[smem:$0x3FBE] =	sst s2  }
0x8f: {  	_ = 	snop  }
0x90: {  	s2 =	sld [smem:$0x3FD0];
	_ =	sdelay $0x2  }
0x91: {  	s15 =	simm.s32 $0xA;
	s4 =	simm.s32 $0x10  }
0x92: {  	[smem:s4], [sflag:s15] =	dma.local [hbm:s2], $0x1  }
0x93: {  	_ =	swait.eq [sflag:s15], $0x1  }
0x94: {  	[sflag:s15] =	ssyncset.done $0x0  }
0x95: {  	[sflag:s15] =	ssyncadd.s32 $0xFFFFFFFF  }
0x96: {  	s16 =	sld [smem:$0x10];
	(tm) =	ssettm $0x1  }
0x97: {  	s17 =	sld [smem:$0x3FFB];
	_ =	sdelay $0x3  }
0x98: {  	_ =	strace s17  }
0x99: {  	s3 =	sld [smem:$0x3FFC];
	_ =	sdelay $0x3  }
0x9a: {  	_ =	strace s3  }
0x9b: {  	s3 =	sld [smem:$0x3FFD];
	_ =	sdelay $0x3  }
0x9c: {  	_ =	strace s3  }
0x9d: {  	_ =	strace $0x8FFFFFFF  }
0x9e: {  	s18 =	sld [smem:$0x3FDB];
	_ =	sdelay $0x1  }
0x9f: {  	s19 =	simm.s32 $_scs_section_size  }
0xa0: {  	s5 =	simm.s32 $_size__tile_overlayer_lowered;
	s6 =	simm.s32 $_tile_overlayer_lowered  }
0xa1: {  	s22 =	simm.s32 $0x1BFF;
	s21 =	sshll.u32 s6, $0x1;
	s3 =	sadd.s32 s19, s18  }
0xa2: {  	s7 =	simm.s32 $0x0;
	s20 =	sshll.u32 s5, $0x1;
	s5 =	sadd.s32 s21, s3  }
0xa3: {  	[timem:s7], [sflag:s22] =	dma.local [hbm:s5], s20  }
0xa4: {  	_ =	swait.ge [sflag:s22], s20  }
0xa5: {  	s4 =	ssub.s32 $0x0, s20;
	[sflag:s22] =	ssyncset.done $0x0  }
0xa6: {  	[sflag:s22] =	ssyncadd.s32 s4;
	_ =	sdelay $0x1  }
0xa7: {  	s23 =	simm.s32 $0x1B8B  }
0xa8: {  	_ =	swait.ge [sflag:s23], $0x1  }
0xa9: {  	[sflag:s23] =	ssyncset.done $0x0  }
0xaa: {  	s25 =	simm.s32 $0x1B8E;
	s24 =	sld [smem:$0x3FFE];
	[sflag:s23] =	ssyncadd.s32 $0xFFFFFFFF  }
0xab: {  	s26 =	simm.s32 $execute0_lowered;
	[smem:$0x3FD2] =	sst s25  }
0xac: {  	s5 =	sshll.u32 s26, $0x1;
	_ =	strace $0x80000049;
	[dreg:$0x1] =	wrdreg $0xFFFFFFFF  }
0xad: {  	s28 =	simm.s32 $_size_execute0_lowered;
	s3 =	sadd.s32 s3, s5;
	[dreg:$0x0] =	wrdreg $0x0  }
0xae: {  	s5 =	sshll.u32 s28, $0x1;
	[dreg:$0x2] =	wrdreg s3  }
0xaf: {  	[dreg:$0x3] =	wrdreg s5  }
0xb0: {  	[dreg:$0x4] =	wrdreg $0xC0  }
0xb1: {  	_ =	task [dreg:s7], $0x5FFFF  }
0xb2: {  	[dreg:$0x1] =	wrdreg $0xFFFFFFFF  }
0xb3: {  	[dreg:$0x0] =	wrdreg $0x60  }
0xb4: {  	[dreg:$0x2] =	wrdreg s16  }
0xb5: {  	[dreg:$0x3] =	wrdreg s24  }
0xb6: {  	[dreg:$0x4] =	wrdreg $0x90000  }
0xb7: {  	[dreg:$0x5] =	wrdreg $0x9  }
0xb8: {  	_ =	task.clear_ibuf [dreg:s7], $0x6FFFF;
	_ =	strace $0x90000049  }
0xb9: {  	s29 =	simm.s32 $0x9;
	_ =	strace $0x8000004B  }
0xba: {  	_ =	swait.ge [sflag:s29], $0x1  }
0xbb: {  	[sflag:s29] =	ssyncadd.s32 $0xFFFFFFFF  }
0xbc: {  	_ =	strace $0x9000004B  }
0xbd: {  	_ =	sfence  }
0xbe: {  	s30 =	sld [smem:$0x0];
	_ =	sdelay $0x2  }
0xbf: {  	s31 =	sshll.u32 s1, $0xD;
	s1 =	sshrl.u32 s1, $0x2  }
0xc0: {  	s3 =	sand.u32 $0x4000, s31;
	s1 =	sadd.s32 s1, s30  }
0xc1: {  	s0 =	sor.u32 s3, s0;
	s1 =	sshll.u32 s1, $0x11  }
0xc2: {  	s0 =	sor.u32 s1, s0  }
0xc3: {  	s0 =	sadd.s32 $0x8F2B, s0  }
0xc4: {  	[sflag:s0] =	ssyncadd.remote.s32 $0x1  }
0xc5: {  	_ =	sfence.sel $0xFFFF  }
0xc6: {  	[dreg:$0x0] =	wrdreg $0xFFFFFFFF;
	(pc) =	sbr.abs _section_cstart, $3  }
0xc7: {  	[dreg:$0x1] =	wrdreg $0xFFFFFFFF  }
0xc8: {  	_ =	task.clear_ibuf [dreg:s7], $0x2FFFF;
	_ =	strace $0x9FFFFFFF  }
0xc9: {  	(tm) =	ssettm $0x7FFFFFFF  }
tec
execute0_lowered:
.L_overlay_start_1:
0x0: {  	(tag) =	ssettag $0x1  }
0x1: {  	s6 =	rddreg [dreg:$0x0]  }
0x2: {  	s5 =	rddreg [dreg:$0x1]  }
0x3: {  	s1 =	rddreg [dreg:$0x2]  }
0x4: {  	s0 =	rddreg [dreg:$0x3]  }
0x5: {  	s3 =	simm.s32 $0x0;
	s2 =	srdreg.scid;
	s15 =	simm.s32 $0x80  }
0x6: {  	s16 =	simm.s32 $0x6800;
	s17 =	simm.s32 $0x1;
	s18 =	simm.s32 $0x2  }
0x7: {  	s19 =	simm.s32 $0x3F00;
	[smem:$0x7FF] =	sst s3;
	s7 =	sand.u32 $0x1, s2  }
0x8: {  	s20 =	simm.s32 $0x3F80;
	s2 =	stileid.u32;
	s4 =	smul.u32 $0x27100, s7  }
0x9: {  	_ =	strace $0x8000004A;
	s8 =	sshll.u32 s2, $0xB;
	s9 =	smul.u32 $0x27800, s7  }
0xa: {  	s12 =	smul.u32 $0x4F000, s2;
	s31 =	ssub.s32 $0x2, s7;
	s13 =	sshll.u32 s2, $0x6  }
0xb: {  	s24 =	smul.u32 $0x2780, s2;
	s10 =	sadd.s32 s8, s5;
	s7 =	sshrl.u32 s31, $0x1  }
0xc: {  	s6 =	sadd.s32 s6, s8;
	s11 =	sadd.s32 s4, s5;
	s4 =	sadd.s32 $0x2600, s5  }
0xd: {  	s9 =	sadd.s32 s9, s5;
	s12 =	sshrl.u32 s12, $0x2;
	s14 =	ssub.s32 s31, s7  }
0xe: {  	s5 =	sor.u32 $0x1C03, s13;
	s7 =	sadd.s32 $0x53E00, s10;
	s13 =	simm.s32 $0x50  }
0xf: {  	s21 =	sadd.s32 $0x400, s6;
	s12 =	sadd.s32 s12, s1;
	s8 =	sadd.s32 $0x4E00, s11  }
0x10: {  	s23 =	sadd.s32 $0x5BE00, s9;
	s9 =	smax.u32 s14, $0x1;
	s11 =	simm.s32 $0x3  }
0x11: {  	s14 =	simm.s32 $0x4000;
	s22 =	sadd.s32 $0x400, s7;
	s10 =	sshrl.u32 s12, $0x3  }
0x12: {  	s12 =	simm.s32 $0x2000;
	s23 =	sadd.s32 s24, s23;
	s24 =	simm.s32 $0x0  }
.LBB2_1:
0x13: {  	[spmem:s10], [sflag:s5] =	dma.local [hbm:s4], $0x2780  }
0x14: {  	_ =	swait.ge [sflag:s11], $0x2780  }
0x15: {  	[sflag:s11] =	ssyncset.done $0x0  }
0x16: {  	[sflag:s11] =	ssyncadd.s32 $0xFFFFD880  }
0x17: {  	[bflag:$0x0] =	sbarrier.arrive $0xFFFF  }
0x18: {  	[tilespmem:s3], [sflag:$0x3] =	stream.linear.gather [hbm4b:s6+s3], $0x2000, $0x38;
	[tilespmem:$0x1CC00] =	vst v63  }
0x19: {  	_ =	swait.ge [sflag:s11], $0x2000  }
0x1a: {  	[sflag:s11] =	ssyncset.done $0x0  }
0x1b: {  	[sflag:s11] =	ssyncadd.s32 $0xFFFFE000  }
0x1c: {  	[tilespmem:s12], [sflag:$0x3] =	stream.linear.gather [hbm4b:s7+s3], $0x2000, $0x38;
	[tilespmem:$0x1CC00] =	vst v63  }
0x1d: {  	_ =	swait.ge [sflag:s11], $0x2000  }
0x1e: {  	[sflag:s11] =	ssyncset.done $0x0  }
0x1f: {  	[sflag:s11] =	ssyncadd.s32 $0xFFFFE000  }
0x20: {  	[tilespmem:s14], [sflag:$0x1] =	stream.indirect.gather [hbm4b:s8+s13], $0x80, s3, s13, $0xb8;
	[tilespmem:$0x1CC00] =	vst v63  }
0x21: {  	_ = 	snop  }
0x22: {  	[tilespmem:s16], [sflag:$0x2] =	stream.indirect.gather [hbm4b:s8+s13], $0x80, s15, s13, $0xb8;
	[tilespmem:$0x1CC00] =	vst v63  }
0x23: {  	_ =	swait.ge [sflag:s17], $0x2800  }
0x24: {  	[sflag:s17] =	ssyncset.done $0x0  }
0x25: {  	s25 =	simm.s32 $0x2000;
	[sflag:s17] =	ssyncadd.s32 $0xFFFFD800  }
0x26: {  	[spmem:s1] =	stream.indirect.scatter.add.f32 [tilespmem:s14], [sflag:$0x3], $0x80, s25, s13, $0xb8;
	[tilespmem:$0x1CC00] =	vst v63  }
0x27: {  	_ =	swait.ge [sflag:s11], $0x2800  }
0x28: {  	[sflag:s11] =	ssyncset.done $0x0  }
0x29: {  	s30 =	simm.s32 $0x100;
	[sflag:s11] =	ssyncadd.s32 $0xFFFFD800  }
0x2a: {  	[tilespmem:s14], [sflag:$0x1] =	stream.indirect.gather [hbm4b:s8+s13], $0x80, s30, s13, $0xb8;
	[tilespmem:$0x1CC00] =	vst v63  }
0x2b: {  	_ =	swait.ge [sflag:s18], $0x2800  }
0x2c: {  	[sflag:s18] =	ssyncset.done $0x0  }
0x2d: {  	s31 =	simm.s32 $0x2080;
	[sflag:s18] =	ssyncadd.s32 $0xFFFFD800  }
0x2e: {  	[spmem:s1] =	stream.indirect.scatter.add.f32 [tilespmem:s16], [sflag:$0x3], $0x80, s31, s13, $0xb8;
	[tilespmem:$0x1CC00] =	vst v63  }
0x2f: {  	_ =	swait.ge [sflag:s11], $0x2800  }
0x30: {  	[sflag:s11] =	ssyncset.done $0x0  }
0x31: {  	s26 =	simm.s32 $0x180;
	s25 =	simm.s32 $0x400;
	[sflag:s11] =	ssyncadd.s32 $0xFFFFD800  }
.LBB2_2:
0x32: {  	[tilespmem:s16], [sflag:$0x2] =	stream.indirect.gather [hbm4b:s8+s13], $0x80, s26, s13, $0xb8;
	[tilespmem:$0x1CC00] =	vst v63  }
0x33: {  	s26 =	smov.u32 s25  }
0x34: {  	p0 =	sne.s32 s25, $0x7800;
	s25 =	sadd.s32 $0x400, s25;
	_ =	swait.ge [sflag:s17], $0x2800  }
0x35: {  	s26 =	sshra.s32 s26, $0x2;
	[sflag:s17] =	ssyncset.done $0x0  }
0x36: {  	s28 =	sadd.s32 $0x2000, s26;
	[sflag:s17] =	ssyncadd.s32 $0xFFFFD800  }
0x37: {  	[spmem:s1] =	stream.indirect.scatter.add.f32 [tilespmem:s14], [sflag:$0x3], $0x80, s28, s13, $0xb8;
	[tilespmem:$0x1CC00] =	vst v63  }
0x38: {  	_ =	swait.ge [sflag:s11], $0x2800  }
0x39: {  	[sflag:s11] =	ssyncset.done $0x0  }
0x3a: {  	s28 =	sadd.s32 $0x100, s26;
	[sflag:s11] =	ssyncadd.s32 $0xFFFFD800  }
0x3b: {  	[tilespmem:s14], [sflag:$0x1] =	stream.indirect.gather [hbm4b:s8+s13], $0x80, s28, s13, $0xb8;
	[tilespmem:$0x1CC00] =	vst v63  }
0x3c: {  	_ =	swait.ge [sflag:s18], $0x2800  }
0x3d: {  	[sflag:s18] =	ssyncset.done $0x0  }
.Ltmp0:
0x3e: {  	s28 =	sadd.s32 $0x2080, s26;
	[sflag:s18] =	ssyncadd.s32 $0xFFFFD800;
	(pc) =	sbr.rel @p0 .LBB2_2-.Ltmp0, $4  }
0x3f: {  	[spmem:s1] =	stream.indirect.scatter.add.f32 [tilespmem:s16], [sflag:$0x3], $0x80, s28, s13, $0xb8;
	[tilespmem:$0x1CC00] =	vst v63  }
0x40: {  	_ =	swait.ge [sflag:s11], $0x2800  }
0x41: {  	[sflag:s11] =	ssyncset.done $0x0  }
0x42: {  	s26 =	sadd.s32 $0x180, s26;
	[sflag:s11] =	ssyncadd.s32 $0xFFFFD800  }
0x43: {  	[tilespmem:s16], [sflag:$0x2] =	stream.indirect.gather [hbm4b:s8+s13], $0x80, s26, s13, $0xb8;
	[tilespmem:$0x1CC00] =	vst v63  }
0x44: {  	_ =	swait.ge [sflag:s17], $0x2800  }
0x45: {  	[sflag:s17] =	ssyncset.done $0x0  }
0x46: {  	[sflag:s17] =	ssyncadd.s32 $0xFFFFD800  }
0x47: {  	[spmem:s1] =	stream.indirect.scatter.add.f32 [tilespmem:s14], [sflag:$0x3], $0x80, s19, s13, $0xb8;
	[tilespmem:$0x1CC00] =	vst v63  }
0x48: {  	_ =	swait.ge [sflag:s11], $0x2800  }
0x49: {  	[sflag:s11] =	ssyncset.done $0x0  }
0x4a: {  	[sflag:s11] =	ssyncadd.s32 $0xFFFFD800  }
0x4b: {  	_ =	swait.ge [sflag:s18], $0x2800  }
0x4c: {  	[sflag:s18] =	ssyncset.done $0x0  }
0x4d: {  	[sflag:s18] =	ssyncadd.s32 $0xFFFFD800  }
0x4e: {  	[spmem:s1] =	stream.indirect.scatter.add.f32 [tilespmem:s16], [sflag:$0x3], $0x80, s20, s13, $0xb8;
	[tilespmem:$0x1CC00] =	vst v63  }
0x4f: {  	_ =	swait.ge [sflag:s11], $0x2800  }
0x50: {  	[sflag:s11] =	ssyncset.done $0x0  }
0x51: {  	s25 =	simm.s32 $0x0;
	[sflag:s11] =	ssyncadd.s32 $0xFFFFD800  }
0x52: {  	[tilespmem:s25], [sflag:$0x3] =	stream.linear.gather [hbm4b:s21+s25], $0x2000, $0x38;
	[tilespmem:$0x1CC00] =	vst v63  }
0x53: {  	_ =	swait.ge [sflag:s11], $0x2000  }
0x54: {  	[sflag:s11] =	ssyncset.done $0x0  }
0x55: {  	[sflag:s11] =	ssyncadd.s32 $0xFFFFE000  }
0x56: {  	[tilespmem:s12], [sflag:$0x3] =	stream.linear.gather [hbm4b:s22+s25], $0x2000, $0x38;
	[tilespmem:$0x1CC00] =	vst v63  }
0x57: {  	_ =	swait.ge [sflag:s11], $0x2000  }
0x58: {  	[sflag:s11] =	ssyncset.done $0x0  }
0x59: {  	[sflag:s11] =	ssyncadd.s32 $0xFFFFE000  }
0x5a: {  	[tilespmem:s14], [sflag:$0x1] =	stream.indirect.gather [hbm4b:s8+s13], $0x80, s25, s13, $0xb8;
	[tilespmem:$0x1CC00] =	vst v63  }
0x5b: {  	_ = 	snop  }
0x5c: {  	[tilespmem:s16], [sflag:$0x2] =	stream.indirect.gather [hbm4b:s8+s13], $0x80, s15, s13, $0xb8;
	[tilespmem:$0x1CC00] =	vst v63  }
0x5d: {  	_ =	swait.ge [sflag:s17], $0x2800  }
0x5e: {  	[sflag:s17] =	ssyncset.done $0x0  }
0x5f: {  	s29 =	simm.s32 $0x2000;
	[sflag:s17] =	ssyncadd.s32 $0xFFFFD800  }
0x60: {  	[spmem:s1] =	stream.indirect.scatter.add.f32 [tilespmem:s14], [sflag:$0x3], $0x80, s29, s13, $0xb8;
	[tilespmem:$0x1CC00] =	vst v63  }
0x61: {  	_ =	swait.ge [sflag:s11], $0x2800  }
0x62: {  	[sflag:s11] =	ssyncset.done $0x0  }
0x63: {  	s30 =	simm.s32 $0x100;
	[sflag:s11] =	ssyncadd.s32 $0xFFFFD800  }
0x64: {  	[tilespmem:s14], [sflag:$0x1] =	stream.indirect.gather [hbm4b:s8+s13], $0x80, s30, s13, $0xb8;
	[tilespmem:$0x1CC00] =	vst v63  }
0x65: {  	_ =	swait.ge [sflag:s18], $0x2800  }
0x66: {  	[sflag:s18] =	ssyncset.done $0x0  }
0x67: {  	s31 =	simm.s32 $0x2080;
	[sflag:s18] =	ssyncadd.s32 $0xFFFFD800  }
0x68: {  	[spmem:s1] =	stream.indirect.scatter.add.f32 [tilespmem:s16], [sflag:$0x3], $0x80, s31, s13, $0xb8;
	[tilespmem:$0x1CC00] =	vst v63  }
0x69: {  	_ =	swait.ge [sflag:s11], $0x2800  }
0x6a: {  	[sflag:s11] =	ssyncset.done $0x0  }
0x6b: {  	s26 =	simm.s32 $0x180;
	s25 =	simm.s32 $0x400;
	[sflag:s11] =	ssyncadd.s32 $0xFFFFD800  }
.LBB2_4:
0x6c: {  	[tilespmem:s16], [sflag:$0x2] =	stream.indirect.gather [hbm4b:s8+s13], $0x80, s26, s13, $0xb8;
	[tilespmem:$0x1CC00] =	vst v63  }
0x6d: {  	s26 =	smov.u32 s25  }
0x6e: {  	p0 =	sne.s32 s25, $0x7800;
	s25 =	sadd.s32 $0x400, s25;
	_ =	swait.ge [sflag:s17], $0x2800  }
0x6f: {  	s26 =	sshra.s32 s26, $0x2;
	[sflag:s17] =	ssyncset.done $0x0  }
0x70: {  	s28 =	sadd.s32 $0x2000, s26;
	[sflag:s17] =	ssyncadd.s32 $0xFFFFD800  }
0x71: {  	[spmem:s1] =	stream.indirect.scatter.add.f32 [tilespmem:s14], [sflag:$0x3], $0x80, s28, s13, $0xb8;
	[tilespmem:$0x1CC00] =	vst v63  }
0x72: {  	_ =	swait.ge [sflag:s11], $0x2800  }
0x73: {  	[sflag:s11] =	ssyncset.done $0x0  }
0x74: {  	s28 =	sadd.s32 $0x100, s26;
	[sflag:s11] =	ssyncadd.s32 $0xFFFFD800  }
0x75: {  	[tilespmem:s14], [sflag:$0x1] =	stream.indirect.gather [hbm4b:s8+s13], $0x80, s28, s13, $0xb8;
	[tilespmem:$0x1CC00] =	vst v63  }
0x76: {  	_ =	swait.ge [sflag:s18], $0x2800  }
0x77: {  	[sflag:s18] =	ssyncset.done $0x0  }
.Ltmp1:
0x78: {  	s28 =	sadd.s32 $0x2080, s26;
	[sflag:s18] =	ssyncadd.s32 $0xFFFFD800;
	(pc) =	sbr.rel @p0 .LBB2_4-.Ltmp1, $4  }
0x79: {  	[spmem:s1] =	stream.indirect.scatter.add.f32 [tilespmem:s16], [sflag:$0x3], $0x80, s28, s13, $0xb8;
	[tilespmem:$0x1CC00] =	vst v63  }
0x7a: {  	_ =	swait.ge [sflag:s11], $0x2800  }
0x7b: {  	[sflag:s11] =	ssyncset.done $0x0  }
0x7c: {  	s26 =	sadd.s32 $0x180, s26;
	[sflag:s11] =	ssyncadd.s32 $0xFFFFD800  }
0x7d: {  	[tilespmem:s16], [sflag:$0x2] =	stream.indirect.gather [hbm4b:s8+s13], $0x80, s26, s13, $0xb8;
	[tilespmem:$0x1CC00] =	vst v63  }
0x7e: {  	_ =	swait.ge [sflag:s17], $0x2800  }
0x7f: {  	[sflag:s17] =	ssyncset.done $0x0  }
0x80: {  	[sflag:s17] =	ssyncadd.s32 $0xFFFFD800  }
0x81: {  	[spmem:s1] =	stream.indirect.scatter.add.f32 [tilespmem:s14], [sflag:$0x3], $0x80, s19, s13, $0xb8;
	[tilespmem:$0x1CC00] =	vst v63  }
0x82: {  	_ =	swait.ge [sflag:s11], $0x2800  }
0x83: {  	[sflag:s11] =	ssyncset.done $0x0  }
0x84: {  	[sflag:s11] =	ssyncadd.s32 $0xFFFFD800  }
0x85: {  	_ =	swait.ge [sflag:s18], $0x2800  }
0x86: {  	[sflag:s18] =	ssyncset.done $0x0  }
0x87: {  	[sflag:s18] =	ssyncadd.s32 $0xFFFFD800  }
0x88: {  	[spmem:s1] =	stream.indirect.scatter.add.f32 [tilespmem:s16], [sflag:$0x3], $0x80, s20, s13, $0xb8;
	[tilespmem:$0x1CC00] =	vst v63  }
0x89: {  	_ =	swait.ge [sflag:s11], $0x2800  }
0x8a: {  	s24 =	sadd.s32 $0x1, s24;
	[sflag:s11] =	ssyncset.done $0x0  }
0x8b: {  	p0 =	sne.s32 s24, s9;
	[sflag:s11] =	ssyncadd.s32 $0xFFFFD800  }
.Ltmp2:
0x8c: {  	[bflag:$0x0] =	sbarrier.arrive $0xFFFF;
	(pc) =	sbr.rel @p0 .LBB2_1-.Ltmp2, $4  }
0x8d: {  	[hbm:s23], [sflag:s5] =	dma.local [spmem:s10], $0x2780  }
0x8e: {  	_ =	swait.ge [sflag:s11], $0x2780  }
0x8f: {  	[sflag:s11] =	ssyncset.done $0x0  }
0x90: {  	[sflag:s11] =	ssyncadd.s32 $0xFFFFD880  }
0x91: {  	_ =	sfence.sel $0x180000  }
0x92: {  	[bflag:$0x0] =	sbarrier.arrive $0xFFFF  }
0x93: {  	p0 =	sne.s32 s2, $0x0;
	_ =	strace $0x9000004A  }
0x94: {  	s0 =	sadd.s32 @!p0 $0x100000, s0;
	[bflag:$0x2] =	sbarrier.arrive $0xFFFF  }
0x95: {  	[sflag:s0] =	ssyncadd.tile.s32 @!p0 $0x1;
	_ =	shalt  }
.Lfunc_end2:
_tile_overlayer_lowered:
.L_overlay_start_2:
0x96: {  	(tag) =	ssettag $0x2  }
0x97: {  	s0 =	rddreg [dreg:$0x0];
	s2 =	stileid.u32  }
0x98: {  	s1 =	rddreg [dreg:$0x1];
	p0 =	sne.s32 s2, $0x0  }
0x99: {  	s3 =	rddreg [dreg:$0x2];
	[bflag:$0x3] =	sbarrier.arrive $0xFFFF;
	s2 =	simm.s32 @!p0 $0x1C03  }
0x9a: {  	[timem:s3], [sflag:s2] =	dma.local @!p0 [hbm:s0], s1  }
0x9b: {  	s0 =	simm.s32 @!p0 $0x3  }
0x9c: {  	_ =	swait.ge @!p0 [sflag:s0], s1  }
0x9d: {  	s1 =	ssub.s32 @!p0 $0x0, s1;
	[sflag:s0] =	ssyncset.done @!p0 $0x0  }
0x9e: {  	[sflag:s0] =	ssyncadd.s32 @!p0 s1  }
0x9f: {  	[bflag:$0x3] =	sbarrier.arrive $0xFFFF  }
0xa0: {  	_ =	shalt  }

// kernel: kernel.16.cloned.1.call-start
scs
__scs_entry_jumppad:
0x0: {  	(pc) =	sbr.rel $0x88, $3  }
0x1: {  	(tag) =	ssettag $0x0;
	lr =	simm.s32 $0x1  }
0x2: {  	[smem:$0x3F97] =	sst lr;
	_ =	strace $0xD0000000  }
0x3: {  	_ = 	snop  }
0x4: {  	_ = 	snop  }
0x5: {  	_ = 	snop  }
0x6: {  	_ = 	snop  }
0x7: {  	_ = 	snop  }
__scs_overlays_trampoline_lowered:
0x8: {  	[smem:$0x3FA6] =	sst s0  }
0x9: {  	[smem:$0x3FA7] =	sst s1  }
0xa: {  	[smem:$0x3FA8] =	sst s2  }
0xb: {  	[smem:$0x3FA9] =	sst s3  }
0xc: {  	[smem:$0x3FAA] =	sst s4  }
0xd: {  	[smem:$0x3FAB] =	sst s5  }
0xe: {  	[smem:$0x3FAC] =	sst s6  }
0xf: {  	[smem:$0x3FAD] =	sst s7  }
0x10: {  	[smem:$0x3FAE] =	sst s8  }
0x11: {  	[smem:$0x3FAF] =	sst s9;
	s0 =	simm.s32 @!p0 $0x0  }
0x12: {  	s1 =	sld [smem:$0x3F95];
	s0 =	simm.s32 @p0 $0x1  }
0x13: {  	[smem:$0x3FB0] =	sst s0;
	s0 =	simm.s32 @!p1 $0x0  }
0x14: {  	s2 =	sld [smem:$0x3F94];
	s0 =	simm.s32 @p1 $0x1  }
0x15: {  	[smem:$0x3FB1] =	sst s0;
	s0 =	simm.s32 @!p2 $0x0  }
0x16: {  	s3 =	sld [smem:$0x3FDB];
	s0 =	simm.s32 @p2 $0x1  }
0x17: {  	s4 =	simm.s32 $0x1BF5;
	[smem:$0x3FB3] =	sst s0  }
0x18: {  	s0 =	sld [smem:$0x3F96];
	_ =	swait.ge [sflag:s4], $0x0  }
0x19: {  	s7 =	sld [smem:$0x3F97]  }
0x1a: {  	s8 =	sadd.s32 $0xFFFFE003, lr  }
0x1b: {  	s9 =	sadd.s32 $0xFFFFFEF7, lr;
	s5 =	simm.s32 $0xFFFFFFFF;
	p2 =	slt.u32 s8, $0xFFFFF086  }
0x1c: {  	p1 =	slt.u32 s9, $0xF7A;
	s5 =	simm.s32 @!p2 $0x0  }
0x1d: {  	s5 =	simm.s32 @p1 $0x1;
	p0 =	seq.s32 s7, s2  }
0x1e: {  	s7 =	smul.u32 @!p0 $0xF7A, s2;
	p2 =	seq.s32 @!p0 s5, $0x0  }
0x1f: {  	s9 =	smul.u32 $0xF7A, s1;
	s8 =	simm.s32 @!p0 $0x1BF5;
	p2 =	por !p2, p0  }
0x20: {  	[sflag:s8] =	ssyncset.s32 @!p0 $0xFFFFF086;
	s6 =	sadd.s32 @!p0 s3, s7;
	s7 =	simm.s32 @!p0 $0x108  }
0x21: {  	s3 =	sadd.s32 s3, s9;
	s6 =	sadd.s32 @!p0 $0x88, s6;
	s7 =	simm.s32 @p2 $0x1082  }
0x22: {  	[simem:s7], [sflag:s8] =	dma.local @!p0 [hbm:s6], $0xF7A  }
0x23: {  	s9 =	sor.u32 $0xD0000000, s2;
	s6 =	simm.s32 $0x108;
	_ =	swait.ge @!p0 [sflag:s8], $0x0  }
0x24: {  	s3 =	sadd.s32 $0x88, s3;
	s6 =	simm.s32 @!p1 $0x1082;
	[sflag:s4] =	ssyncset.s32 $0xFFFFF086  }
0x25: {  	[simem:s6], [sflag:s4] =	dma.local [hbm:s3], $0xF7A  }
0x26: {  	[smem:$0x3F97] =	sst s1;
	(tag) =	ssettag s2;
	_ =	strace s9  }
0x27: {  	s1 =	sld [smem:$0x3FA7]  }
0x28: {  	s2 =	sld [smem:$0x3FA8]  }
0x29: {  	s4 =	sld [smem:$0x3FAA]  }
0x2a: {  	p0 =	seq.s32 s5, $0x0;
	s5 =	sld [smem:$0x3FAB]  }
0x2b: {  	s6 =	sld [smem:$0x3FAC]  }
0x2c: {  	s7 =	sld [smem:$0x3FAD]  }
0x2d: {  	s3 =	simm.s32 $0x108;
	s8 =	sld [smem:$0x3FAE]  }
0x2e: {  	s3 =	simm.s32 @!p0 $0x1082;
	s9 =	sld [smem:$0x3FAF]  }
0x2f: {  	lr =	sadd.s32 s0, s3;
	s0 =	sld [smem:$0x3FA6]  }
0x30: {  	s3 =	sld [smem:$0x3FA9]  }
0x31: {  	[smem:$0x3FB2] =	sst s10  }
0x32: {  	s10 =	sld [smem:$0x3FB0];
	_ =	sdelay $0x3  }
0x33: {  	p0 =	seq.s32 s10, $0x1;
	s10 =	sld [smem:$0x3FB2];
	_ =	sdelay $0x3  }
0x34: {  	[smem:$0x3FB2] =	sst s10  }
0x35: {  	s10 =	sld [smem:$0x3FB1];
	_ =	sdelay $0x3  }
0x36: {  	p1 =	seq.s32 s10, $0x1;
	s10 =	sld [smem:$0x3FB2];
	_ =	sdelay $0x3  }
0x37: {  	[smem:$0x3FB2] =	sst s10  }
0x38: {  	s10 =	sld [smem:$0x3FB3]  }
0x39: {  	_ = 	snop;
	(pc) =	sbr.ind lr, $3  }
0x3a: {  	_ = 	snop  }
0x3b: {  	_ = 	snop  }
0x3c: {  	p2 =	seq.s32 s10, $0x1;
	s10 =	sld [smem:$0x3FB2]  }
0x3d: {  	_ =	shalt  }
0x3e: {  	_ =	shalt  }
0x3f: {  	_ =	shalt  }
0x40: {  	_ =	shalt  }
0x41: {  	_ =	shalt  }
0x42: {  	_ =	shalt  }
0x43: {  	_ =	shalt  }
0x44: {  	_ =	shalt  }
0x45: {  	_ =	shalt  }
0x46: {  	_ =	shalt  }
0x47: {  	_ =	shalt  }
0x48: {  	_ =	shalt  }
0x49: {  	_ =	shalt  }
0x4a: {  	_ =	shalt  }
0x4b: {  	_ =	shalt  }
0x4c: {  	_ =	shalt  }
0x4d: {  	_ =	shalt  }
0x4e: {  	_ =	shalt  }
0x4f: {  	_ =	shalt  }
0x50: {  	_ =	shalt  }
0x51: {  	_ =	shalt  }
0x52: {  	_ =	shalt  }
0x53: {  	_ =	shalt  }
0x54: {  	_ =	shalt  }
0x55: {  	_ =	shalt  }
0x56: {  	_ =	shalt  }
0x57: {  	_ =	shalt  }
0x58: {  	_ =	shalt  }
0x59: {  	_ =	shalt  }
0x5a: {  	_ =	shalt  }
0x5b: {  	_ =	shalt  }
0x5c: {  	_ =	shalt  }
0x5d: {  	_ =	shalt  }
0x5e: {  	_ =	shalt  }
0x5f: {  	_ =	shalt  }
0x60: {  	_ =	shalt  }
0x61: {  	_ =	shalt  }
0x62: {  	_ =	shalt  }
0x63: {  	_ =	shalt  }
0x64: {  	_ =	shalt  }
0x65: {  	_ =	shalt  }
0x66: {  	_ =	shalt  }
0x67: {  	_ =	shalt  }
0x68: {  	_ =	shalt  }
0x69: {  	_ =	shalt  }
0x6a: {  	_ =	shalt  }
0x6b: {  	_ =	shalt  }
0x6c: {  	_ =	shalt  }
0x6d: {  	_ =	shalt  }
0x6e: {  	_ =	shalt  }
0x6f: {  	_ =	shalt  }
0x70: {  	_ =	shalt  }
0x71: {  	_ =	shalt  }
0x72: {  	_ =	shalt  }
0x73: {  	_ =	shalt  }
0x74: {  	_ =	shalt  }
0x75: {  	_ =	shalt  }
0x76: {  	_ =	shalt  }
0x77: {  	_ =	shalt  }
0x78: {  	_ =	shalt  }
0x79: {  	_ =	shalt  }
0x7a: {  	_ =	shalt  }
0x7b: {  	_ =	shalt  }
0x7c: {  	_ =	shalt  }
0x7d: {  	_ =	shalt  }
0x7e: {  	_ =	shalt  }
0x7f: {  	_ =	shalt  }
0x80: {  	_ =	shalt  }
0x81: {  	_ =	shalt  }
0x82: {  	_ =	shalt  }
0x83: {  	_ =	shalt  }
0x84: {  	_ =	shalt  }
0x85: {  	_ =	shalt  }
0x86: {  	_ =	shalt  }
0x87: {  	_ =	shalt  }
.Lfunc_end0:
.L_simem_size_0:
called_computation.2_lowered:
.L_overlay_start_0:
0x88: {  	s2 =	sld [smem:$0x3FD9]  }
0x89: {  	s3 =	sld [smem:$0x3FFE];
	_ =	sdelay $0x1  }
0x8a: {  	s1 =	srdreg.scid  }
0x8b: {  	s0 =	sand.u32 $0x1, s1  }
0x8c: {  	s14 =	sshll.u32 s0, $0xA;
	s2 =	sadd.s32 s3, s2  }
0x8d: {  	s2 =	sadd.s32 s2, s14  }
0x8e: {  	[smem:$0x3FBE] =	sst s2  }
0x8f: {  	_ = 	snop  }
0x90: {  	s2 =	sld [smem:$0x3FD0];
	_ =	sdelay $0x2  }
0x91: {  	s15 =	simm.s32 $0xA;
	s4 =	simm.s32 $0x10  }
0x92: {  	[smem:s4], [sflag:s15] =	dma.local [hbm:s2], $0x1  }
0x93: {  	_ =	swait.eq [sflag:s15], $0x1  }
0x94: {  	[sflag:s15] =	ssyncset.done $0x0  }
0x95: {  	[sflag:s15] =	ssyncadd.s32 $0xFFFFFFFF  }
0x96: {  	s16 =	sld [smem:$0x10];
	(tm) =	ssettm $0x1  }
0x97: {  	s17 =	sld [smem:$0x3FFB];
	_ =	sdelay $0x3  }
0x98: {  	_ =	strace s17  }
0x99: {  	s3 =	sld [smem:$0x3FFC];
	_ =	sdelay $0x3  }
0x9a: {  	_ =	strace s3  }
0x9b: {  	s3 =	sld [smem:$0x3FFD];
	_ =	sdelay $0x3  }
0x9c: {  	_ =	strace s3  }
0x9d: {  	_ =	strace $0x8FFFFFFF  }
0x9e: {  	s18 =	sld [smem:$0x3FDB];
	_ =	sdelay $0x1  }
0x9f: {  	s19 =	simm.s32 $_scs_section_size  }
0xa0: {  	s5 =	simm.s32 $_size__tile_overlayer_lowered;
	s6 =	simm.s32 $_tile_overlayer_lowered  }
0xa1: {  	s22 =	simm.s32 $0x1BFF;
	s21 =	sshll.u32 s6, $0x1;
	s3 =	sadd.s32 s19, s18  }
0xa2: {  	s7 =	simm.s32 $0x0;
	s20 =	sshll.u32 s5, $0x1;
	s5 =	sadd.s32 s21, s3  }
0xa3: {  	[timem:s7], [sflag:s22] =	dma.local [hbm:s5], s20  }
0xa4: {  	_ =	swait.ge [sflag:s22], s20  }
0xa5: {  	s4 =	ssub.s32 $0x0, s20;
	[sflag:s22] =	ssyncset.done $0x0  }
0xa6: {  	[sflag:s22] =	ssyncadd.s32 s4;
	_ =	sdelay $0x1  }
0xa7: {  	s23 =	simm.s32 $0x1B8B  }
0xa8: {  	_ =	swait.ge [sflag:s23], $0x1  }
0xa9: {  	[sflag:s23] =	ssyncset.done $0x0  }
0xaa: {  	s25 =	simm.s32 $0x1B8E;
	s24 =	sld [smem:$0x3FFE];
	[sflag:s23] =	ssyncadd.s32 $0xFFFFFFFF  }
0xab: {  	s26 =	simm.s32 $execute0_lowered;
	[smem:$0x3FD2] =	sst s25  }
0xac: {  	s5 =	sshll.u32 s26, $0x1;
	_ =	strace $0x8000004C;
	[dreg:$0x1] =	wrdreg $0xFFFFFFFF  }
0xad: {  	s28 =	simm.s32 $_size_execute0_lowered;
	s3 =	sadd.s32 s3, s5;
	[dreg:$0x0] =	wrdreg $0x0  }
0xae: {  	s5 =	sshll.u32 s28, $0x1;
	[dreg:$0x2] =	wrdreg s3  }
0xaf: {  	[dreg:$0x3] =	wrdreg s5  }
0xb0: {  	[dreg:$0x4] =	wrdreg $0xC0  }
0xb1: {  	_ =	task [dreg:s7], $0x5FFFF  }
0xb2: {  	[dreg:$0x1] =	wrdreg $0xFFFFFFFF  }
0xb3: {  	[dreg:$0x0] =	wrdreg $0x60  }
0xb4: {  	[dreg:$0x2] =	wrdreg s16  }
0xb5: {  	[dreg:$0x3] =	wrdreg s24  }
0xb6: {  	[dreg:$0x4] =	wrdreg $0x90000  }
0xb7: {  	[dreg:$0x5] =	wrdreg $0x9  }
0xb8: {  	_ =	task.clear_ibuf [dreg:s7], $0x6FFFF;
	_ =	strace $0x9000004C  }
0xb9: {  	s29 =	simm.s32 $0x9;
	_ =	strace $0x8000004E  }
0xba: {  	_ =	swait.ge [sflag:s29], $0x1  }
0xbb: {  	[sflag:s29] =	ssyncadd.s32 $0xFFFFFFFF  }
0xbc: {  	_ =	strace $0x9000004E  }
0xbd: {  	_ =	sfence  }
0xbe: {  	s30 =	sld [smem:$0x0];
	_ =	sdelay $0x2  }
0xbf: {  	s31 =	sshll.u32 s1, $0xD;
	s1 =	sshrl.u32 s1, $0x2  }
0xc0: {  	s3 =	sand.u32 $0x4000, s31;
	s1 =	sadd.s32 s1, s30  }
0xc1: {  	s0 =	sor.u32 s3, s0;
	s1 =	sshll.u32 s1, $0x11  }
0xc2: {  	s0 =	sor.u32 s1, s0  }
0xc3: {  	s0 =	sadd.s32 $0x8F2B, s0  }
0xc4: {  	[sflag:s0] =	ssyncadd.remote.s32 $0x1  }
0xc5: {  	_ =	sfence.sel $0xFFFF  }
0xc6: {  	[dreg:$0x0] =	wrdreg $0xFFFFFFFF;
	(pc) =	sbr.abs _section_cstart, $3  }
0xc7: {  	[dreg:$0x1] =	wrdreg $0xFFFFFFFF  }
0xc8: {  	_ =	task.clear_ibuf [dreg:s7], $0x2FFFF;
	_ =	strace $0x9FFFFFFF  }
0xc9: {  	(tm) =	ssettm $0x7FFFFFFF  }
tec
execute0_lowered:
.L_overlay_start_1:
0x0: {  	(tag) =	ssettag $0x1  }
0x1: {  	s6 =	rddreg [dreg:$0x0]  }
0x2: {  	s5 =	rddreg [dreg:$0x1]  }
0x3: {  	s1 =	rddreg [dreg:$0x2]  }
0x4: {  	s0 =	rddreg [dreg:$0x3]  }
0x5: {  	s3 =	simm.s32 $0x0;
	s2 =	srdreg.scid;
	s15 =	simm.s32 $0x80  }
0x6: {  	s16 =	simm.s32 $0x6800;
	s17 =	simm.s32 $0x1;
	s18 =	simm.s32 $0x2  }
0x7: {  	s19 =	simm.s32 $0x3F00;
	[smem:$0x7FF] =	sst s3;
	s7 =	sand.u32 $0x1, s2  }
0x8: {  	s20 =	simm.s32 $0x3F80;
	s2 =	stileid.u32;
	s4 =	smul.u32 $0x27100, s7  }
0x9: {  	_ =	strace $0x8000004D;
	s8 =	sshll.u32 s2, $0xB;
	s9 =	smul.u32 $0x27800, s7  }
0xa: {  	s12 =	smul.u32 $0x4F000, s2;
	s31 =	ssub.s32 $0x2, s7;
	s13 =	sshll.u32 s2, $0x6  }
0xb: {  	s24 =	smul.u32 $0x2780, s2;
	s10 =	sadd.s32 s8, s5;
	s7 =	sshrl.u32 s31, $0x1  }
0xc: {  	s6 =	sadd.s32 s6, s8;
	s11 =	sadd.s32 s4, s5;
	s4 =	sadd.s32 $0x2600, s5  }
0xd: {  	s9 =	sadd.s32 s9, s5;
	s12 =	sshrl.u32 s12, $0x2;
	s14 =	ssub.s32 s31, s7  }
0xe: {  	s5 =	sor.u32 $0x1C03, s13;
	s7 =	sadd.s32 $0x53E00, s10;
	s13 =	simm.s32 $0x50  }
0xf: {  	s21 =	sadd.s32 $0x400, s6;
	s12 =	sadd.s32 s12, s1;
	s8 =	sadd.s32 $0x4E00, s11  }
0x10: {  	s23 =	sadd.s32 $0x5BE00, s9;
	s9 =	smax.u32 s14, $0x1;
	s11 =	simm.s32 $0x3  }
0x11: {  	s14 =	simm.s32 $0x4000;
	s22 =	sadd.s32 $0x400, s7;
	s10 =	sshrl.u32 s12, $0x3  }
0x12: {  	s12 =	simm.s32 $0x2000;
	s23 =	sadd.s32 s24, s23;
	s24 =	simm.s32 $0x0  }
.LBB2_1:
0x13: {  	[spmem:s10], [sflag:s5] =	dma.local [hbm:s4], $0x2780  }
0x14: {  	_ =	swait.ge [sflag:s11], $0x2780  }
0x15: {  	[sflag:s11] =	ssyncset.done $0x0  }
0x16: {  	[sflag:s11] =	ssyncadd.s32 $0xFFFFD880  }
0x17: {  	[bflag:$0x0] =	sbarrier.arrive $0xFFFF  }
0x18: {  	[tilespmem:s3], [sflag:$0x3] =	stream.linear.gather [hbm4b:s6+s3], $0x2000, $0x38;
	[tilespmem:$0x1CC00] =	vst v63  }
0x19: {  	_ =	swait.ge [sflag:s11], $0x2000  }
0x1a: {  	[sflag:s11] =	ssyncset.done $0x0  }
0x1b: {  	[sflag:s11] =	ssyncadd.s32 $0xFFFFE000  }
0x1c: {  	[tilespmem:s12], [sflag:$0x3] =	stream.linear.gather [hbm4b:s7+s3], $0x2000, $0x38;
	[tilespmem:$0x1CC00] =	vst v63  }
0x1d: {  	_ =	swait.ge [sflag:s11], $0x2000  }
0x1e: {  	[sflag:s11] =	ssyncset.done $0x0  }
0x1f: {  	[sflag:s11] =	ssyncadd.s32 $0xFFFFE000  }
0x20: {  	[tilespmem:s14], [sflag:$0x1] =	stream.indirect.gather [hbm4b:s8+s13], $0x80, s3, s13, $0xb8;
	[tilespmem:$0x1CC00] =	vst v63  }
0x21: {  	_ = 	snop  }
0x22: {  	[tilespmem:s16], [sflag:$0x2] =	stream.indirect.gather [hbm4b:s8+s13], $0x80, s15, s13, $0xb8;
	[tilespmem:$0x1CC00] =	vst v63  }
0x23: {  	_ =	swait.ge [sflag:s17], $0x2800  }
0x24: {  	[sflag:s17] =	ssyncset.done $0x0  }
0x25: {  	s25 =	simm.s32 $0x2000;
	[sflag:s17] =	ssyncadd.s32 $0xFFFFD800  }
0x26: {  	[spmem:s1] =	stream.indirect.scatter.add.f32 [tilespmem:s14], [sflag:$0x3], $0x80, s25, s13, $0xb8;
	[tilespmem:$0x1CC00] =	vst v63  }
0x27: {  	_ =	swait.ge [sflag:s11], $0x2800  }
0x28: {  	[sflag:s11] =	ssyncset.done $0x0  }
0x29: {  	s30 =	simm.s32 $0x100;
	[sflag:s11] =	ssyncadd.s32 $0xFFFFD800  }
0x2a: {  	[tilespmem:s14], [sflag:$0x1] =	stream.indirect.gather [hbm4b:s8+s13], $0x80, s30, s13, $0xb8;
	[tilespmem:$0x1CC00] =	vst v63  }
0x2b: {  	_ =	swait.ge [sflag:s18], $0x2800  }
0x2c: {  	[sflag:s18] =	ssyncset.done $0x0  }
0x2d: {  	s31 =	simm.s32 $0x2080;
	[sflag:s18] =	ssyncadd.s32 $0xFFFFD800  }
0x2e: {  	[spmem:s1] =	stream.indirect.scatter.add.f32 [tilespmem:s16], [sflag:$0x3], $0x80, s31, s13, $0xb8;
	[tilespmem:$0x1CC00] =	vst v63  }
0x2f: {  	_ =	swait.ge [sflag:s11], $0x2800  }
0x30: {  	[sflag:s11] =	ssyncset.done $0x0  }
0x31: {  	s26 =	simm.s32 $0x180;
	s25 =	simm.s32 $0x400;
	[sflag:s11] =	ssyncadd.s32 $0xFFFFD800  }
.LBB2_2:
0x32: {  	[tilespmem:s16], [sflag:$0x2] =	stream.indirect.gather [hbm4b:s8+s13], $0x80, s26, s13, $0xb8;
	[tilespmem:$0x1CC00] =	vst v63  }
0x33: {  	s26 =	smov.u32 s25  }
0x34: {  	p0 =	sne.s32 s25, $0x7800;
	s25 =	sadd.s32 $0x400, s25;
	_ =	swait.ge [sflag:s17], $0x2800  }
0x35: {  	s26 =	sshra.s32 s26, $0x2;
	[sflag:s17] =	ssyncset.done $0x0  }
0x36: {  	s28 =	sadd.s32 $0x2000, s26;
	[sflag:s17] =	ssyncadd.s32 $0xFFFFD800  }
0x37: {  	[spmem:s1] =	stream.indirect.scatter.add.f32 [tilespmem:s14], [sflag:$0x3], $0x80, s28, s13, $0xb8;
	[tilespmem:$0x1CC00] =	vst v63  }
0x38: {  	_ =	swait.ge [sflag:s11], $0x2800  }
0x39: {  	[sflag:s11] =	ssyncset.done $0x0  }
0x3a: {  	s28 =	sadd.s32 $0x100, s26;
	[sflag:s11] =	ssyncadd.s32 $0xFFFFD800  }
0x3b: {  	[tilespmem:s14], [sflag:$0x1] =	stream.indirect.gather [hbm4b:s8+s13], $0x80, s28, s13, $0xb8;
	[tilespmem:$0x1CC00] =	vst v63  }
0x3c: {  	_ =	swait.ge [sflag:s18], $0x2800  }
0x3d: {  	[sflag:s18] =	ssyncset.done $0x0  }
.Ltmp0:
0x3e: {  	s28 =	sadd.s32 $0x2080, s26;
	[sflag:s18] =	ssyncadd.s32 $0xFFFFD800;
	(pc) =	sbr.rel @p0 .LBB2_2-.Ltmp0, $4  }
0x3f: {  	[spmem:s1] =	stream.indirect.scatter.add.f32 [tilespmem:s16], [sflag:$0x3], $0x80, s28, s13, $0xb8;
	[tilespmem:$0x1CC00] =	vst v63  }
0x40: {  	_ =	swait.ge [sflag:s11], $0x2800  }
0x41: {  	[sflag:s11] =	ssyncset.done $0x0  }
0x42: {  	s26 =	sadd.s32 $0x180, s26;
	[sflag:s11] =	ssyncadd.s32 $0xFFFFD800  }
0x43: {  	[tilespmem:s16], [sflag:$0x2] =	stream.indirect.gather [hbm4b:s8+s13], $0x80, s26, s13, $0xb8;
	[tilespmem:$0x1CC00] =	vst v63  }
0x44: {  	_ =	swait.ge [sflag:s17], $0x2800  }
0x45: {  	[sflag:s17] =	ssyncset.done $0x0  }
0x46: {  	[sflag:s17] =	ssyncadd.s32 $0xFFFFD800  }
0x47: {  	[spmem:s1] =	stream.indirect.scatter.add.f32 [tilespmem:s14], [sflag:$0x3], $0x80, s19, s13, $0xb8;
	[tilespmem:$0x1CC00] =	vst v63  }
0x48: {  	_ =	swait.ge [sflag:s11], $0x2800  }
0x49: {  	[sflag:s11] =	ssyncset.done $0x0  }
0x4a: {  	[sflag:s11] =	ssyncadd.s32 $0xFFFFD800  }
0x4b: {  	_ =	swait.ge [sflag:s18], $0x2800  }
0x4c: {  	[sflag:s18] =	ssyncset.done $0x0  }
0x4d: {  	[sflag:s18] =	ssyncadd.s32 $0xFFFFD800  }
0x4e: {  	[spmem:s1] =	stream.indirect.scatter.add.f32 [tilespmem:s16], [sflag:$0x3], $0x80, s20, s13, $0xb8;
	[tilespmem:$0x1CC00] =	vst v63  }
0x4f: {  	_ =	swait.ge [sflag:s11], $0x2800  }
0x50: {  	[sflag:s11] =	ssyncset.done $0x0  }
0x51: {  	s25 =	simm.s32 $0x0;
	[sflag:s11] =	ssyncadd.s32 $0xFFFFD800  }
0x52: {  	[tilespmem:s25], [sflag:$0x3] =	stream.linear.gather [hbm4b:s21+s25], $0x2000, $0x38;
	[tilespmem:$0x1CC00] =	vst v63  }
0x53: {  	_ =	swait.ge [sflag:s11], $0x2000  }
0x54: {  	[sflag:s11] =	ssyncset.done $0x0  }
0x55: {  	[sflag:s11] =	ssyncadd.s32 $0xFFFFE000  }
0x56: {  	[tilespmem:s12], [sflag:$0x3] =	stream.linear.gather [hbm4b:s22+s25], $0x2000, $0x38;
	[tilespmem:$0x1CC00] =	vst v63  }
0x57: {  	_ =	swait.ge [sflag:s11], $0x2000  }
0x58: {  	[sflag:s11] =	ssyncset.done $0x0  }
0x59: {  	[sflag:s11] =	ssyncadd.s32 $0xFFFFE000  }
0x5a: {  	[tilespmem:s14], [sflag:$0x1] =	stream.indirect.gather [hbm4b:s8+s13], $0x80, s25, s13, $0xb8;
	[tilespmem:$0x1CC00] =	vst v63  }
0x5b: {  	_ = 	snop  }
0x5c: {  	[tilespmem:s16], [sflag:$0x2] =	stream.indirect.gather [hbm4b:s8+s13], $0x80, s15, s13, $0xb8;
	[tilespmem:$0x1CC00] =	vst v63  }
0x5d: {  	_ =	swait.ge [sflag:s17], $0x2800  }
0x5e: {  	[sflag:s17] =	ssyncset.done $0x0  }
0x5f: {  	s29 =	simm.s32 $0x2000;
	[sflag:s17] =	ssyncadd.s32 $0xFFFFD800  }
0x60: {  	[spmem:s1] =	stream.indirect.scatter.add.f32 [tilespmem:s14], [sflag:$0x3], $0x80, s29, s13, $0xb8;
	[tilespmem:$0x1CC00] =	vst v63  }
0x61: {  	_ =	swait.ge [sflag:s11], $0x2800  }
0x62: {  	[sflag:s11] =	ssyncset.done $0x0  }
0x63: {  	s30 =	simm.s32 $0x100;
	[sflag:s11] =	ssyncadd.s32 $0xFFFFD800  }
0x64: {  	[tilespmem:s14], [sflag:$0x1] =	stream.indirect.gather [hbm4b:s8+s13], $0x80, s30, s13, $0xb8;
	[tilespmem:$0x1CC00] =	vst v63  }
0x65: {  	_ =	swait.ge [sflag:s18], $0x2800  }
0x66: {  	[sflag:s18] =	ssyncset.done $0x0  }
0x67: {  	s31 =	simm.s32 $0x2080;
	[sflag:s18] =	ssyncadd.s32 $0xFFFFD800  }
0x68: {  	[spmem:s1] =	stream.indirect.scatter.add.f32 [tilespmem:s16], [sflag:$0x3], $0x80, s31, s13, $0xb8;
	[tilespmem:$0x1CC00] =	vst v63  }
0x69: {  	_ =	swait.ge [sflag:s11], $0x2800  }
0x6a: {  	[sflag:s11] =	ssyncset.done $0x0  }
0x6b: {  	s26 =	simm.s32 $0x180;
	s25 =	simm.s32 $0x400;
	[sflag:s11] =	ssyncadd.s32 $0xFFFFD800  }
.LBB2_4:
0x6c: {  	[tilespmem:s16], [sflag:$0x2] =	stream.indirect.gather [hbm4b:s8+s13], $0x80, s26, s13, $0xb8;
	[tilespmem:$0x1CC00] =	vst v63  }
0x6d: {  	s26 =	smov.u32 s25  }
0x6e: {  	p0 =	sne.s32 s25, $0x7800;
	s25 =	sadd.s32 $0x400, s25;
	_ =	swait.ge [sflag:s17], $0x2800  }
0x6f: {  	s26 =	sshra.s32 s26, $0x2;
	[sflag:s17] =	ssyncset.done $0x0  }
0x70: {  	s28 =	sadd.s32 $0x2000, s26;
	[sflag:s17] =	ssyncadd.s32 $0xFFFFD800  }
0x71: {  	[spmem:s1] =	stream.indirect.scatter.add.f32 [tilespmem:s14], [sflag:$0x3], $0x80, s28, s13, $0xb8;
	[tilespmem:$0x1CC00] =	vst v63  }
0x72: {  	_ =	swait.ge [sflag:s11], $0x2800  }
0x73: {  	[sflag:s11] =	ssyncset.done $0x0  }
0x74: {  	s28 =	sadd.s32 $0x100, s26;
	[sflag:s11] =	ssyncadd.s32 $0xFFFFD800  }
0x75: {  	[tilespmem:s14], [sflag:$0x1] =	stream.indirect.gather [hbm4b:s8+s13], $0x80, s28, s13, $0xb8;
	[tilespmem:$0x1CC00] =	vst v63  }
0x76: {  	_ =	swait.ge [sflag:s18], $0x2800  }
0x77: {  	[sflag:s18] =	ssyncset.done $0x0  }
.Ltmp1:
0x78: {  	s28 =	sadd.s32 $0x2080, s26;
	[sflag:s18] =	ssyncadd.s32 $0xFFFFD800;
	(pc) =	sbr.rel @p0 .LBB2_4-.Ltmp1, $4  }
0x79: {  	[spmem:s1] =	stream.indirect.scatter.add.f32 [tilespmem:s16], [sflag:$0x3], $0x80, s28, s13, $0xb8;
	[tilespmem:$0x1CC00] =	vst v63  }
0x7a: {  	_ =	swait.ge [sflag:s11], $0x2800  }
0x7b: {  	[sflag:s11] =	ssyncset.done $0x0  }
0x7c: {  	s26 =	sadd.s32 $0x180, s26;
	[sflag:s11] =	ssyncadd.s32 $0xFFFFD800  }
0x7d: {  	[tilespmem:s16], [sflag:$0x2] =	stream.indirect.gather [hbm4b:s8+s13], $0x80, s26, s13, $0xb8;
	[tilespmem:$0x1CC00] =	vst v63  }
0x7e: {  	_ =	swait.ge [sflag:s17], $0x2800  }
0x7f: {  	[sflag:s17] =	ssyncset.done $0x0  }
0x80: {  	[sflag:s17] =	ssyncadd.s32 $0xFFFFD800  }
0x81: {  	[spmem:s1] =	stream.indirect.scatter.add.f32 [tilespmem:s14], [sflag:$0x3], $0x80, s19, s13, $0xb8;
	[tilespmem:$0x1CC00] =	vst v63  }
0x82: {  	_ =	swait.ge [sflag:s11], $0x2800  }
0x83: {  	[sflag:s11] =	ssyncset.done $0x0  }
0x84: {  	[sflag:s11] =	ssyncadd.s32 $0xFFFFD800  }
0x85: {  	_ =	swait.ge [sflag:s18], $0x2800  }
0x86: {  	[sflag:s18] =	ssyncset.done $0x0  }
0x87: {  	[sflag:s18] =	ssyncadd.s32 $0xFFFFD800  }
0x88: {  	[spmem:s1] =	stream.indirect.scatter.add.f32 [tilespmem:s16], [sflag:$0x3], $0x80, s20, s13, $0xb8;
	[tilespmem:$0x1CC00] =	vst v63  }
0x89: {  	_ =	swait.ge [sflag:s11], $0x2800  }
0x8a: {  	s24 =	sadd.s32 $0x1, s24;
	[sflag:s11] =	ssyncset.done $0x0  }
0x8b: {  	p0 =	sne.s32 s24, s9;
	[sflag:s11] =	ssyncadd.s32 $0xFFFFD800  }
.Ltmp2:
0x8c: {  	[bflag:$0x0] =	sbarrier.arrive $0xFFFF;
	(pc) =	sbr.rel @p0 .LBB2_1-.Ltmp2, $4  }
0x8d: {  	[hbm:s23], [sflag:s5] =	dma.local [spmem:s10], $0x2780  }
0x8e: {  	_ =	swait.ge [sflag:s11], $0x2780  }
0x8f: {  	[sflag:s11] =	ssyncset.done $0x0  }
0x90: {  	[sflag:s11] =	ssyncadd.s32 $0xFFFFD880  }
0x91: {  	_ =	sfence.sel $0x180000  }
0x92: {  	[bflag:$0x0] =	sbarrier.arrive $0xFFFF  }
0x93: {  	p0 =	sne.s32 s2, $0x0;
	_ =	strace $0x9000004D  }
0x94: {  	s0 =	sadd.s32 @!p0 $0x100000, s0;
	[bflag:$0x2] =	sbarrier.arrive $0xFFFF  }
0x95: {  	[sflag:s0] =	ssyncadd.tile.s32 @!p0 $0x1;
	_ =	shalt  }
.Lfunc_end2:
_tile_overlayer_lowered:
.L_overlay_start_2:
0x96: {  	(tag) =	ssettag $0x2  }
0x97: {  	s0 =	rddreg [dreg:$0x0];
	s2 =	stileid.u32  }
0x98: {  	s1 =	rddreg [dreg:$0x1];
	p0 =	sne.s32 s2, $0x0  }
0x99: {  	s3 =	rddreg [dreg:$0x2];
	[bflag:$0x3] =	sbarrier.arrive $0xFFFF;
	s2 =	simm.s32 @!p0 $0x1C03  }
0x9a: {  	[timem:s3], [sflag:s2] =	dma.local @!p0 [hbm:s0], s1  }
0x9b: {  	s0 =	simm.s32 @!p0 $0x3  }
0x9c: {  	_ =	swait.ge @!p0 [sflag:s0], s1  }
0x9d: {  	s1 =	ssub.s32 @!p0 $0x0, s1;
	[sflag:s0] =	ssyncset.done @!p0 $0x0  }
0x9e: {  	[sflag:s0] =	ssyncadd.s32 @!p0 s1  }
0x9f: {  	[bflag:$0x3] =	sbarrier.arrive $0xFFFF  }
0xa0: {  	_ =	shalt  }

// kernel: kernel.19.cloned.1.call-start
scs
__scs_entry_jumppad:
0x0: {  	(pc) =	sbr.rel $0x88, $3  }
0x1: {  	(tag) =	ssettag $0x0;
	lr =	simm.s32 $0x1  }
0x2: {  	[smem:$0x3F97] =	sst lr;
	_ =	strace $0xD0000000  }
0x3: {  	_ = 	snop  }
0x4: {  	_ = 	snop  }
0x5: {  	_ = 	snop  }
0x6: {  	_ = 	snop  }
0x7: {  	_ = 	snop  }
__scs_overlays_trampoline_lowered:
0x8: {  	[smem:$0x3FA6] =	sst s0  }
0x9: {  	[smem:$0x3FA7] =	sst s1  }
0xa: {  	[smem:$0x3FA8] =	sst s2  }
0xb: {  	[smem:$0x3FA9] =	sst s3  }
0xc: {  	[smem:$0x3FAA] =	sst s4  }
0xd: {  	[smem:$0x3FAB] =	sst s5  }
0xe: {  	[smem:$0x3FAC] =	sst s6  }
0xf: {  	[smem:$0x3FAD] =	sst s7  }
0x10: {  	[smem:$0x3FAE] =	sst s8  }
0x11: {  	[smem:$0x3FAF] =	sst s9;
	s0 =	simm.s32 @!p0 $0x0  }
0x12: {  	s1 =	sld [smem:$0x3F95];
	s0 =	simm.s32 @p0 $0x1  }
0x13: {  	[smem:$0x3FB0] =	sst s0;
	s0 =	simm.s32 @!p1 $0x0  }
0x14: {  	s2 =	sld [smem:$0x3F94];
	s0 =	simm.s32 @p1 $0x1  }
0x15: {  	[smem:$0x3FB1] =	sst s0;
	s0 =	simm.s32 @!p2 $0x0  }
0x16: {  	s3 =	sld [smem:$0x3FDB];
	s0 =	simm.s32 @p2 $0x1  }
0x17: {  	s4 =	simm.s32 $0x1BF5;
	[smem:$0x3FB3] =	sst s0  }
0x18: {  	s0 =	sld [smem:$0x3F96];
	_ =	swait.ge [sflag:s4], $0x0  }
0x19: {  	s7 =	sld [smem:$0x3F97]  }
0x1a: {  	s8 =	sadd.s32 $0xFFFFE003, lr  }
0x1b: {  	s9 =	sadd.s32 $0xFFFFFEF7, lr;
	s5 =	simm.s32 $0xFFFFFFFF;
	p2 =	slt.u32 s8, $0xFFFFF086  }
0x1c: {  	p1 =	slt.u32 s9, $0xF7A;
	s5 =	simm.s32 @!p2 $0x0  }
0x1d: {  	s5 =	simm.s32 @p1 $0x1;
	p0 =	seq.s32 s7, s2  }
0x1e: {  	s7 =	smul.u32 @!p0 $0xF7A, s2;
	p2 =	seq.s32 @!p0 s5, $0x0  }
0x1f: {  	s9 =	smul.u32 $0xF7A, s1;
	s8 =	simm.s32 @!p0 $0x1BF5;
	p2 =	por !p2, p0  }
0x20: {  	[sflag:s8] =	ssyncset.s32 @!p0 $0xFFFFF086;
	s6 =	sadd.s32 @!p0 s3, s7;
	s7 =	simm.s32 @!p0 $0x108  }
0x21: {  	s3 =	sadd.s32 s3, s9;
	s6 =	sadd.s32 @!p0 $0x88, s6;
	s7 =	simm.s32 @p2 $0x1082  }
0x22: {  	[simem:s7], [sflag:s8] =	dma.local @!p0 [hbm:s6], $0xF7A  }
0x23: {  	s9 =	sor.u32 $0xD0000000, s2;
	s6 =	simm.s32 $0x108;
	_ =	swait.ge @!p0 [sflag:s8], $0x0  }
0x24: {  	s3 =	sadd.s32 $0x88, s3;
	s6 =	simm.s32 @!p1 $0x1082;
	[sflag:s4] =	ssyncset.s32 $0xFFFFF086  }
0x25: {  	[simem:s6], [sflag:s4] =	dma.local [hbm:s3], $0xF7A  }
0x26: {  	[smem:$0x3F97] =	sst s1;
	(tag) =	ssettag s2;
	_ =	strace s9  }
0x27: {  	s1 =	sld [smem:$0x3FA7]  }
0x28: {  	s2 =	sld [smem:$0x3FA8]  }
0x29: {  	s4 =	sld [smem:$0x3FAA]  }
0x2a: {  	p0 =	seq.s32 s5, $0x0;
	s5 =	sld [smem:$0x3FAB]  }
0x2b: {  	s6 =	sld [smem:$0x3FAC]  }
0x2c: {  	s7 =	sld [smem:$0x3FAD]  }
0x2d: {  	s3 =	simm.s32 $0x108;
	s8 =	sld [smem:$0x3FAE]  }
0x2e: {  	s3 =	simm.s32 @!p0 $0x1082;
	s9 =	sld [smem:$0x3FAF]  }
0x2f: {  	lr =	sadd.s32 s0, s3;
	s0 =	sld [smem:$0x3FA6]  }
0x30: {  	s3 =	sld [smem:$0x3FA9]  }
0x31: {  	[smem:$0x3FB2] =	sst s10  }
0x32: {  	s10 =	sld [smem:$0x3FB0];
	_ =	sdelay $0x3  }
0x33: {  	p0 =	seq.s32 s10, $0x1;
	s10 =	sld [smem:$0x3FB2];
	_ =	sdelay $0x3  }
0x34: {  	[smem:$0x3FB2] =	sst s10  }
0x35: {  	s10 =	sld [smem:$0x3FB1];
	_ =	sdelay $0x3  }
0x36: {  	p1 =	seq.s32 s10, $0x1;
	s10 =	sld [smem:$0x3FB2];
	_ =	sdelay $0x3  }
0x37: {  	[smem:$0x3FB2] =	sst s10  }
0x38: {  	s10 =	sld [smem:$0x3FB3]  }
0x39: {  	_ = 	snop;
	(pc) =	sbr.ind lr, $3  }
0x3a: {  	_ = 	snop  }
0x3b: {  	_ = 	snop  }
0x3c: {  	p2 =	seq.s32 s10, $0x1;
	s10 =	sld [smem:$0x3FB2]  }
0x3d: {  	_ =	shalt  }
0x3e: {  	_ =	shalt  }
0x3f: {  	_ =	shalt  }
0x40: {  	_ =	shalt  }
0x41: {  	_ =	shalt  }
0x42: {  	_ =	shalt  }
0x43: {  	_ =	shalt  }
0x44: {  	_ =	shalt  }
0x45: {  	_ =	shalt  }
0x46: {  	_ =	shalt  }
0x47: {  	_ =	shalt  }
0x48: {  	_ =	shalt  }
0x49: {  	_ =	shalt  }
0x4a: {  	_ =	shalt  }
0x4b: {  	_ =	shalt  }
0x4c: {  	_ =	shalt  }
0x4d: {  	_ =	shalt  }
0x4e: {  	_ =	shalt  }
0x4f: {  	_ =	shalt  }
0x50: {  	_ =	shalt  }
0x51: {  	_ =	shalt  }
0x52: {  	_ =	shalt  }
0x53: {  	_ =	shalt  }
0x54: {  	_ =	shalt  }
0x55: {  	_ =	shalt  }
0x56: {  	_ =	shalt  }
0x57: {  	_ =	shalt  }
0x58: {  	_ =	shalt  }
0x59: {  	_ =	shalt  }
0x5a: {  	_ =	shalt  }
0x5b: {  	_ =	shalt  }
0x5c: {  	_ =	shalt  }
0x5d: {  	_ =	shalt  }
0x5e: {  	_ =	shalt  }
0x5f: {  	_ =	shalt  }
0x60: {  	_ =	shalt  }
0x61: {  	_ =	shalt  }
0x62: {  	_ =	shalt  }
0x63: {  	_ =	shalt  }
0x64: {  	_ =	shalt  }
0x65: {  	_ =	shalt  }
0x66: {  	_ =	shalt  }
0x67: {  	_ =	shalt  }
0x68: {  	_ =	shalt  }
0x69: {  	_ =	shalt  }
0x6a: {  	_ =	shalt  }
0x6b: {  	_ =	shalt  }
0x6c: {  	_ =	shalt  }
0x6d: {  	_ =	shalt  }
0x6e: {  	_ =	shalt  }
0x6f: {  	_ =	shalt  }
0x70: {  	_ =	shalt  }
0x71: {  	_ =	shalt  }
0x72: {  	_ =	shalt  }
0x73: {  	_ =	shalt  }
0x74: {  	_ =	shalt  }
0x75: {  	_ =	shalt  }
0x76: {  	_ =	shalt  }
0x77: {  	_ =	shalt  }
0x78: {  	_ =	shalt  }
0x79: {  	_ =	shalt  }
0x7a: {  	_ =	shalt  }
0x7b: {  	_ =	shalt  }
0x7c: {  	_ =	shalt  }
0x7d: {  	_ =	shalt  }
0x7e: {  	_ =	shalt  }
0x7f: {  	_ =	shalt  }
0x80: {  	_ =	shalt  }
0x81: {  	_ =	shalt  }
0x82: {  	_ =	shalt  }
0x83: {  	_ =	shalt  }
0x84: {  	_ =	shalt  }
0x85: {  	_ =	shalt  }
0x86: {  	_ =	shalt  }
0x87: {  	_ =	shalt  }
.Lfunc_end0:
.L_simem_size_0:
called_computation.3_lowered:
.L_overlay_start_0:
0x88: {  	s2 =	sld [smem:$0x3FD9]  }
0x89: {  	s3 =	sld [smem:$0x3FFE];
	_ =	sdelay $0x1  }
0x8a: {  	s1 =	srdreg.scid  }
0x8b: {  	s0 =	sand.u32 $0x1, s1  }
0x8c: {  	s14 =	sshll.u32 s0, $0xA;
	s2 =	sadd.s32 s3, s2  }
0x8d: {  	s2 =	sadd.s32 s2, s14  }
0x8e: {  	[smem:$0x3FBE] =	sst s2  }
0x8f: {  	_ = 	snop  }
0x90: {  	s2 =	sld [smem:$0x3FD0];
	_ =	sdelay $0x2  }
0x91: {  	s15 =	simm.s32 $0xA;
	s4 =	simm.s32 $0x10  }
0x92: {  	[smem:s4], [sflag:s15] =	dma.local [hbm:s2], $0x1  }
0x93: {  	_ =	swait.eq [sflag:s15], $0x1  }
0x94: {  	[sflag:s15] =	ssyncset.done $0x0  }
0x95: {  	[sflag:s15] =	ssyncadd.s32 $0xFFFFFFFF  }
0x96: {  	s16 =	sld [smem:$0x10];
	(tm) =	ssettm $0x1  }
0x97: {  	s17 =	sld [smem:$0x3FFB];
	_ =	sdelay $0x3  }
0x98: {  	_ =	strace s17  }
0x99: {  	s3 =	sld [smem:$0x3FFC];
	_ =	sdelay $0x3  }
0x9a: {  	_ =	strace s3  }
0x9b: {  	s3 =	sld [smem:$0x3FFD];
	_ =	sdelay $0x3  }
0x9c: {  	_ =	strace s3  }
0x9d: {  	_ =	strace $0x8FFFFFFF  }
0x9e: {  	s18 =	sld [smem:$0x3FDB];
	_ =	sdelay $0x1  }
0x9f: {  	s19 =	simm.s32 $_scs_section_size  }
0xa0: {  	s5 =	simm.s32 $_size__tile_overlayer_lowered;
	s6 =	simm.s32 $_tile_overlayer_lowered  }
0xa1: {  	s22 =	simm.s32 $0x1BFF;
	s21 =	sshll.u32 s6, $0x1;
	s3 =	sadd.s32 s19, s18  }
0xa2: {  	s7 =	simm.s32 $0x0;
	s20 =	sshll.u32 s5, $0x1;
	s5 =	sadd.s32 s21, s3  }
0xa3: {  	[timem:s7], [sflag:s22] =	dma.local [hbm:s5], s20  }
0xa4: {  	_ =	swait.ge [sflag:s22], s20  }
0xa5: {  	s4 =	ssub.s32 $0x0, s20;
	[sflag:s22] =	ssyncset.done $0x0  }
0xa6: {  	[sflag:s22] =	ssyncadd.s32 s4;
	_ =	sdelay $0x1  }
0xa7: {  	s23 =	simm.s32 $0x1B8B  }
0xa8: {  	_ =	swait.ge [sflag:s23], $0x1  }
0xa9: {  	[sflag:s23] =	ssyncset.done $0x0  }
0xaa: {  	s25 =	simm.s32 $0x1B8E;
	s24 =	sld [smem:$0x3FFE];
	[sflag:s23] =	ssyncadd.s32 $0xFFFFFFFF  }
0xab: {  	s26 =	simm.s32 $execute0_lowered;
	[smem:$0x3FD2] =	sst s25  }
0xac: {  	s5 =	sshll.u32 s26, $0x1;
	_ =	strace $0x8000004F;
	[dreg:$0x1] =	wrdreg $0xFFFFFFFF  }
0xad: {  	s28 =	simm.s32 $_size_execute0_lowered;
	s3 =	sadd.s32 s3, s5;
	[dreg:$0x0] =	wrdreg $0x0  }
0xae: {  	s5 =	sshll.u32 s28, $0x1;
	[dreg:$0x2] =	wrdreg s3  }
0xaf: {  	[dreg:$0x3] =	wrdreg s5  }
0xb0: {  	[dreg:$0x4] =	wrdreg $0xC0  }
0xb1: {  	_ =	task [dreg:s7], $0x5FFFF  }
0xb2: {  	[dreg:$0x1] =	wrdreg $0xFFFFFFFF  }
0xb3: {  	[dreg:$0x0] =	wrdreg $0x60  }
0xb4: {  	[dreg:$0x2] =	wrdreg s16  }
0xb5: {  	[dreg:$0x3] =	wrdreg s24  }
0xb6: {  	[dreg:$0x4] =	wrdreg $0x90000  }
0xb7: {  	[dreg:$0x5] =	wrdreg $0x9  }
0xb8: {  	_ =	task.clear_ibuf [dreg:s7], $0x6FFFF;
	_ =	strace $0x9000004F  }
0xb9: {  	s29 =	simm.s32 $0x9;
	_ =	strace $0x80000051  }
0xba: {  	_ =	swait.ge [sflag:s29], $0x1  }
0xbb: {  	[sflag:s29] =	ssyncadd.s32 $0xFFFFFFFF  }
0xbc: {  	_ =	strace $0x90000051  }
0xbd: {  	_ =	sfence  }
0xbe: {  	s30 =	sld [smem:$0x0];
	_ =	sdelay $0x2  }
0xbf: {  	s31 =	sshll.u32 s1, $0xD;
	s1 =	sshrl.u32 s1, $0x2  }
0xc0: {  	s3 =	sand.u32 $0x4000, s31;
	s1 =	sadd.s32 s1, s30  }
0xc1: {  	s0 =	sor.u32 s3, s0;
	s1 =	sshll.u32 s1, $0x11  }
0xc2: {  	s0 =	sor.u32 s1, s0  }
0xc3: {  	s0 =	sadd.s32 $0x8F2B, s0  }
0xc4: {  	[sflag:s0] =	ssyncadd.remote.s32 $0x1  }
0xc5: {  	_ =	sfence.sel $0xFFFF  }
0xc6: {  	[dreg:$0x0] =	wrdreg $0xFFFFFFFF;
	(pc) =	sbr.abs _section_cstart, $3  }
0xc7: {  	[dreg:$0x1] =	wrdreg $0xFFFFFFFF  }
0xc8: {  	_ =	task.clear_ibuf [dreg:s7], $0x2FFFF;
	_ =	strace $0x9FFFFFFF  }
0xc9: {  	(tm) =	ssettm $0x7FFFFFFF  }
tec
execute0_lowered:
.L_overlay_start_1:
0x0: {  	(tag) =	ssettag $0x1  }
0x1: {  	s6 =	rddreg [dreg:$0x0]  }
0x2: {  	s5 =	rddreg [dreg:$0x1]  }
0x3: {  	s1 =	rddreg [dreg:$0x2]  }
0x4: {  	s0 =	rddreg [dreg:$0x3]  }
0x5: {  	s3 =	simm.s32 $0x0;
	s2 =	srdreg.scid;
	s15 =	simm.s32 $0x80  }
0x6: {  	s16 =	simm.s32 $0x6800;
	s17 =	simm.s32 $0x1;
	s18 =	simm.s32 $0x2  }
0x7: {  	s19 =	simm.s32 $0x3F00;
	[smem:$0x7FF] =	sst s3;
	s7 =	sand.u32 $0x1, s2  }
0x8: {  	s20 =	simm.s32 $0x3F80;
	s2 =	stileid.u32;
	s4 =	smul.u32 $0x27100, s7  }
0x9: {  	_ =	strace $0x80000050;
	s8 =	sshll.u32 s2, $0xB;
	s9 =	smul.u32 $0x27800, s7  }
0xa: {  	s12 =	smul.u32 $0x4F000, s2;
	s31 =	ssub.s32 $0x2, s7;
	s13 =	sshll.u32 s2, $0x6  }
0xb: {  	s24 =	smul.u32 $0x2780, s2;
	s10 =	sadd.s32 s8, s5;
	s7 =	sshrl.u32 s31, $0x1  }
0xc: {  	s6 =	sadd.s32 s6, s8;
	s11 =	sadd.s32 s4, s5;
	s4 =	sadd.s32 $0x2600, s5  }
0xd: {  	s9 =	sadd.s32 s9, s5;
	s12 =	sshrl.u32 s12, $0x2;
	s14 =	ssub.s32 s31, s7  }
0xe: {  	s5 =	sor.u32 $0x1C03, s13;
	s7 =	sadd.s32 $0x53E00, s10;
	s13 =	simm.s32 $0x50  }
0xf: {  	s21 =	sadd.s32 $0x400, s6;
	s12 =	sadd.s32 s12, s1;
	s8 =	sadd.s32 $0x4E00, s11  }
0x10: {  	s23 =	sadd.s32 $0x5BE00, s9;
	s9 =	smax.u32 s14, $0x1;
	s11 =	simm.s32 $0x3  }
0x11: {  	s14 =	simm.s32 $0x4000;
	s22 =	sadd.s32 $0x400, s7;
	s10 =	sshrl.u32 s12, $0x3  }
0x12: {  	s12 =	simm.s32 $0x2000;
	s23 =	sadd.s32 s24, s23;
	s24 =	simm.s32 $0x0  }
.LBB2_1:
0x13: {  	[spmem:s10], [sflag:s5] =	dma.local [hbm:s4], $0x2780  }
0x14: {  	_ =	swait.ge [sflag:s11], $0x2780  }
0x15: {  	[sflag:s11] =	ssyncset.done $0x0  }
0x16: {  	[sflag:s11] =	ssyncadd.s32 $0xFFFFD880  }
0x17: {  	[bflag:$0x0] =	sbarrier.arrive $0xFFFF  }
0x18: {  	[tilespmem:s3], [sflag:$0x3] =	stream.linear.gather [hbm4b:s6+s3], $0x2000, $0x38;
	[tilespmem:$0x1CC00] =	vst v63  }
0x19: {  	_ =	swait.ge [sflag:s11], $0x2000  }
0x1a: {  	[sflag:s11] =	ssyncset.done $0x0  }
0x1b: {  	[sflag:s11] =	ssyncadd.s32 $0xFFFFE000  }
0x1c: {  	[tilespmem:s12], [sflag:$0x3] =	stream.linear.gather [hbm4b:s7+s3], $0x2000, $0x38;
	[tilespmem:$0x1CC00] =	vst v63  }
0x1d: {  	_ =	swait.ge [sflag:s11], $0x2000  }
0x1e: {  	[sflag:s11] =	ssyncset.done $0x0  }
0x1f: {  	[sflag:s11] =	ssyncadd.s32 $0xFFFFE000  }
0x20: {  	[tilespmem:s14], [sflag:$0x1] =	stream.indirect.gather [hbm4b:s8+s13], $0x80, s3, s13, $0xb8;
	[tilespmem:$0x1CC00] =	vst v63  }
0x21: {  	_ = 	snop  }
0x22: {  	[tilespmem:s16], [sflag:$0x2] =	stream.indirect.gather [hbm4b:s8+s13], $0x80, s15, s13, $0xb8;
	[tilespmem:$0x1CC00] =	vst v63  }
0x23: {  	_ =	swait.ge [sflag:s17], $0x2800  }
0x24: {  	[sflag:s17] =	ssyncset.done $0x0  }
0x25: {  	s25 =	simm.s32 $0x2000;
	[sflag:s17] =	ssyncadd.s32 $0xFFFFD800  }
0x26: {  	[spmem:s1] =	stream.indirect.scatter.add.f32 [tilespmem:s14], [sflag:$0x3], $0x80, s25, s13, $0xb8;
	[tilespmem:$0x1CC00] =	vst v63  }
0x27: {  	_ =	swait.ge [sflag:s11], $0x2800  }
0x28: {  	[sflag:s11] =	ssyncset.done $0x0  }
0x29: {  	s30 =	simm.s32 $0x100;
	[sflag:s11] =	ssyncadd.s32 $0xFFFFD800  }
0x2a: {  	[tilespmem:s14], [sflag:$0x1] =	stream.indirect.gather [hbm4b:s8+s13], $0x80, s30, s13, $0xb8;
	[tilespmem:$0x1CC00] =	vst v63  }
0x2b: {  	_ =	swait.ge [sflag:s18], $0x2800  }
0x2c: {  	[sflag:s18] =	ssyncset.done $0x0  }
0x2d: {  	s31 =	simm.s32 $0x2080;
	[sflag:s18] =	ssyncadd.s32 $0xFFFFD800  }
0x2e: {  	[spmem:s1] =	stream.indirect.scatter.add.f32 [tilespmem:s16], [sflag:$0x3], $0x80, s31, s13, $0xb8;
	[tilespmem:$0x1CC00] =	vst v63  }
0x2f: {  	_ =	swait.ge [sflag:s11], $0x2800  }
0x30: {  	[sflag:s11] =	ssyncset.done $0x0  }
0x31: {  	s26 =	simm.s32 $0x180;
	s25 =	simm.s32 $0x400;
	[sflag:s11] =	ssyncadd.s32 $0xFFFFD800  }
.LBB2_2:
0x32: {  	[tilespmem:s16], [sflag:$0x2] =	stream.indirect.gather [hbm4b:s8+s13], $0x80, s26, s13, $0xb8;
	[tilespmem:$0x1CC00] =	vst v63  }
0x33: {  	s26 =	smov.u32 s25  }
0x34: {  	p0 =	sne.s32 s25, $0x7800;
	s25 =	sadd.s32 $0x400, s25;
	_ =	swait.ge [sflag:s17], $0x2800  }
0x35: {  	s26 =	sshra.s32 s26, $0x2;
	[sflag:s17] =	ssyncset.done $0x0  }
0x36: {  	s28 =	sadd.s32 $0x2000, s26;
	[sflag:s17] =	ssyncadd.s32 $0xFFFFD800  }
0x37: {  	[spmem:s1] =	stream.indirect.scatter.add.f32 [tilespmem:s14], [sflag:$0x3], $0x80, s28, s13, $0xb8;
	[tilespmem:$0x1CC00] =	vst v63  }
0x38: {  	_ =	swait.ge [sflag:s11], $0x2800  }
0x39: {  	[sflag:s11] =	ssyncset.done $0x0  }
0x3a: {  	s28 =	sadd.s32 $0x100, s26;
	[sflag:s11] =	ssyncadd.s32 $0xFFFFD800  }
0x3b: {  	[tilespmem:s14], [sflag:$0x1] =	stream.indirect.gather [hbm4b:s8+s13], $0x80, s28, s13, $0xb8;
	[tilespmem:$0x1CC00] =	vst v63  }
0x3c: {  	_ =	swait.ge [sflag:s18], $0x2800  }
0x3d: {  	[sflag:s18] =	ssyncset.done $0x0  }
.Ltmp0:
0x3e: {  	s28 =	sadd.s32 $0x2080, s26;
	[sflag:s18] =	ssyncadd.s32 $0xFFFFD800;
	(pc) =	sbr.rel @p0 .LBB2_2-.Ltmp0, $4  }
0x3f: {  	[spmem:s1] =	stream.indirect.scatter.add.f32 [tilespmem:s16], [sflag:$0x3], $0x80, s28, s13, $0xb8;
	[tilespmem:$0x1CC00] =	vst v63  }
0x40: {  	_ =	swait.ge [sflag:s11], $0x2800  }
0x41: {  	[sflag:s11] =	ssyncset.done $0x0  }
0x42: {  	s26 =	sadd.s32 $0x180, s26;
	[sflag:s11] =	ssyncadd.s32 $0xFFFFD800  }
0x43: {  	[tilespmem:s16], [sflag:$0x2] =	stream.indirect.gather [hbm4b:s8+s13], $0x80, s26, s13, $0xb8;
	[tilespmem:$0x1CC00] =	vst v63  }
0x44: {  	_ =	swait.ge [sflag:s17], $0x2800  }
0x45: {  	[sflag:s17] =	ssyncset.done $0x0  }
0x46: {  	[sflag:s17] =	ssyncadd.s32 $0xFFFFD800  }
0x47: {  	[spmem:s1] =	stream.indirect.scatter.add.f32 [tilespmem:s14], [sflag:$0x3], $0x80, s19, s13, $0xb8;
	[tilespmem:$0x1CC00] =	vst v63  }
0x48: {  	_ =	swait.ge [sflag:s11], $0x2800  }
0x49: {  	[sflag:s11] =	ssyncset.done $0x0  }
0x4a: {  	[sflag:s11] =	ssyncadd.s32 $0xFFFFD800  }
0x4b: {  	_ =	swait.ge [sflag:s18], $0x2800  }
0x4c: {  	[sflag:s18] =	ssyncset.done $0x0  }
0x4d: {  	[sflag:s18] =	ssyncadd.s32 $0xFFFFD800  }
0x4e: {  	[spmem:s1] =	stream.indirect.scatter.add.f32 [tilespmem:s16], [sflag:$0x3], $0x80, s20, s13, $0xb8;
	[tilespmem:$0x1CC00] =	vst v63  }
0x4f: {  	_ =	swait.ge [sflag:s11], $0x2800  }
0x50: {  	[sflag:s11] =	ssyncset.done $0x0  }
0x51: {  	s25 =	simm.s32 $0x0;
	[sflag:s11] =	ssyncadd.s32 $0xFFFFD800  }
0x52: {  	[tilespmem:s25], [sflag:$0x3] =	stream.linear.gather [hbm4b:s21+s25], $0x2000, $0x38;
	[tilespmem:$0x1CC00] =	vst v63  }
0x53: {  	_ =	swait.ge [sflag:s11], $0x2000  }
0x54: {  	[sflag:s11] =	ssyncset.done $0x0  }
0x55: {  	[sflag:s11] =	ssyncadd.s32 $0xFFFFE000  }
0x56: {  	[tilespmem:s12], [sflag:$0x3] =	stream.linear.gather [hbm4b:s22+s25], $0x2000, $0x38;
	[tilespmem:$0x1CC00] =	vst v63  }
0x57: {  	_ =	swait.ge [sflag:s11], $0x2000  }
0x58: {  	[sflag:s11] =	ssyncset.done $0x0  }
0x59: {  	[sflag:s11] =	ssyncadd.s32 $0xFFFFE000  }
0x5a: {  	[tilespmem:s14], [sflag:$0x1] =	stream.indirect.gather [hbm4b:s8+s13], $0x80, s25, s13, $0xb8;
	[tilespmem:$0x1CC00] =	vst v63  }
0x5b: {  	_ = 	snop  }
0x5c: {  	[tilespmem:s16], [sflag:$0x2] =	stream.indirect.gather [hbm4b:s8+s13], $0x80, s15, s13, $0xb8;
	[tilespmem:$0x1CC00] =	vst v63  }
0x5d: {  	_ =	swait.ge [sflag:s17], $0x2800  }
0x5e: {  	[sflag:s17] =	ssyncset.done $0x0  }
0x5f: {  	s29 =	simm.s32 $0x2000;
	[sflag:s17] =	ssyncadd.s32 $0xFFFFD800  }
0x60: {  	[spmem:s1] =	stream.indirect.scatter.add.f32 [tilespmem:s14], [sflag:$0x3], $0x80, s29, s13, $0xb8;
	[tilespmem:$0x1CC00] =	vst v63  }
0x61: {  	_ =	swait.ge [sflag:s11], $0x2800  }
0x62: {  	[sflag:s11] =	ssyncset.done $0x0  }
0x63: {  	s30 =	simm.s32 $0x100;
	[sflag:s11] =	ssyncadd.s32 $0xFFFFD800  }
0x64: {  	[tilespmem:s14], [sflag:$0x1] =	stream.indirect.gather [hbm4b:s8+s13], $0x80, s30, s13, $0xb8;
	[tilespmem:$0x1CC00] =	vst v63  }
0x65: {  	_ =	swait.ge [sflag:s18], $0x2800  }
0x66: {  	[sflag:s18] =	ssyncset.done $0x0  }
0x67: {  	s31 =	simm.s32 $0x2080;
	[sflag:s18] =	ssyncadd.s32 $0xFFFFD800  }
0x68: {  	[spmem:s1] =	stream.indirect.scatter.add.f32 [tilespmem:s16], [sflag:$0x3], $0x80, s31, s13, $0xb8;
	[tilespmem:$0x1CC00] =	vst v63  }
0x69: {  	_ =	swait.ge [sflag:s11], $0x2800  }
0x6a: {  	[sflag:s11] =	ssyncset.done $0x0  }
0x6b: {  	s26 =	simm.s32 $0x180;
	s25 =	simm.s32 $0x400;
	[sflag:s11] =	ssyncadd.s32 $0xFFFFD800  }
.LBB2_4:
0x6c: {  	[tilespmem:s16], [sflag:$0x2] =	stream.indirect.gather [hbm4b:s8+s13], $0x80, s26, s13, $0xb8;
	[tilespmem:$0x1CC00] =	vst v63  }
0x6d: {  	s26 =	smov.u32 s25  }
0x6e: {  	p0 =	sne.s32 s25, $0x7800;
	s25 =	sadd.s32 $0x400, s25;
	_ =	swait.ge [sflag:s17], $0x2800  }
0x6f: {  	s26 =	sshra.s32 s26, $0x2;
	[sflag:s17] =	ssyncset.done $0x0  }
0x70: {  	s28 =	sadd.s32 $0x2000, s26;
	[sflag:s17] =	ssyncadd.s32 $0xFFFFD800  }
0x71: {  	[spmem:s1] =	stream.indirect.scatter.add.f32 [tilespmem:s14], [sflag:$0x3], $0x80, s28, s13, $0xb8;
	[tilespmem:$0x1CC00] =	vst v63  }
0x72: {  	_ =	swait.ge [sflag:s11], $0x2800  }
0x73: {  	[sflag:s11] =	ssyncset.done $0x0  }
0x74: {  	s28 =	sadd.s32 $0x100, s26;
	[sflag:s11] =	ssyncadd.s32 $0xFFFFD800  }
0x75: {  	[tilespmem:s14], [sflag:$0x1] =	stream.indirect.gather [hbm4b:s8+s13], $0x80, s28, s13, $0xb8;
	[tilespmem:$0x1CC00] =	vst v63  }
0x76: {  	_ =	swait.ge [sflag:s18], $0x2800  }
0x77: {  	[sflag:s18] =	ssyncset.done $0x0  }
.Ltmp1:
0x78: {  	s28 =	sadd.s32 $0x2080, s26;
	[sflag:s18] =	ssyncadd.s32 $0xFFFFD800;
	(pc) =	sbr.rel @p0 .LBB2_4-.Ltmp1, $4  }
0x79: {  	[spmem:s1] =	stream.indirect.scatter.add.f32 [tilespmem:s16], [sflag:$0x3], $0x80, s28, s13, $0xb8;
	[tilespmem:$0x1CC00] =	vst v63  }
0x7a: {  	_ =	swait.ge [sflag:s11], $0x2800  }
0x7b: {  	[sflag:s11] =	ssyncset.done $0x0  }
0x7c: {  	s26 =	sadd.s32 $0x180, s26;
	[sflag:s11] =	ssyncadd.s32 $0xFFFFD800  }
0x7d: {  	[tilespmem:s16], [sflag:$0x2] =	stream.indirect.gather [hbm4b:s8+s13], $0x80, s26, s13, $0xb8;
	[tilespmem:$0x1CC00] =	vst v63  }
0x7e: {  	_ =	swait.ge [sflag:s17], $0x2800  }
0x7f: {  	[sflag:s17] =	ssyncset.done $0x0  }
0x80: {  	[sflag:s17] =	ssyncadd.s32 $0xFFFFD800  }
0x81: {  	[spmem:s1] =	stream.indirect.scatter.add.f32 [tilespmem:s14], [sflag:$0x3], $0x80, s19, s13, $0xb8;
	[tilespmem:$0x1CC00] =	vst v63  }
0x82: {  	_ =	swait.ge [sflag:s11], $0x2800  }
0x83: {  	[sflag:s11] =	ssyncset.done $0x0  }
0x84: {  	[sflag:s11] =	ssyncadd.s32 $0xFFFFD800  }
0x85: {  	_ =	swait.ge [sflag:s18], $0x2800  }
0x86: {  	[sflag:s18] =	ssyncset.done $0x0  }
0x87: {  	[sflag:s18] =	ssyncadd.s32 $0xFFFFD800  }
0x88: {  	[spmem:s1] =	stream.indirect.scatter.add.f32 [tilespmem:s16], [sflag:$0x3], $0x80, s20, s13, $0xb8;
	[tilespmem:$0x1CC00] =	vst v63  }
0x89: {  	_ =	swait.ge [sflag:s11], $0x2800  }
0x8a: {  	s24 =	sadd.s32 $0x1, s24;
	[sflag:s11] =	ssyncset.done $0x0  }
0x8b: {  	p0 =	sne.s32 s24, s9;
	[sflag:s11] =	ssyncadd.s32 $0xFFFFD800  }
.Ltmp2:
0x8c: {  	[bflag:$0x0] =	sbarrier.arrive $0xFFFF;
	(pc) =	sbr.rel @p0 .LBB2_1-.Ltmp2, $4  }
0x8d: {  	[hbm:s23], [sflag:s5] =	dma.local [spmem:s10], $0x2780  }
0x8e: {  	_ =	swait.ge [sflag:s11], $0x2780  }
0x8f: {  	[sflag:s11] =	ssyncset.done $0x0  }
0x90: {  	[sflag:s11] =	ssyncadd.s32 $0xFFFFD880  }
0x91: {  	_ =	sfence.sel $0x180000  }
0x92: {  	[bflag:$0x0] =	sbarrier.arrive $0xFFFF  }
0x93: {  	p0 =	sne.s32 s2, $0x0;
	_ =	strace $0x90000050  }
0x94: {  	s0 =	sadd.s32 @!p0 $0x100000, s0;
	[bflag:$0x2] =	sbarrier.arrive $0xFFFF  }
0x95: {  	[sflag:s0] =	ssyncadd.tile.s32 @!p0 $0x1;
	_ =	shalt  }
.Lfunc_end2:
_tile_overlayer_lowered:
.L_overlay_start_2:
0x96: {  	(tag) =	ssettag $0x2  }
0x97: {  	s0 =	rddreg [dreg:$0x0];
	s2 =	stileid.u32  }
0x98: {  	s1 =	rddreg [dreg:$0x1];
	p0 =	sne.s32 s2, $0x0  }
0x99: {  	s3 =	rddreg [dreg:$0x2];
	[bflag:$0x3] =	sbarrier.arrive $0xFFFF;
	s2 =	simm.s32 @!p0 $0x1C03  }
0x9a: {  	[timem:s3], [sflag:s2] =	dma.local @!p0 [hbm:s0], s1  }
0x9b: {  	s0 =	simm.s32 @!p0 $0x3  }
0x9c: {  	_ =	swait.ge @!p0 [sflag:s0], s1  }
0x9d: {  	s1 =	ssub.s32 @!p0 $0x0, s1;
	[sflag:s0] =	ssyncset.done @!p0 $0x0  }
0x9e: {  	[sflag:s0] =	ssyncadd.s32 @!p0 s1  }
0x9f: {  	[bflag:$0x3] =	sbarrier.arrive $0xFFFF  }
0xa0: {  	_ =	shalt  }

</sc_bundles>
